<compile_context>
chip_gen: v7x
topology: tpu7x:2x2x1
jax: 0.10.2.dev20260603
libtpu: 0.0.44.dev20260713+nightly
codegen_flags: <defaults>
</compile_context>

<pallas_src>
import functools
import math

import numpy as np
import jax
import jax.numpy as jnp
from jax import lax
from jax.experimental import pallas as pl
from jax.experimental.pallas import tpu as pltpu
from jax.experimental.pallas import tpu_sc as plsc

_NW = 32
_CHUNK = 224
_NBUF = 3
_SPP = 7


def _pair_rows(num_images: int, n: int):
    block = n + n * (n - 1) // 2
    rows = []
    rel = [[], []]
    for i in range(num_images):
        begin = i * block
        cur = 0
        for o1 in range(n):
            for o2 in range(o1 + 1, n):
                rows.append([begin + o1, begin + o2, begin + n + cur])
                rel[0].append(o1)
                rel[1].append(o2)
                cur += 1
    return (np.asarray(rows, dtype=np.int32),
            np.asarray(rel, dtype=np.int32))


@functools.cache
def _build_gather(V: int, C: int, B: int, nw: int, n_phases: int,
                  cpr: int, n: int, num_images: int, img_block: int,
                  slab_rows: int, P: int, HW: int):
    n_cache = _SPP * num_images * n
    reg = P * HW
    phase_rows = _SPP * P
    mesh = plsc.VectorSubcoreMesh(core_axis_name="c", subcore_axis_name="s")
    cpp = 3 * cpr
    n_chunks = n_phases * cpp

    @functools.partial(
        pl.kernel,
        mesh=mesh,
        out_type=jax.ShapeDtypeStruct((B, C), jnp.float32),
        scratch_types=(
            [pltpu.VMEM((n_chunks * _CHUNK,), jnp.int32)]
            + [pltpu.VMEM((_CHUNK, C), jnp.float32)] * _NBUF
            + [pltpu.VMEM_SHARED((n_cache, C), jnp.float32)] * 2
            + [pltpu.SemaphoreType.DMA] * (2 * _NBUF + 1)
        ),
    )
    def gather_k(table_hbm, idx_hbm, out_hbm, idx_v, *rest):
        rows = rest[:_NBUF]
        caches = rest[_NBUF:_NBUF + 2]
        sg = rest[_NBUF + 2:2 * _NBUF + 2]
        ss = rest[2 * _NBUF + 2:3 * _NBUF + 2]
        st_sem = rest[3 * _NBUF + 2]
        ssid = lax.axis_index("s")
        wid = ssid * 2 + lax.axis_index("c")

        pltpu.sync_copy(idx_hbm.at[wid], idx_v)

        def stage(t):
            st = []
            for k in range(_SPP):
                src = ssid * img_block + (_SPP * t + k) * slab_rows
                dst = ssid * n + k * (num_images * n)
                st.append(pltpu.async_copy(
                    table_hbm.at[pl.ds(src, n)],
                    caches[t % 2].at[pl.ds(dst, n)], st_sem))
            return st

        slots = ([(2, q) for q in range(cpr)]
                 + [(0, q) for q in range(cpr)]
                 + [(1, q) for q in range(cpr)])
        jmax = n_phases * cpp

        def gather(j):
            t, m = j // cpp, j % cpp
            src = table_hbm if m < cpr else caches[t % 2]
            idx_slice = idx_v.at[pl.ds(j * _CHUNK, _CHUNK)]
            return pltpu.async_copy(
                src.at[idx_slice], rows[j % _NBUF], sg[j % _NBUF])

        def scatter(j):
            t, m = j // cpp, j % cpp
            region, q = slots[m]
            off = (region * reg + t * phase_rows
                   + (cpr * wid + q) * _CHUNK)
            return pltpu.async_copy(
                rows[j % _NBUF], out_hbm.at[pl.ds(off, _CHUNK)],
                ss[j % _NBUF])

        g = {}
        s = [None] * _NBUF
        st_handles = stage(0)

        @pl.when(wid < nw)
        def _():
            for j in range(min(2, cpr)):
                g[j] = gather(j)

        for t in range(n_phases):
            for h in st_handles:
                h.wait()
            plsc.subcore_barrier()
            st_handles = stage(t + 1) if t + 1 < n_phases else []

            @pl.when(wid < nw)
            def _(t=t):
                for m in range(cpp):
                    j = t * cpp + m
                    jn = j + 2
                    if jn < jmax:
                        nb = jn % _NBUF
                        if s[nb] is not None:
                            s[nb].wait()
                            s[nb] = None
                        g[jn] = gather(jn)
                    g.pop(j).wait()
                    s[j % _NBUF] = scatter(j)
                for b in range(_NBUF):
                    if s[b] is not None:
                        s[b].wait()
                        s[b] = None

    return gather_k


def kernel(roi_pooled_feats, obj_num):
    num_images = obj_num.shape[0]
    total, C, H, W = roi_pooled_feats.shape
    per_image = total // num_images
    n = (math.isqrt(8 * per_image + 1) - 1) // 2
    idx_pc, rel_np = _pair_rows(num_images, n)
    P = idx_pc.shape[0]
    HW = H * W
    ppi = P // num_images
    B = 3 * HW * P

    nw = 30
    assert HW % _SPP == 0 and num_images == 16 and n % 8 == 0
    n_phases = HW // _SPP
    phase_rows = _SPP * P
    assert phase_rows % (_CHUNK * nw) == 0
    cpr = phase_rows // (_CHUNK * nw)
    cpp = 3 * cpr

    p_of = np.arange(P, dtype=np.int32)
    img = p_of // ppi
    obj01 = idx_pc[:, :2].T - img[None, :] * per_image

    assert cpr >= 2
    slots = ([(2, q) for q in range(cpr)]
             + [(0, q) for q in range(cpr)]
             + [(1, q) for q in range(cpr)])
    idx = np.empty((nw, n_phases * cpp, _CHUNK), dtype=np.int32)
    for t in range(n_phases):
        for m in range(cpp):
            region, q = slots[m]
            for w in range(nw):
                u0 = (cpr * w + q) * _CHUNK
                u = u0 + np.arange(_CHUNK)
                k = u // P
                p = u % P
                if region < 2:
                    idx[w, t * cpp + m] = ((k * num_images + img[p]) * n
                                           + obj01[region, p])
                else:
                    s = _SPP * t + k
                    idx[w, t * cpp + m] = s * total + idx_pc[p, 2]
    idx = idx.reshape(nw, -1)
    idx = np.concatenate(
        [idx, np.zeros((_NW - nw, idx.shape[1]), np.int32)], axis=0)

    table = roi_pooled_feats.transpose(2, 3, 0, 1).reshape(HW * total, C)
    out = _build_gather(HW * total, C, B, nw, n_phases, cpr, n, num_images,
                        per_image, total, P, HW)(table, jnp.asarray(idx))
    paired = out.reshape(3, H, W, P, C).transpose(3, 0, 4, 1, 2)
    return paired, jnp.asarray(rel_np)

# --- scband reference (transcript-rebuilt; emitter-appended) ---
"""Pipeline reference for scband-roi-pairer-88313117540565 (READ-ONLY COPY).

The authoritative reference and input builder live on the scoring server;
editing this copy changes nothing except your own understanding.
"""

import jax, jax.numpy as jnp
import numpy as np
import math

NUM_IMAGES = 16
OBJS_PER_IMAGE = 16
C, H, W = 128, 7, 7


def _pair_indices(obj_num_list):
    # Replicates _ObjPairLayer's ragged pairing: for each image with n objects,
    # the feature block is [n single-object feats, n*(n-1)/2 union feats].
    # Pair p=(o1,o2), o1<o2, gathers rows (o1, o2, n + pair_counter).
    idx_rows = []
    begin = 0
    for n in obj_num_list:
        block = n + n * (n - 1) // 2
        if n > 1:
            cur = 0
            for o1 in range(n):
                for o2 in range(o1 + 1, n):
                    idx_rows.append([begin + o1, begin + o2, begin + n + cur])
                    cur += 1
        begin += block
    return np.asarray(idx_rows, dtype=np.int32)


def _relation_indices(obj_num_list):
    # np.vstack(np.triu_indices(n, 1)) per image, concatenated along pairs axis
    outs = [np.vstack(np.triu_indices(n, 1)).astype(np.int32) for n in obj_num_list if n > 1]
    return np.concatenate(outs, axis=1) if outs else np.zeros((2, 0), dtype=np.int32)


def setup_inputs(seed: int = 0) -> dict:
    key = jax.random.key(seed)
    obj_num = np.full(NUM_IMAGES, OBJS_PER_IMAGE, dtype=np.int64)
    total = int(np.sum(obj_num + obj_num * (obj_num - 1) // 2))  # 16*(16+120)=2176
    roi_pooled_feats = jax.random.normal(key, (total, C, H, W), dtype=jnp.float32)
    return {"roi_pooled_feats": roi_pooled_feats, "obj_num": jnp.asarray(obj_num)}


def reference(roi_pooled_feats, obj_num):
    # obj_num describes a uniform ragged layout; recover it statically from
    # shapes: each image contributes n + n*(n-1)/2 = n*(n+1)/2 rows, so solve
    # n*(n+1)/2 = per_image for n with an exact integer square root.
    num_images = obj_num.shape[0]
    per_image = roi_pooled_feats.shape[0] // num_images
    n = (math.isqrt(8 * per_image + 1) - 1) // 2
    obj_list = [n] * num_images
    idx = jnp.asarray(_pair_indices(obj_list))  # [P, 3]
    # memory-bound ragged gather: BS*N(N-1)/2 x 3 x C x H x W
    paired_feats = jnp.take(roi_pooled_feats, idx, axis=0)
    relation_indices = jnp.asarray(_relation_indices(obj_list))
    return paired_feats, relation_indices

if __name__ == "__main__":
    import jax
    _d = setup_inputs()
    print(jax.jit(kernel)(*tuple(_d.values())))

</pallas_src>

<mosaic_0001>
#map = affine_map<(d0, d1) -> (0, 0)>
module attributes {stable_mosaic.version = 14 : i64} {
  func.func @gather_k(%arg0: i32, %arg1: i32, %arg2: memref<106624x128xf32, #tpu.memory_space<hbm>>, %arg3: memref<32x9408xi32, #tpu.memory_space<hbm>>, %arg4: memref<282240x128xf32, #tpu.memory_space<hbm>>, %arg5: memref<9408xi32, #tpu.memory_space<vmem>>, %arg6: memref<224x128xf32, #tpu.memory_space<vmem>>, %arg7: memref<224x128xf32, #tpu.memory_space<vmem>>, %arg8: memref<224x128xf32, #tpu.memory_space<vmem>>, %arg9: memref<1792x128xf32, #tpu.memory_space<vmem_shared>>, %arg10: memref<1792x128xf32, #tpu.memory_space<vmem_shared>>, %arg11: memref<!tpu.dma_semaphore, #tpu.memory_space<semaphore_mem>>, %arg12: memref<!tpu.dma_semaphore, #tpu.memory_space<semaphore_mem>>, %arg13: memref<!tpu.dma_semaphore, #tpu.memory_space<semaphore_mem>>, %arg14: memref<!tpu.dma_semaphore, #tpu.memory_space<semaphore_mem>>, %arg15: memref<!tpu.dma_semaphore, #tpu.memory_space<semaphore_mem>>, %arg16: memref<!tpu.dma_semaphore, #tpu.memory_space<semaphore_mem>>, %arg17: memref<!tpu.dma_semaphore, #tpu.memory_space<semaphore_mem>>) attributes {dimension_semantics = [#tpu.dimension_semantics<core_parallel>, #tpu.dimension_semantics<subcore_parallel>], iteration_bounds = array<i64: 2, 16>, scalar_prefetch = 0 : i64, scratch_operands = 13 : i64, tpu.core_type = #tpu.core_type<sc_vector_subcore>, window_params = [{transform_indices = #map}, {transform_indices = #map}, {transform_indices = #map}]} {
    %mul3A = arith.constant 2 : i32
    %mul3A_0 = arith.muli %arg1, %mul3A : i32
    %add3A = arith.addi %mul3A_0, %arg0 : i32
    "tpu.region"() ({
      %run_scoped3A = tpu.sem_alloc : memref<!tpu.dma_semaphore, #tpu.memory_space<semaphore_mem>>
      %dma_start3A_826 = arith.constant 0 : i32
      %dma_start3A_827 = tpu.memref_slice %arg3[%add3A, %dma_start3A_826] : memref<32x9408xi32, #tpu.memory_space<hbm>> -> memref<1x9408xi32, #tpu.memory_space<hbm>>
      %dma_start3A_828 = tpu.memref_squeeze %dma_start3A_827 : memref<1x9408xi32, #tpu.memory_space<hbm>> -> memref<9408xi32, #tpu.memory_space<hbm>>
      %dma_start3A_829 = arith.constant 0 : i32
      %dma_start3A_830 = tpu.memref_slice %arg3[%add3A, %dma_start3A_829] : memref<32x9408xi32, #tpu.memory_space<hbm>> -> memref<1x9408xi32, #tpu.memory_space<hbm>>
      %dma_start3A_831 = tpu.memref_squeeze %dma_start3A_830 : memref<1x9408xi32, #tpu.memory_space<hbm>> -> memref<9408xi32, #tpu.memory_space<hbm>>
      tpu.enqueue_dma source(%dma_start3A_831 : memref<9408xi32, #tpu.memory_space<hbm>>) target(%arg5 : memref<9408xi32, #tpu.memory_space<vmem>>) target_semaphore(%run_scoped3A : memref<!tpu.dma_semaphore, #tpu.memory_space<semaphore_mem>>)
      %dma_wait3A_832 = arith.constant 0 : i32
      %dma_wait3A_833 = tpu.memref_slice %arg3[%add3A, %dma_wait3A_832] : memref<32x9408xi32, #tpu.memory_space<hbm>> -> memref<1x9408xi32, #tpu.memory_space<hbm>>
      %dma_wait3A_834 = tpu.memref_squeeze %dma_wait3A_833 : memref<1x9408xi32, #tpu.memory_space<hbm>> -> memref<9408xi32, #tpu.memory_space<hbm>>
      %dma_wait3A_835 = arith.constant 0 : i32
      %dma_wait3A_836 = tpu.memref_slice %arg3[%add3A, %dma_wait3A_835] : memref<32x9408xi32, #tpu.memory_space<hbm>> -> memref<1x9408xi32, #tpu.memory_space<hbm>>
      %dma_wait3A_837 = tpu.memref_squeeze %dma_wait3A_836 : memref<1x9408xi32, #tpu.memory_space<hbm>> -> memref<9408xi32, #tpu.memory_space<hbm>>
      tpu.wait_dma2 semaphore(%run_scoped3A : memref<!tpu.dma_semaphore, #tpu.memory_space<semaphore_mem>>) src(%dma_wait3A_837 : memref<9408xi32, #tpu.memory_space<hbm>>) dst(%arg5 : memref<9408xi32, #tpu.memory_space<vmem>>)
      tpu.yield
    }) : () -> ()
    %mul3A_1 = arith.constant 136 : i32
    %mul3A_2 = arith.muli %arg1, %mul3A_1 : i32
    %add3A_3 = arith.constant 0 : i32
    %add3A_4 = arith.addi %mul3A_2, %add3A_3 : i32
    %mul3A_5 = arith.constant 16 : i32
    %mul3A_6 = arith.muli %arg1, %mul3A_5 : i32
    %add3A_7 = arith.constant 0 : i32
    %add3A_8 = arith.addi %mul3A_6, %add3A_7 : i32
    %dma_start3A = arith.constant 0 : i32
    %dma_start3A_9 = tpu.memref_slice %arg9[%add3A_8, %dma_start3A] : memref<1792x128xf32, #tpu.memory_space<vmem_shared>> -> memref<16x128xf32, #tpu.memory_space<vmem_shared>>
    %dma_start3A_10 = arith.constant 0 : i32
    %dma_start3A_11 = tpu.memref_slice %arg2[%add3A_4, %dma_start3A_10] : memref<106624x128xf32, #tpu.memory_space<hbm>> -> memref<16x128xf32, #tpu.memory_space<hbm>>
    tpu.enqueue_dma source(%dma_start3A_11 : memref<16x128xf32, #tpu.memory_space<hbm>>) target(%dma_start3A_9 : memref<16x128xf32, #tpu.memory_space<vmem_shared>>) target_semaphore(%arg17 : memref<!tpu.dma_semaphore, #tpu.memory_space<semaphore_mem>>)
    %mul3A_12 = arith.constant 136 : i32
    %mul3A_13 = arith.muli %arg1, %mul3A_12 : i32
    %add3A_14 = arith.constant 2176 : i32
    %add3A_15 = arith.addi %mul3A_13, %add3A_14 : i32
    %mul3A_16 = arith.constant 16 : i32
    %mul3A_17 = arith.muli %arg1, %mul3A_16 : i32
    %add3A_18 = arith.constant 256 : i32
    %add3A_19 = arith.addi %mul3A_17, %add3A_18 : i32
    %dma_start3A_20 = arith.constant 0 : i32
    %dma_start3A_21 = tpu.memref_slice %arg9[%add3A_19, %dma_start3A_20] : memref<1792x128xf32, #tpu.memory_space<vmem_shared>> -> memref<16x128xf32, #tpu.memory_space<vmem_shared>>
    %dma_start3A_22 = arith.constant 0 : i32
    %dma_start3A_23 = tpu.memref_slice %arg2[%add3A_15, %dma_start3A_22] : memref<106624x128xf32, #tpu.memory_space<hbm>> -> memref<16x128xf32, #tpu.memory_space<hbm>>
    tpu.enqueue_dma source(%dma_start3A_23 : memref<16x128xf32, #tpu.memory_space<hbm>>) target(%dma_start3A_21 : memref<16x128xf32, #tpu.memory_space<vmem_shared>>) target_semaphore(%arg17 : memref<!tpu.dma_semaphore, #tpu.memory_space<semaphore_mem>>)
    %mul3A_24 = arith.constant 136 : i32
    %mul3A_25 = arith.muli %arg1, %mul3A_24 : i32
    %add3A_26 = arith.constant 4352 : i32
    %add3A_27 = arith.addi %mul3A_25, %add3A_26 : i32
    %mul3A_28 = arith.constant 16 : i32
    %mul3A_29 = arith.muli %arg1, %mul3A_28 : i32
    %add3A_30 = arith.constant 512 : i32
    %add3A_31 = arith.addi %mul3A_29, %add3A_30 : i32
    %dma_start3A_32 = arith.constant 0 : i32
    %dma_start3A_33 = tpu.memref_slice %arg9[%add3A_31, %dma_start3A_32] : memref<1792x128xf32, #tpu.memory_space<vmem_shared>> -> memref<16x128xf32, #tpu.memory_space<vmem_shared>>
    %dma_start3A_34 = arith.constant 0 : i32
    %dma_start3A_35 = tpu.memref_slice %arg2[%add3A_27, %dma_start3A_34] : memref<106624x128xf32, #tpu.memory_space<hbm>> -> memref<16x128xf32, #tpu.memory_space<hbm>>
    tpu.enqueue_dma source(%dma_start3A_35 : memref<16x128xf32, #tpu.memory_space<hbm>>) target(%dma_start3A_33 : memref<16x128xf32, #tpu.memory_space<vmem_shared>>) target_semaphore(%arg17 : memref<!tpu.dma_semaphore, #tpu.memory_space<semaphore_mem>>)
    %mul3A_36 = arith.constant 136 : i32
    %mul3A_37 = arith.muli %arg1, %mul3A_36 : i32
    %add3A_38 = arith.constant 6528 : i32
    %add3A_39 = arith.addi %mul3A_37, %add3A_38 : i32
    %mul3A_40 = arith.constant 16 : i32
    %mul3A_41 = arith.muli %arg1, %mul3A_40 : i32
    %add3A_42 = arith.constant 768 : i32
    %add3A_43 = arith.addi %mul3A_41, %add3A_42 : i32
    %dma_start3A_44 = arith.constant 0 : i32
    %dma_start3A_45 = tpu.memref_slice %arg9[%add3A_43, %dma_start3A_44] : memref<1792x128xf32, #tpu.memory_space<vmem_shared>> -> memref<16x128xf32, #tpu.memory_space<vmem_shared>>
    %dma_start3A_46 = arith.constant 0 : i32
    %dma_start3A_47 = tpu.memref_slice %arg2[%add3A_39, %dma_start3A_46] : memref<106624x128xf32, #tpu.memory_space<hbm>> -> memref<16x128xf32, #tpu.memory_space<hbm>>
    tpu.enqueue_dma source(%dma_start3A_47 : memref<16x128xf32, #tpu.memory_space<hbm>>) target(%dma_start3A_45 : memref<16x128xf32, #tpu.memory_space<vmem_shared>>) target_semaphore(%arg17 : memref<!tpu.dma_semaphore, #tpu.memory_space<semaphore_mem>>)
    %mul3A_48 = arith.constant 136 : i32
    %mul3A_49 = arith.muli %arg1, %mul3A_48 : i32
    %add3A_50 = arith.constant 8704 : i32
    %add3A_51 = arith.addi %mul3A_49, %add3A_50 : i32
    %mul3A_52 = arith.constant 16 : i32
    %mul3A_53 = arith.muli %arg1, %mul3A_52 : i32
    %add3A_54 = arith.constant 1024 : i32
    %add3A_55 = arith.addi %mul3A_53, %add3A_54 : i32
    %dma_start3A_56 = arith.constant 0 : i32
    %dma_start3A_57 = tpu.memref_slice %arg9[%add3A_55, %dma_start3A_56] : memref<1792x128xf32, #tpu.memory_space<vmem_shared>> -> memref<16x128xf32, #tpu.memory_space<vmem_shared>>
    %dma_start3A_58 = arith.constant 0 : i32
    %dma_start3A_59 = tpu.memref_slice %arg2[%add3A_51, %dma_start3A_58] : memref<106624x128xf32, #tpu.memory_space<hbm>> -> memref<16x128xf32, #tpu.memory_space<hbm>>
    tpu.enqueue_dma source(%dma_start3A_59 : memref<16x128xf32, #tpu.memory_space<hbm>>) target(%dma_start3A_57 : memref<16x128xf32, #tpu.memory_space<vmem_shared>>) target_semaphore(%arg17 : memref<!tpu.dma_semaphore, #tpu.memory_space<semaphore_mem>>)
    %mul3A_60 = arith.constant 136 : i32
    %mul3A_61 = arith.muli %arg1, %mul3A_60 : i32
    %add3A_62 = arith.constant 10880 : i32
    %add3A_63 = arith.addi %mul3A_61, %add3A_62 : i32
    %mul3A_64 = arith.constant 16 : i32
    %mul3A_65 = arith.muli %arg1, %mul3A_64 : i32
    %add3A_66 = arith.constant 1280 : i32
    %add3A_67 = arith.addi %mul3A_65, %add3A_66 : i32
    %dma_start3A_68 = arith.constant 0 : i32
    %dma_start3A_69 = tpu.memref_slice %arg9[%add3A_67, %dma_start3A_68] : memref<1792x128xf32, #tpu.memory_space<vmem_shared>> -> memref<16x128xf32, #tpu.memory_space<vmem_shared>>
    %dma_start3A_70 = arith.constant 0 : i32
    %dma_start3A_71 = tpu.memref_slice %arg2[%add3A_63, %dma_start3A_70] : memref<106624x128xf32, #tpu.memory_space<hbm>> -> memref<16x128xf32, #tpu.memory_space<hbm>>
    tpu.enqueue_dma source(%dma_start3A_71 : memref<16x128xf32, #tpu.memory_space<hbm>>) target(%dma_start3A_69 : memref<16x128xf32, #tpu.memory_space<vmem_shared>>) target_semaphore(%arg17 : memref<!tpu.dma_semaphore, #tpu.memory_space<semaphore_mem>>)
    %mul3A_72 = arith.constant 136 : i32
    %mul3A_73 = arith.muli %arg1, %mul3A_72 : i32
    %add3A_74 = arith.constant 13056 : i32
    %add3A_75 = arith.addi %mul3A_73, %add3A_74 : i32
    %mul3A_76 = arith.constant 16 : i32
    %mul3A_77 = arith.muli %arg1, %mul3A_76 : i32
    %add3A_78 = arith.constant 1536 : i32
    %add3A_79 = arith.addi %mul3A_77, %add3A_78 : i32
    %dma_start3A_80 = arith.constant 0 : i32
    %dma_start3A_81 = tpu.memref_slice %arg9[%add3A_79, %dma_start3A_80] : memref<1792x128xf32, #tpu.memory_space<vmem_shared>> -> memref<16x128xf32, #tpu.memory_space<vmem_shared>>
    %dma_start3A_82 = arith.constant 0 : i32
    %dma_start3A_83 = tpu.memref_slice %arg2[%add3A_75, %dma_start3A_82] : memref<106624x128xf32, #tpu.memory_space<hbm>> -> memref<16x128xf32, #tpu.memory_space<hbm>>
    tpu.enqueue_dma source(%dma_start3A_83 : memref<16x128xf32, #tpu.memory_space<hbm>>) target(%dma_start3A_81 : memref<16x128xf32, #tpu.memory_space<vmem_shared>>) target_semaphore(%arg17 : memref<!tpu.dma_semaphore, #tpu.memory_space<semaphore_mem>>)
    %lt3A = arith.constant 30 : i32
    %lt3A_84 = arith.cmpi slt, %add3A, %lt3A : i32
    %convert_element_type3A = arith.extui %lt3A_84 : i1 to i32
    %cond3A = arith.constant 0 : i32
    %cond3A_85 = arith.cmpi ne, %convert_element_type3A, %cond3A : i32
    scf.if %cond3A_85 {
      %dma_start3A_826 = arith.constant 0 : i32
      %dma_start3A_827 = tpu.memref_slice %arg5[%dma_start3A_826] : memref<9408xi32, #tpu.memory_space<vmem>> -> memref<224xi32, #tpu.memory_space<vmem>>
      %dma_start3A_828 = arith.constant 0 : i32
      %dma_start3A_829 = arith.constant 0 : i32
      %dma_start3A_830 = tpu.memref_slice %arg2[%dma_start3A_828, %dma_start3A_829] : memref<106624x128xf32, #tpu.memory_space<hbm>> -> memref<106624x128xf32, #tpu.memory_space<hbm>>
      tpu.enqueue_indirect_dma source(%dma_start3A_830 : memref<106624x128xf32, #tpu.memory_space<hbm>>) target(%arg6 : memref<224x128xf32, #tpu.memory_space<vmem>>) offsets(%dma_start3A_827 : memref<224xi32, #tpu.memory_space<vmem>>) semaphore(%arg11 : memref<!tpu.dma_semaphore, #tpu.memory_space<semaphore_mem>>)
      %dma_start3A_831 = arith.constant 224 : i32
      %dma_start3A_832 = tpu.memref_slice %arg5[%dma_start3A_831] : memref<9408xi32, #tpu.memory_space<vmem>> -> memref<224xi32, #tpu.memory_space<vmem>>
      %dma_start3A_833 = arith.constant 0 : i32
      %dma_start3A_834 = arith.constant 0 : i32
      %dma_start3A_835 = tpu.memref_slice %arg2[%dma_start3A_833, %dma_start3A_834] : memref<106624x128xf32, #tpu.memory_space<hbm>> -> memref<106624x128xf32, #tpu.memory_space<hbm>>
      tpu.enqueue_indirect_dma source(%dma_start3A_835 : memref<106624x128xf32, #tpu.memory_space<hbm>>) target(%arg7 : memref<224x128xf32, #tpu.memory_space<vmem>>) offsets(%dma_start3A_832 : memref<224xi32, #tpu.memory_space<vmem>>) semaphore(%arg12 : memref<!tpu.dma_semaphore, #tpu.memory_space<semaphore_mem>>)
    } else {
    }
    %dma_wait3A = arith.constant 0 : i32
    %dma_wait3A_86 = tpu.memref_slice %arg9[%add3A_8, %dma_wait3A] : memref<1792x128xf32, #tpu.memory_space<vmem_shared>> -> memref<16x128xf32, #tpu.memory_space<vmem_shared>>
    %dma_wait3A_87 = arith.constant 0 : i32
    %dma_wait3A_88 = tpu.memref_slice %arg2[%add3A_4, %dma_wait3A_87] : memref<106624x128xf32, #tpu.memory_space<hbm>> -> memref<16x128xf32, #tpu.memory_space<hbm>>
    tpu.wait_dma2 semaphore(%arg17 : memref<!tpu.dma_semaphore, #tpu.memory_space<semaphore_mem>>) src(%dma_wait3A_88 : memref<16x128xf32, #tpu.memory_space<hbm>>) dst(%dma_wait3A_86 : memref<16x128xf32, #tpu.memory_space<vmem_shared>>)
    %dma_wait3A_89 = arith.constant 0 : i32
    %dma_wait3A_90 = tpu.memref_slice %arg9[%add3A_19, %dma_wait3A_89] : memref<1792x128xf32, #tpu.memory_space<vmem_shared>> -> memref<16x128xf32, #tpu.memory_space<vmem_shared>>
    %dma_wait3A_91 = arith.constant 0 : i32
    %dma_wait3A_92 = tpu.memref_slice %arg2[%add3A_15, %dma_wait3A_91] : memref<106624x128xf32, #tpu.memory_space<hbm>> -> memref<16x128xf32, #tpu.memory_space<hbm>>
    tpu.wait_dma2 semaphore(%arg17 : memref<!tpu.dma_semaphore, #tpu.memory_space<semaphore_mem>>) src(%dma_wait3A_92 : memref<16x128xf32, #tpu.memory_space<hbm>>) dst(%dma_wait3A_90 : memref<16x128xf32, #tpu.memory_space<vmem_shared>>)
    %dma_wait3A_93 = arith.constant 0 : i32
    %dma_wait3A_94 = tpu.memref_slice %arg9[%add3A_31, %dma_wait3A_93] : memref<1792x128xf32, #tpu.memory_space<vmem_shared>> -> memref<16x128xf32, #tpu.memory_space<vmem_shared>>
    %dma_wait3A_95 = arith.constant 0 : i32
    %dma_wait3A_96 = tpu.memref_slice %arg2[%add3A_27, %dma_wait3A_95] : memref<106624x128xf32, #tpu.memory_space<hbm>> -> memref<16x128xf32, #tpu.memory_space<hbm>>
    tpu.wait_dma2 semaphore(%arg17 : memref<!tpu.dma_semaphore, #tpu.memory_space<semaphore_mem>>) src(%dma_wait3A_96 : memref<16x128xf32, #tpu.memory_space<hbm>>) dst(%dma_wait3A_94 : memref<16x128xf32, #tpu.memory_space<vmem_shared>>)
    %dma_wait3A_97 = arith.constant 0 : i32
    %dma_wait3A_98 = tpu.memref_slice %arg9[%add3A_43, %dma_wait3A_97] : memref<1792x128xf32, #tpu.memory_space<vmem_shared>> -> memref<16x128xf32, #tpu.memory_space<vmem_shared>>
    %dma_wait3A_99 = arith.constant 0 : i32
    %dma_wait3A_100 = tpu.memref_slice %arg2[%add3A_39, %dma_wait3A_99] : memref<106624x128xf32, #tpu.memory_space<hbm>> -> memref<16x128xf32, #tpu.memory_space<hbm>>
    tpu.wait_dma2 semaphore(%arg17 : memref<!tpu.dma_semaphore, #tpu.memory_space<semaphore_mem>>) src(%dma_wait3A_100 : memref<16x128xf32, #tpu.memory_space<hbm>>) dst(%dma_wait3A_98 : memref<16x128xf32, #tpu.memory_space<vmem_shared>>)
    %dma_wait3A_101 = arith.constant 0 : i32
    %dma_wait3A_102 = tpu.memref_slice %arg9[%add3A_55, %dma_wait3A_101] : memref<1792x128xf32, #tpu.memory_space<vmem_shared>> -> memref<16x128xf32, #tpu.memory_space<vmem_shared>>
    %dma_wait3A_103 = arith.constant 0 : i32
    %dma_wait3A_104 = tpu.memref_slice %arg2[%add3A_51, %dma_wait3A_103] : memref<106624x128xf32, #tpu.memory_space<hbm>> -> memref<16x128xf32, #tpu.memory_space<hbm>>
    tpu.wait_dma2 semaphore(%arg17 : memref<!tpu.dma_semaphore, #tpu.memory_space<semaphore_mem>>) src(%dma_wait3A_104 : memref<16x128xf32, #tpu.memory_space<hbm>>) dst(%dma_wait3A_102 : memref<16x128xf32, #tpu.memory_space<vmem_shared>>)
    %dma_wait3A_105 = arith.constant 0 : i32
    %dma_wait3A_106 = tpu.memref_slice %arg9[%add3A_67, %dma_wait3A_105] : memref<1792x128xf32, #tpu.memory_space<vmem_shared>> -> memref<16x128xf32, #tpu.memory_space<vmem_shared>>
    %dma_wait3A_107 = arith.constant 0 : i32
    %dma_wait3A_108 = tpu.memref_slice %arg2[%add3A_63, %dma_wait3A_107] : memref<106624x128xf32, #tpu.memory_space<hbm>> -> memref<16x128xf32, #tpu.memory_space<hbm>>
    tpu.wait_dma2 semaphore(%arg17 : memref<!tpu.dma_semaphore, #tpu.memory_space<semaphore_mem>>) src(%dma_wait3A_108 : memref<16x128xf32, #tpu.memory_space<hbm>>) dst(%dma_wait3A_106 : memref<16x128xf32, #tpu.memory_space<vmem_shared>>)
    %dma_wait3A_109 = arith.constant 0 : i32
    %dma_wait3A_110 = tpu.memref_slice %arg9[%add3A_79, %dma_wait3A_109] : memref<1792x128xf32, #tpu.memory_space<vmem_shared>> -> memref<16x128xf32, #tpu.memory_space<vmem_shared>>
    %dma_wait3A_111 = arith.constant 0 : i32
    %dma_wait3A_112 = tpu.memref_slice %arg2[%add3A_75, %dma_wait3A_111] : memref<106624x128xf32, #tpu.memory_space<hbm>> -> memref<16x128xf32, #tpu.memory_space<hbm>>
    tpu.wait_dma2 semaphore(%arg17 : memref<!tpu.dma_semaphore, #tpu.memory_space<semaphore_mem>>) src(%dma_wait3A_112 : memref<16x128xf32, #tpu.memory_space<hbm>>) dst(%dma_wait3A_110 : memref<16x128xf32, #tpu.memory_space<vmem_shared>>)
    %barrier3A = arith.constant 0 : index
    tpu.barrier barrier_id(%barrier3A)
    %mul3A_113 = arith.constant 136 : i32
    %mul3A_114 = arith.muli %arg1, %mul3A_113 : i32
    %add3A_115 = arith.constant 15232 : i32
    %add3A_116 = arith.addi %mul3A_114, %add3A_115 : i32
    %mul3A_117 = arith.constant 16 : i32
    %mul3A_118 = arith.muli %arg1, %mul3A_117 : i32
    %add3A_119 = arith.constant 0 : i32
    %add3A_120 = arith.addi %mul3A_118, %add3A_119 : i32
    %dma_start3A_121 = arith.constant 0 : i32
    %dma_start3A_122 = tpu.memref_slice %arg10[%add3A_120, %dma_start3A_121] : memref<1792x128xf32, #tpu.memory_space<vmem_shared>> -> memref<16x128xf32, #tpu.memory_space<vmem_shared>>
    %dma_start3A_123 = arith.constant 0 : i32
    %dma_start3A_124 = tpu.memref_slice %arg2[%add3A_116, %dma_start3A_123] : memref<106624x128xf32, #tpu.memory_space<hbm>> -> memref<16x128xf32, #tpu.memory_space<hbm>>
    tpu.enqueue_dma source(%dma_start3A_124 : memref<16x128xf32, #tpu.memory_space<hbm>>) target(%dma_start3A_122 : memref<16x128xf32, #tpu.memory_space<vmem_shared>>) target_semaphore(%arg17 : memref<!tpu.dma_semaphore, #tpu.memory_space<semaphore_mem>>)
    %mul3A_125 = arith.constant 136 : i32
    %mul3A_126 = arith.muli %arg1, %mul3A_125 : i32
    %add3A_127 = arith.constant 17408 : i32
    %add3A_128 = arith.addi %mul3A_126, %add3A_127 : i32
    %mul3A_129 = arith.constant 16 : i32
    %mul3A_130 = arith.muli %arg1, %mul3A_129 : i32
    %add3A_131 = arith.constant 256 : i32
    %add3A_132 = arith.addi %mul3A_130, %add3A_131 : i32
    %dma_start3A_133 = arith.constant 0 : i32
    %dma_start3A_134 = tpu.memref_slice %arg10[%add3A_132, %dma_start3A_133] : memref<1792x128xf32, #tpu.memory_space<vmem_shared>> -> memref<16x128xf32, #tpu.memory_space<vmem_shared>>
    %dma_start3A_135 = arith.constant 0 : i32
    %dma_start3A_136 = tpu.memref_slice %arg2[%add3A_128, %dma_start3A_135] : memref<106624x128xf32, #tpu.memory_space<hbm>> -> memref<16x128xf32, #tpu.memory_space<hbm>>
    tpu.enqueue_dma source(%dma_start3A_136 : memref<16x128xf32, #tpu.memory_space<hbm>>) target(%dma_start3A_134 : memref<16x128xf32, #tpu.memory_space<vmem_shared>>) target_semaphore(%arg17 : memref<!tpu.dma_semaphore, #tpu.memory_space<semaphore_mem>>)
    %mul3A_137 = arith.constant 136 : i32
    %mul3A_138 = arith.muli %arg1, %mul3A_137 : i32
    %add3A_139 = arith.constant 19584 : i32
    %add3A_140 = arith.addi %mul3A_138, %add3A_139 : i32
    %mul3A_141 = arith.constant 16 : i32
    %mul3A_142 = arith.muli %arg1, %mul3A_141 : i32
    %add3A_143 = arith.constant 512 : i32
    %add3A_144 = arith.addi %mul3A_142, %add3A_143 : i32
    %dma_start3A_145 = arith.constant 0 : i32
    %dma_start3A_146 = tpu.memref_slice %arg10[%add3A_144, %dma_start3A_145] : memref<1792x128xf32, #tpu.memory_space<vmem_shared>> -> memref<16x128xf32, #tpu.memory_space<vmem_shared>>
    %dma_start3A_147 = arith.constant 0 : i32
    %dma_start3A_148 = tpu.memref_slice %arg2[%add3A_140, %dma_start3A_147] : memref<106624x128xf32, #tpu.memory_space<hbm>> -> memref<16x128xf32, #tpu.memory_space<hbm>>
    tpu.enqueue_dma source(%dma_start3A_148 : memref<16x128xf32, #tpu.memory_space<hbm>>) target(%dma_start3A_146 : memref<16x128xf32, #tpu.memory_space<vmem_shared>>) target_semaphore(%arg17 : memref<!tpu.dma_semaphore, #tpu.memory_space<semaphore_mem>>)
    %mul3A_149 = arith.constant 136 : i32
    %mul3A_150 = arith.muli %arg1, %mul3A_149 : i32
    %add3A_151 = arith.constant 21760 : i32
    %add3A_152 = arith.addi %mul3A_150, %add3A_151 : i32
    %mul3A_153 = arith.constant 16 : i32
    %mul3A_154 = arith.muli %arg1, %mul3A_153 : i32
    %add3A_155 = arith.constant 768 : i32
    %add3A_156 = arith.addi %mul3A_154, %add3A_155 : i32
    %dma_start3A_157 = arith.constant 0 : i32
    %dma_start3A_158 = tpu.memref_slice %arg10[%add3A_156, %dma_start3A_157] : memref<1792x128xf32, #tpu.memory_space<vmem_shared>> -> memref<16x128xf32, #tpu.memory_space<vmem_shared>>
    %dma_start3A_159 = arith.constant 0 : i32
    %dma_start3A_160 = tpu.memref_slice %arg2[%add3A_152, %dma_start3A_159] : memref<106624x128xf32, #tpu.memory_space<hbm>> -> memref<16x128xf32, #tpu.memory_space<hbm>>
    tpu.enqueue_dma source(%dma_start3A_160 : memref<16x128xf32, #tpu.memory_space<hbm>>) target(%dma_start3A_158 : memref<16x128xf32, #tpu.memory_space<vmem_shared>>) target_semaphore(%arg17 : memref<!tpu.dma_semaphore, #tpu.memory_space<semaphore_mem>>)
    %mul3A_161 = arith.constant 136 : i32
    %mul3A_162 = arith.muli %arg1, %mul3A_161 : i32
    %add3A_163 = arith.constant 23936 : i32
    %add3A_164 = arith.addi %mul3A_162, %add3A_163 : i32
    %mul3A_165 = arith.constant 16 : i32
    %mul3A_166 = arith.muli %arg1, %mul3A_165 : i32
    %add3A_167 = arith.constant 1024 : i32
    %add3A_168 = arith.addi %mul3A_166, %add3A_167 : i32
    %dma_start3A_169 = arith.constant 0 : i32
    %dma_start3A_170 = tpu.memref_slice %arg10[%add3A_168, %dma_start3A_169] : memref<1792x128xf32, #tpu.memory_space<vmem_shared>> -> memref<16x128xf32, #tpu.memory_space<vmem_shared>>
    %dma_start3A_171 = arith.constant 0 : i32
    %dma_start3A_172 = tpu.memref_slice %arg2[%add3A_164, %dma_start3A_171] : memref<106624x128xf32, #tpu.memory_space<hbm>> -> memref<16x128xf32, #tpu.memory_space<hbm>>
    tpu.enqueue_dma source(%dma_start3A_172 : memref<16x128xf32, #tpu.memory_space<hbm>>) target(%dma_start3A_170 : memref<16x128xf32, #tpu.memory_space<vmem_shared>>) target_semaphore(%arg17 : memref<!tpu.dma_semaphore, #tpu.memory_space<semaphore_mem>>)
    %mul3A_173 = arith.constant 136 : i32
    %mul3A_174 = arith.muli %arg1, %mul3A_173 : i32
    %add3A_175 = arith.constant 26112 : i32
    %add3A_176 = arith.addi %mul3A_174, %add3A_175 : i32
    %mul3A_177 = arith.constant 16 : i32
    %mul3A_178 = arith.muli %arg1, %mul3A_177 : i32
    %add3A_179 = arith.constant 1280 : i32
    %add3A_180 = arith.addi %mul3A_178, %add3A_179 : i32
    %dma_start3A_181 = arith.constant 0 : i32
    %dma_start3A_182 = tpu.memref_slice %arg10[%add3A_180, %dma_start3A_181] : memref<1792x128xf32, #tpu.memory_space<vmem_shared>> -> memref<16x128xf32, #tpu.memory_space<vmem_shared>>
    %dma_start3A_183 = arith.constant 0 : i32
    %dma_start3A_184 = tpu.memref_slice %arg2[%add3A_176, %dma_start3A_183] : memref<106624x128xf32, #tpu.memory_space<hbm>> -> memref<16x128xf32, #tpu.memory_space<hbm>>
    tpu.enqueue_dma source(%dma_start3A_184 : memref<16x128xf32, #tpu.memory_space<hbm>>) target(%dma_start3A_182 : memref<16x128xf32, #tpu.memory_space<vmem_shared>>) target_semaphore(%arg17 : memref<!tpu.dma_semaphore, #tpu.memory_space<semaphore_mem>>)
    %mul3A_185 = arith.constant 136 : i32
    %mul3A_186 = arith.muli %arg1, %mul3A_185 : i32
    %add3A_187 = arith.constant 28288 : i32
    %add3A_188 = arith.addi %mul3A_186, %add3A_187 : i32
    %mul3A_189 = arith.constant 16 : i32
    %mul3A_190 = arith.muli %arg1, %mul3A_189 : i32
    %add3A_191 = arith.constant 1536 : i32
    %add3A_192 = arith.addi %mul3A_190, %add3A_191 : i32
    %dma_start3A_193 = arith.constant 0 : i32
    %dma_start3A_194 = tpu.memref_slice %arg10[%add3A_192, %dma_start3A_193] : memref<1792x128xf32, #tpu.memory_space<vmem_shared>> -> memref<16x128xf32, #tpu.memory_space<vmem_shared>>
    %dma_start3A_195 = arith.constant 0 : i32
    %dma_start3A_196 = tpu.memref_slice %arg2[%add3A_188, %dma_start3A_195] : memref<106624x128xf32, #tpu.memory_space<hbm>> -> memref<16x128xf32, #tpu.memory_space<hbm>>
    tpu.enqueue_dma source(%dma_start3A_196 : memref<16x128xf32, #tpu.memory_space<hbm>>) target(%dma_start3A_194 : memref<16x128xf32, #tpu.memory_space<vmem_shared>>) target_semaphore(%arg17 : memref<!tpu.dma_semaphore, #tpu.memory_space<semaphore_mem>>)
    %lt3A_197 = arith.constant 30 : i32
    %lt3A_198 = arith.cmpi slt, %add3A, %lt3A_197 : i32
    %convert_element_type3A_199 = arith.extui %lt3A_198 : i1 to i32
    %cond3A_200 = arith.constant 0 : i32
    %cond3A_201 = arith.cmpi ne, %convert_element_type3A_199, %cond3A_200 : i32
    scf.if %cond3A_201 {
      %dma_start3A_826 = arith.constant 448 : i32
      %dma_start3A_827 = tpu.memref_slice %arg5[%dma_start3A_826] : memref<9408xi32, #tpu.memory_space<vmem>> -> memref<224xi32, #tpu.memory_space<vmem>>
      %dma_start3A_828 = arith.constant 0 : i32
      %dma_start3A_829 = arith.constant 0 : i32
      %dma_start3A_830 = tpu.memref_slice %arg9[%dma_start3A_828, %dma_start3A_829] : memref<1792x128xf32, #tpu.memory_space<vmem_shared>> -> memref<1792x128xf32, #tpu.memory_space<vmem_shared>>
      tpu.enqueue_indirect_dma source(%dma_start3A_830 : memref<1792x128xf32, #tpu.memory_space<vmem_shared>>) target(%arg8 : memref<224x128xf32, #tpu.memory_space<vmem>>) offsets(%dma_start3A_827 : memref<224xi32, #tpu.memory_space<vmem>>) semaphore(%arg13 : memref<!tpu.dma_semaphore, #tpu.memory_space<semaphore_mem>>)
      %dma_wait3A_831 = arith.constant 0 : i32
      %dma_wait3A_832 = tpu.memref_slice %arg5[%dma_wait3A_831] : memref<9408xi32, #tpu.memory_space<vmem>> -> memref<224xi32, #tpu.memory_space<vmem>>
      %dma_wait3A_833 = arith.constant 0 : i32
      %dma_wait3A_834 = arith.constant 0 : i32
      %dma_wait3A_835 = tpu.memref_slice %arg2[%dma_wait3A_833, %dma_wait3A_834] : memref<106624x128xf32, #tpu.memory_space<hbm>> -> memref<106624x128xf32, #tpu.memory_space<hbm>>
      tpu.wait_indirect_dma semaphore(%arg11 : memref<!tpu.dma_semaphore, #tpu.memory_space<semaphore_mem>>) src(%dma_wait3A_835 : memref<106624x128xf32, #tpu.memory_space<hbm>>) dst(%arg6 : memref<224x128xf32, #tpu.memory_space<vmem>>)
      %mul3A_836 = arith.constant 2 : i32
      %mul3A_837 = arith.muli %mul3A_836, %add3A : i32
      %add3A_838 = arith.constant 0 : i32
      %add3A_839 = arith.addi %mul3A_837, %add3A_838 : i32
      %mul3A_840 = arith.constant 224 : i32
      %mul3A_841 = arith.muli %add3A_839, %mul3A_840 : i32
      %add3A_842 = arith.constant 188160 : i32
      %add3A_843 = arith.addi %add3A_842, %mul3A_841 : i32
      %dma_start3A_844 = arith.constant 0 : i32
      %dma_start3A_845 = tpu.memref_slice %arg4[%add3A_843, %dma_start3A_844] : memref<282240x128xf32, #tpu.memory_space<hbm>> -> memref<224x128xf32, #tpu.memory_space<hbm>>
      %dma_start3A_846 = arith.constant 0 : i32
      %dma_start3A_847 = tpu.memref_slice %arg4[%add3A_843, %dma_start3A_846] : memref<282240x128xf32, #tpu.memory_space<hbm>> -> memref<224x128xf32, #tpu.memory_space<hbm>>
      tpu.enqueue_dma source(%arg6 : memref<224x128xf32, #tpu.memory_space<vmem>>) target(%dma_start3A_847 : memref<224x128xf32, #tpu.memory_space<hbm>>) target_semaphore(%arg14 : memref<!tpu.dma_semaphore, #tpu.memory_space<semaphore_mem>>)
      %dma_wait3A_848 = arith.constant 0 : i32
      %dma_wait3A_849 = tpu.memref_slice %arg4[%add3A_843, %dma_wait3A_848] : memref<282240x128xf32, #tpu.memory_space<hbm>> -> memref<224x128xf32, #tpu.memory_space<hbm>>
      %dma_wait3A_850 = arith.constant 0 : i32
      %dma_wait3A_851 = tpu.memref_slice %arg4[%add3A_843, %dma_wait3A_850] : memref<282240x128xf32, #tpu.memory_space<hbm>> -> memref<224x128xf32, #tpu.memory_space<hbm>>
      tpu.wait_dma2 semaphore(%arg14 : memref<!tpu.dma_semaphore, #tpu.memory_space<semaphore_mem>>) src(%arg6 : memref<224x128xf32, #tpu.memory_space<vmem>>) dst(%dma_wait3A_851 : memref<224x128xf32, #tpu.memory_space<hbm>>)
      %dma_start3A_852 = arith.constant 672 : i32
      %dma_start3A_853 = tpu.memref_slice %arg5[%dma_start3A_852] : memref<9408xi32, #tpu.memory_space<vmem>> -> memref<224xi32, #tpu.memory_space<vmem>>
      %dma_start3A_854 = arith.constant 0 : i32
      %dma_start3A_855 = arith.constant 0 : i32
      %dma_start3A_856 = tpu.memref_slice %arg9[%dma_start3A_854, %dma_start3A_855] : memref<1792x128xf32, #tpu.memory_space<vmem_shared>> -> memref<1792x128xf32, #tpu.memory_space<vmem_shared>>
      tpu.enqueue_indirect_dma source(%dma_start3A_856 : memref<1792x128xf32, #tpu.memory_space<vmem_shared>>) target(%arg6 : memref<224x128xf32, #tpu.memory_space<vmem>>) offsets(%dma_start3A_853 : memref<224xi32, #tpu.memory_space<vmem>>) semaphore(%arg11 : memref<!tpu.dma_semaphore, #tpu.memory_space<semaphore_mem>>)
      %dma_wait3A_857 = arith.constant 224 : i32
      %dma_wait3A_858 = tpu.memref_slice %arg5[%dma_wait3A_857] : memref<9408xi32, #tpu.memory_space<vmem>> -> memref<224xi32, #tpu.memory_space<vmem>>
      %dma_wait3A_859 = arith.constant 0 : i32
      %dma_wait3A_860 = arith.constant 0 : i32
      %dma_wait3A_861 = tpu.memref_slice %arg2[%dma_wait3A_859, %dma_wait3A_860] : memref<106624x128xf32, #tpu.memory_space<hbm>> -> memref<106624x128xf32, #tpu.memory_space<hbm>>
      tpu.wait_indirect_dma semaphore(%arg12 : memref<!tpu.dma_semaphore, #tpu.memory_space<semaphore_mem>>) src(%dma_wait3A_861 : memref<106624x128xf32, #tpu.memory_space<hbm>>) dst(%arg7 : memref<224x128xf32, #tpu.memory_space<vmem>>)
      %mul3A_862 = arith.constant 2 : i32
      %mul3A_863 = arith.muli %mul3A_862, %add3A : i32
      %add3A_864 = arith.constant 1 : i32
      %add3A_865 = arith.addi %mul3A_863, %add3A_864 : i32
      %mul3A_866 = arith.constant 224 : i32
      %mul3A_867 = arith.muli %add3A_865, %mul3A_866 : i32
      %add3A_868 = arith.constant 188160 : i32
      %add3A_869 = arith.addi %add3A_868, %mul3A_867 : i32
      %dma_start3A_870 = arith.constant 0 : i32
      %dma_start3A_871 = tpu.memref_slice %arg4[%add3A_869, %dma_start3A_870] : memref<282240x128xf32, #tpu.memory_space<hbm>> -> memref<224x128xf32, #tpu.memory_space<hbm>>
      %dma_start3A_872 = arith.constant 0 : i32
      %dma_start3A_873 = tpu.memref_slice %arg4[%add3A_869, %dma_start3A_872] : memref<282240x128xf32, #tpu.memory_space<hbm>> -> memref<224x128xf32, #tpu.memory_space<hbm>>
      tpu.enqueue_dma source(%arg7 : memref<224x128xf32, #tpu.memory_space<vmem>>) target(%dma_start3A_873 : memref<224x128xf32, #tpu.memory_space<hbm>>) target_semaphore(%arg15 : memref<!tpu.dma_semaphore, #tpu.memory_space<semaphore_mem>>)
      %dma_wait3A_874 = arith.constant 0 : i32
      %dma_wait3A_875 = tpu.memref_slice %arg4[%add3A_869, %dma_wait3A_874] : memref<282240x128xf32, #tpu.memory_space<hbm>> -> memref<224x128xf32, #tpu.memory_space<hbm>>
      %dma_wait3A_876 = arith.constant 0 : i32
      %dma_wait3A_877 = tpu.memref_slice %arg4[%add3A_869, %dma_wait3A_876] : memref<282240x128xf32, #tpu.memory_space<hbm>> -> memref<224x128xf32, #tpu.memory_space<hbm>>
      tpu.wait_dma2 semaphore(%arg15 : memref<!tpu.dma_semaphore, #tpu.memory_space<semaphore_mem>>) src(%arg7 : memref<224x128xf32, #tpu.memory_space<vmem>>) dst(%dma_wait3A_877 : memref<224x128xf32, #tpu.memory_space<hbm>>)
      %dma_start3A_878 = arith.constant 896 : i32
      %dma_start3A_879 = tpu.memref_slice %arg5[%dma_start3A_878] : memref<9408xi32, #tpu.memory_space<vmem>> -> memref<224xi32, #tpu.memory_space<vmem>>
      %dma_start3A_880 = arith.constant 0 : i32
      %dma_start3A_881 = arith.constant 0 : i32
      %dma_start3A_882 = tpu.memref_slice %arg9[%dma_start3A_880, %dma_start3A_881] : memref<1792x128xf32, #tpu.memory_space<vmem_shared>> -> memref<1792x128xf32, #tpu.memory_space<vmem_shared>>
      tpu.enqueue_indirect_dma source(%dma_start3A_882 : memref<1792x128xf32, #tpu.memory_space<vmem_shared>>) target(%arg7 : memref<224x128xf32, #tpu.memory_space<vmem>>) offsets(%dma_start3A_879 : memref<224xi32, #tpu.memory_space<vmem>>) semaphore(%arg12 : memref<!tpu.dma_semaphore, #tpu.memory_space<semaphore_mem>>)
      %dma_wait3A_883 = arith.constant 448 : i32
      %dma_wait3A_884 = tpu.memref_slice %arg5[%dma_wait3A_883] : memref<9408xi32, #tpu.memory_space<vmem>> -> memref<224xi32, #tpu.memory_space<vmem>>
      %dma_wait3A_885 = arith.constant 0 : i32
      %dma_wait3A_886 = arith.constant 0 : i32
      %dma_wait3A_887 = tpu.memref_slice %arg9[%dma_wait3A_885, %dma_wait3A_886] : memref<1792x128xf32, #tpu.memory_space<vmem_shared>> -> memref<1792x128xf32, #tpu.memory_space<vmem_shared>>
      tpu.wait_indirect_dma semaphore(%arg13 : memref<!tpu.dma_semaphore, #tpu.memory_space<semaphore_mem>>) src(%dma_wait3A_887 : memref<1792x128xf32, #tpu.memory_space<vmem_shared>>) dst(%arg8 : memref<224x128xf32, #tpu.memory_space<vmem>>)
      %mul3A_888 = arith.constant 2 : i32
      %mul3A_889 = arith.muli %mul3A_888, %add3A : i32
      %add3A_890 = arith.constant 0 : i32
      %add3A_891 = arith.addi %mul3A_889, %add3A_890 : i32
      %mul3A_892 = arith.constant 224 : i32
      %mul3A_893 = arith.muli %add3A_891, %mul3A_892 : i32
      %add3A_894 = arith.constant 0 : i32
      %add3A_895 = arith.addi %add3A_894, %mul3A_893 : i32
      %dma_start3A_896 = arith.constant 0 : i32
      %dma_start3A_897 = tpu.memref_slice %arg4[%add3A_895, %dma_start3A_896] : memref<282240x128xf32, #tpu.memory_space<hbm>> -> memref<224x128xf32, #tpu.memory_space<hbm>>
      %dma_start3A_898 = arith.constant 0 : i32
      %dma_start3A_899 = tpu.memref_slice %arg4[%add3A_895, %dma_start3A_898] : memref<282240x128xf32, #tpu.memory_space<hbm>> -> memref<224x128xf32, #tpu.memory_space<hbm>>
      tpu.enqueue_dma source(%arg8 : memref<224x128xf32, #tpu.memory_space<vmem>>) target(%dma_start3A_899 : memref<224x128xf32, #tpu.memory_space<hbm>>) target_semaphore(%arg16 : memref<!tpu.dma_semaphore, #tpu.memory_space<semaphore_mem>>)
      %dma_wait3A_900 = arith.constant 0 : i32
      %dma_wait3A_901 = tpu.memref_slice %arg4[%add3A_895, %dma_wait3A_900] : memref<282240x128xf32, #tpu.memory_space<hbm>> -> memref<224x128xf32, #tpu.memory_space<hbm>>
      %dma_wait3A_902 = arith.constant 0 : i32
      %dma_wait3A_903 = tpu.memref_slice %arg4[%add3A_895, %dma_wait3A_902] : memref<282240x128xf32, #tpu.memory_space<hbm>> -> memref<224x128xf32, #tpu.memory_space<hbm>>
      tpu.wait_dma2 semaphore(%arg16 : memref<!tpu.dma_semaphore, #tpu.memory_space<semaphore_mem>>) src(%arg8 : memref<224x128xf32, #tpu.memory_space<vmem>>) dst(%dma_wait3A_903 : memref<224x128xf32, #tpu.memory_space<hbm>>)
      %dma_start3A_904 = arith.constant 1120 : i32
      %dma_start3A_905 = tpu.memref_slice %arg5[%dma_start3A_904] : memref<9408xi32, #tpu.memory_space<vmem>> -> memref<224xi32, #tpu.memory_space<vmem>>
      %dma_start3A_906 = arith.constant 0 : i32
      %dma_start3A_907 = arith.constant 0 : i32
      %dma_start3A_908 = tpu.memref_slice %arg9[%dma_start3A_906, %dma_start3A_907] : memref<1792x128xf32, #tpu.memory_space<vmem_shared>> -> memref<1792x128xf32, #tpu.memory_space<vmem_shared>>
      tpu.enqueue_indirect_dma source(%dma_start3A_908 : memref<1792x128xf32, #tpu.memory_space<vmem_shared>>) target(%arg8 : memref<224x128xf32, #tpu.memory_space<vmem>>) offsets(%dma_start3A_905 : memref<224xi32, #tpu.memory_space<vmem>>) semaphore(%arg13 : memref<!tpu.dma_semaphore, #tpu.memory_space<semaphore_mem>>)
      %dma_wait3A_909 = arith.constant 672 : i32
      %dma_wait3A_910 = tpu.memref_slice %arg5[%dma_wait3A_909] : memref<9408xi32, #tpu.memory_space<vmem>> -> memref<224xi32, #tpu.memory_space<vmem>>
      %dma_wait3A_911 = arith.constant 0 : i32
      %dma_wait3A_912 = arith.constant 0 : i32
      %dma_wait3A_913 = tpu.memref_slice %arg9[%dma_wait3A_911, %dma_wait3A_912] : memref<1792x128xf32, #tpu.memory_space<vmem_shared>> -> memref<1792x128xf32, #tpu.memory_space<vmem_shared>>
      tpu.wait_indirect_dma semaphore(%arg11 : memref<!tpu.dma_semaphore, #tpu.memory_space<semaphore_mem>>) src(%dma_wait3A_913 : memref<1792x128xf32, #tpu.memory_space<vmem_shared>>) dst(%arg6 : memref<224x128xf32, #tpu.memory_space<vmem>>)
      %mul3A_914 = arith.constant 2 : i32
      %mul3A_915 = arith.muli %mul3A_914, %add3A : i32
      %add3A_916 = arith.constant 1 : i32
      %add3A_917 = arith.addi %mul3A_915, %add3A_916 : i32
      %mul3A_918 = arith.constant 224 : i32
      %mul3A_919 = arith.muli %add3A_917, %mul3A_918 : i32
      %add3A_920 = arith.constant 0 : i32
      %add3A_921 = arith.addi %add3A_920, %mul3A_919 : i32
      %dma_start3A_922 = arith.constant 0 : i32
      %dma_start3A_923 = tpu.memref_slice %arg4[%add3A_921, %dma_start3A_922] : memref<282240x128xf32, #tpu.memory_space<hbm>> -> memref<224x128xf32, #tpu.memory_space<hbm>>
      %dma_start3A_924 = arith.constant 0 : i32
      %dma_start3A_925 = tpu.memref_slice %arg4[%add3A_921, %dma_start3A_924] : memref<282240x128xf32, #tpu.memory_space<hbm>> -> memref<224x128xf32, #tpu.memory_space<hbm>>
      tpu.enqueue_dma source(%arg6 : memref<224x128xf32, #tpu.memory_space<vmem>>) target(%dma_start3A_925 : memref<224x128xf32, #tpu.memory_space<hbm>>) target_semaphore(%arg14 : memref<!tpu.dma_semaphore, #tpu.memory_space<semaphore_mem>>)
      %dma_wait3A_926 = arith.constant 0 : i32
      %dma_wait3A_927 = tpu.memref_slice %arg4[%add3A_921, %dma_wait3A_926] : memref<282240x128xf32, #tpu.memory_space<hbm>> -> memref<224x128xf32, #tpu.memory_space<hbm>>
      %dma_wait3A_928 = arith.constant 0 : i32
      %dma_wait3A_929 = tpu.memref_slice %arg4[%add3A_921, %dma_wait3A_928] : memref<282240x128xf32, #tpu.memory_space<hbm>> -> memref<224x128xf32, #tpu.memory_space<hbm>>
      tpu.wait_dma2 semaphore(%arg14 : memref<!tpu.dma_semaphore, #tpu.memory_space<semaphore_mem>>) src(%arg6 : memref<224x128xf32, #tpu.memory_space<vmem>>) dst(%dma_wait3A_929 : memref<224x128xf32, #tpu.memory_space<hbm>>)
      %dma_start3A_930 = arith.constant 1344 : i32
      %dma_start3A_931 = tpu.memref_slice %arg5[%dma_start3A_930] : memref<9408xi32, #tpu.memory_space<vmem>> -> memref<224xi32, #tpu.memory_space<vmem>>
      %dma_start3A_932 = arith.constant 0 : i32
      %dma_start3A_933 = arith.constant 0 : i32
      %dma_start3A_934 = tpu.memref_slice %arg2[%dma_start3A_932, %dma_start3A_933] : memref<106624x128xf32, #tpu.memory_space<hbm>> -> memref<106624x128xf32, #tpu.memory_space<hbm>>
      tpu.enqueue_indirect_dma source(%dma_start3A_934 : memref<106624x128xf32, #tpu.memory_space<hbm>>) target(%arg6 : memref<224x128xf32, #tpu.memory_space<vmem>>) offsets(%dma_start3A_931 : memref<224xi32, #tpu.memory_space<vmem>>) semaphore(%arg11 : memref<!tpu.dma_semaphore, #tpu.memory_space<semaphore_mem>>)
      %dma_wait3A_935 = arith.constant 896 : i32
      %dma_wait3A_936 = tpu.memref_slice %arg5[%dma_wait3A_935] : memref<9408xi32, #tpu.memory_space<vmem>> -> memref<224xi32, #tpu.memory_space<vmem>>
      %dma_wait3A_937 = arith.constant 0 : i32
      %dma_wait3A_938 = arith.constant 0 : i32
      %dma_wait3A_939 = tpu.memref_slice %arg9[%dma_wait3A_937, %dma_wait3A_938] : memref<1792x128xf32, #tpu.memory_space<vmem_shared>> -> memref<1792x128xf32, #tpu.memory_space<vmem_shared>>
      tpu.wait_indirect_dma semaphore(%arg12 : memref<!tpu.dma_semaphore, #tpu.memory_space<semaphore_mem>>) src(%dma_wait3A_939 : memref<1792x128xf32, #tpu.memory_space<vmem_shared>>) dst(%arg7 : memref<224x128xf32, #tpu.memory_space<vmem>>)
      %mul3A_940 = arith.constant 2 : i32
      %mul3A_941 = arith.muli %mul3A_940, %add3A : i32
      %add3A_942 = arith.constant 0 : i32
      %add3A_943 = arith.addi %mul3A_941, %add3A_942 : i32
      %mul3A_944 = arith.constant 224 : i32
      %mul3A_945 = arith.muli %add3A_943, %mul3A_944 : i32
      %add3A_946 = arith.constant 94080 : i32
      %add3A_947 = arith.addi %add3A_946, %mul3A_945 : i32
      %dma_start3A_948 = arith.constant 0 : i32
      %dma_start3A_949 = tpu.memref_slice %arg4[%add3A_947, %dma_start3A_948] : memref<282240x128xf32, #tpu.memory_space<hbm>> -> memref<224x128xf32, #tpu.memory_space<hbm>>
      %dma_start3A_950 = arith.constant 0 : i32
      %dma_start3A_951 = tpu.memref_slice %arg4[%add3A_947, %dma_start3A_950] : memref<282240x128xf32, #tpu.memory_space<hbm>> -> memref<224x128xf32, #tpu.memory_space<hbm>>
      tpu.enqueue_dma source(%arg7 : memref<224x128xf32, #tpu.memory_space<vmem>>) target(%dma_start3A_951 : memref<224x128xf32, #tpu.memory_space<hbm>>) target_semaphore(%arg15 : memref<!tpu.dma_semaphore, #tpu.memory_space<semaphore_mem>>)
      %dma_wait3A_952 = arith.constant 0 : i32
      %dma_wait3A_953 = tpu.memref_slice %arg4[%add3A_947, %dma_wait3A_952] : memref<282240x128xf32, #tpu.memory_space<hbm>> -> memref<224x128xf32, #tpu.memory_space<hbm>>
      %dma_wait3A_954 = arith.constant 0 : i32
      %dma_wait3A_955 = tpu.memref_slice %arg4[%add3A_947, %dma_wait3A_954] : memref<282240x128xf32, #tpu.memory_space<hbm>> -> memref<224x128xf32, #tpu.memory_space<hbm>>
      tpu.wait_dma2 semaphore(%arg15 : memref<!tpu.dma_semaphore, #tpu.memory_space<semaphore_mem>>) src(%arg7 : memref<224x128xf32, #tpu.memory_space<vmem>>) dst(%dma_wait3A_955 : memref<224x128xf32, #tpu.memory_space<hbm>>)
      %dma_start3A_956 = arith.constant 1568 : i32
      %dma_start3A_957 = tpu.memref_slice %arg5[%dma_start3A_956] : memref<9408xi32, #tpu.memory_space<vmem>> -> memref<224xi32, #tpu.memory_space<vmem>>
      %dma_start3A_958 = arith.constant 0 : i32
      %dma_start3A_959 = arith.constant 0 : i32
      %dma_start3A_960 = tpu.memref_slice %arg2[%dma_start3A_958, %dma_start3A_959] : memref<106624x128xf32, #tpu.memory_space<hbm>> -> memref<106624x128xf32, #tpu.memory_space<hbm>>
      tpu.enqueue_indirect_dma source(%dma_start3A_960 : memref<106624x128xf32, #tpu.memory_space<hbm>>) target(%arg7 : memref<224x128xf32, #tpu.memory_space<vmem>>) offsets(%dma_start3A_957 : memref<224xi32, #tpu.memory_space<vmem>>) semaphore(%arg12 : memref<!tpu.dma_semaphore, #tpu.memory_space<semaphore_mem>>)
      %dma_wait3A_961 = arith.constant 1120 : i32
      %dma_wait3A_962 = tpu.memref_slice %arg5[%dma_wait3A_961] : memref<9408xi32, #tpu.memory_space<vmem>> -> memref<224xi32, #tpu.memory_space<vmem>>
      %dma_wait3A_963 = arith.constant 0 : i32
      %dma_wait3A_964 = arith.constant 0 : i32
      %dma_wait3A_965 = tpu.memref_slice %arg9[%dma_wait3A_963, %dma_wait3A_964] : memref<1792x128xf32, #tpu.memory_space<vmem_shared>> -> memref<1792x128xf32, #tpu.memory_space<vmem_shared>>
      tpu.wait_indirect_dma semaphore(%arg13 : memref<!tpu.dma_semaphore, #tpu.memory_space<semaphore_mem>>) src(%dma_wait3A_965 : memref<1792x128xf32, #tpu.memory_space<vmem_shared>>) dst(%arg8 : memref<224x128xf32, #tpu.memory_space<vmem>>)
      %mul3A_966 = arith.constant 2 : i32
      %mul3A_967 = arith.muli %mul3A_966, %add3A : i32
      %add3A_968 = arith.constant 1 : i32
      %add3A_969 = arith.addi %mul3A_967, %add3A_968 : i32
      %mul3A_970 = arith.constant 224 : i32
      %mul3A_971 = arith.muli %add3A_969, %mul3A_970 : i32
      %add3A_972 = arith.constant 94080 : i32
      %add3A_973 = arith.addi %add3A_972, %mul3A_971 : i32
      %dma_start3A_974 = arith.constant 0 : i32
      %dma_start3A_975 = tpu.memref_slice %arg4[%add3A_973, %dma_start3A_974] : memref<282240x128xf32, #tpu.memory_space<hbm>> -> memref<224x128xf32, #tpu.memory_space<hbm>>
      %dma_start3A_976 = arith.constant 0 : i32
      %dma_start3A_977 = tpu.memref_slice %arg4[%add3A_973, %dma_start3A_976] : memref<282240x128xf32, #tpu.memory_space<hbm>> -> memref<224x128xf32, #tpu.memory_space<hbm>>
      tpu.enqueue_dma source(%arg8 : memref<224x128xf32, #tpu.memory_space<vmem>>) target(%dma_start3A_977 : memref<224x128xf32, #tpu.memory_space<hbm>>) target_semaphore(%arg16 : memref<!tpu.dma_semaphore, #tpu.memory_space<semaphore_mem>>)
      %dma_wait3A_978 = arith.constant 0 : i32
      %dma_wait3A_979 = tpu.memref_slice %arg4[%add3A_973, %dma_wait3A_978] : memref<282240x128xf32, #tpu.memory_space<hbm>> -> memref<224x128xf32, #tpu.memory_space<hbm>>
      %dma_wait3A_980 = arith.constant 0 : i32
      %dma_wait3A_981 = tpu.memref_slice %arg4[%add3A_973, %dma_wait3A_980] : memref<282240x128xf32, #tpu.memory_space<hbm>> -> memref<224x128xf32, #tpu.memory_space<hbm>>
      tpu.wait_dma2 semaphore(%arg16 : memref<!tpu.dma_semaphore, #tpu.memory_space<semaphore_mem>>) src(%arg8 : memref<224x128xf32, #tpu.memory_space<vmem>>) dst(%dma_wait3A_981 : memref<224x128xf32, #tpu.memory_space<hbm>>)
    } else {
    }
    %dma_wait3A_202 = arith.constant 0 : i32
    %dma_wait3A_203 = tpu.memref_slice %arg10[%add3A_120, %dma_wait3A_202] : memref<1792x128xf32, #tpu.memory_space<vmem_shared>> -> memref<16x128xf32, #tpu.memory_space<vmem_shared>>
    %dma_wait3A_204 = arith.constant 0 : i32
    %dma_wait3A_205 = tpu.memref_slice %arg2[%add3A_116, %dma_wait3A_204] : memref<106624x128xf32, #tpu.memory_space<hbm>> -> memref<16x128xf32, #tpu.memory_space<hbm>>
    tpu.wait_dma2 semaphore(%arg17 : memref<!tpu.dma_semaphore, #tpu.memory_space<semaphore_mem>>) src(%dma_wait3A_205 : memref<16x128xf32, #tpu.memory_space<hbm>>) dst(%dma_wait3A_203 : memref<16x128xf32, #tpu.memory_space<vmem_shared>>)
    %dma_wait3A_206 = arith.constant 0 : i32
    %dma_wait3A_207 = tpu.memref_slice %arg10[%add3A_132, %dma_wait3A_206] : memref<1792x128xf32, #tpu.memory_space<vmem_shared>> -> memref<16x128xf32, #tpu.memory_space<vmem_shared>>
    %dma_wait3A_208 = arith.constant 0 : i32
    %dma_wait3A_209 = tpu.memref_slice %arg2[%add3A_128, %dma_wait3A_208] : memref<106624x128xf32, #tpu.memory_space<hbm>> -> memref<16x128xf32, #tpu.memory_space<hbm>>
    tpu.wait_dma2 semaphore(%arg17 : memref<!tpu.dma_semaphore, #tpu.memory_space<semaphore_mem>>) src(%dma_wait3A_209 : memref<16x128xf32, #tpu.memory_space<hbm>>) dst(%dma_wait3A_207 : memref<16x128xf32, #tpu.memory_space<vmem_shared>>)
    %dma_wait3A_210 = arith.constant 0 : i32
    %dma_wait3A_211 = tpu.memref_slice %arg10[%add3A_144, %dma_wait3A_210] : memref<1792x128xf32, #tpu.memory_space<vmem_shared>> -> memref<16x128xf32, #tpu.memory_space<vmem_shared>>
    %dma_wait3A_212 = arith.constant 0 : i32
    %dma_wait3A_213 = tpu.memref_slice %arg2[%add3A_140, %dma_wait3A_212] : memref<106624x128xf32, #tpu.memory_space<hbm>> -> memref<16x128xf32, #tpu.memory_space<hbm>>
    tpu.wait_dma2 semaphore(%arg17 : memref<!tpu.dma_semaphore, #tpu.memory_space<semaphore_mem>>) src(%dma_wait3A_213 : memref<16x128xf32, #tpu.memory_space<hbm>>) dst(%dma_wait3A_211 : memref<16x128xf32, #tpu.memory_space<vmem_shared>>)
    %dma_wait3A_214 = arith.constant 0 : i32
    %dma_wait3A_215 = tpu.memref_slice %arg10[%add3A_156, %dma_wait3A_214] : memref<1792x128xf32, #tpu.memory_space<vmem_shared>> -> memref<16x128xf32, #tpu.memory_space<vmem_shared>>
    %dma_wait3A_216 = arith.constant 0 : i32
    %dma_wait3A_217 = tpu.memref_slice %arg2[%add3A_152, %dma_wait3A_216] : memref<106624x128xf32, #tpu.memory_space<hbm>> -> memref<16x128xf32, #tpu.memory_space<hbm>>
    tpu.wait_dma2 semaphore(%arg17 : memref<!tpu.dma_semaphore, #tpu.memory_space<semaphore_mem>>) src(%dma_wait3A_217 : memref<16x128xf32, #tpu.memory_space<hbm>>) dst(%dma_wait3A_215 : memref<16x128xf32, #tpu.memory_space<vmem_shared>>)
    %dma_wait3A_218 = arith.constant 0 : i32
    %dma_wait3A_219 = tpu.memref_slice %arg10[%add3A_168, %dma_wait3A_218] : memref<1792x128xf32, #tpu.memory_space<vmem_shared>> -> memref<16x128xf32, #tpu.memory_space<vmem_shared>>
    %dma_wait3A_220 = arith.constant 0 : i32
    %dma_wait3A_221 = tpu.memref_slice %arg2[%add3A_164, %dma_wait3A_220] : memref<106624x128xf32, #tpu.memory_space<hbm>> -> memref<16x128xf32, #tpu.memory_space<hbm>>
    tpu.wait_dma2 semaphore(%arg17 : memref<!tpu.dma_semaphore, #tpu.memory_space<semaphore_mem>>) src(%dma_wait3A_221 : memref<16x128xf32, #tpu.memory_space<hbm>>) dst(%dma_wait3A_219 : memref<16x128xf32, #tpu.memory_space<vmem_shared>>)
    %dma_wait3A_222 = arith.constant 0 : i32
    %dma_wait3A_223 = tpu.memref_slice %arg10[%add3A_180, %dma_wait3A_222] : memref<1792x128xf32, #tpu.memory_space<vmem_shared>> -> memref<16x128xf32, #tpu.memory_space<vmem_shared>>
    %dma_wait3A_224 = arith.constant 0 : i32
    %dma_wait3A_225 = tpu.memref_slice %arg2[%add3A_176, %dma_wait3A_224] : memref<106624x128xf32, #tpu.memory_space<hbm>> -> memref<16x128xf32, #tpu.memory_space<hbm>>
    tpu.wait_dma2 semaphore(%arg17 : memref<!tpu.dma_semaphore, #tpu.memory_space<semaphore_mem>>) src(%dma_wait3A_225 : memref<16x128xf32, #tpu.memory_space<hbm>>) dst(%dma_wait3A_223 : memref<16x128xf32, #tpu.memory_space<vmem_shared>>)
    %dma_wait3A_226 = arith.constant 0 : i32
    %dma_wait3A_227 = tpu.memref_slice %arg10[%add3A_192, %dma_wait3A_226] : memref<1792x128xf32, #tpu.memory_space<vmem_shared>> -> memref<16x128xf32, #tpu.memory_space<vmem_shared>>
    %dma_wait3A_228 = arith.constant 0 : i32
    %dma_wait3A_229 = tpu.memref_slice %arg2[%add3A_188, %dma_wait3A_228] : memref<106624x128xf32, #tpu.memory_space<hbm>> -> memref<16x128xf32, #tpu.memory_space<hbm>>
    tpu.wait_dma2 semaphore(%arg17 : memref<!tpu.dma_semaphore, #tpu.memory_space<semaphore_mem>>) src(%dma_wait3A_229 : memref<16x128xf32, #tpu.memory_space<hbm>>) dst(%dma_wait3A_227 : memref<16x128xf32, #tpu.memory_space<vmem_shared>>)
    %barrier3A_230 = arith.constant 0 : index
    tpu.barrier barrier_id(%barrier3A_230)
    %mul3A_231 = arith.constant 136 : i32
    %mul3A_232 = arith.muli %arg1, %mul3A_231 : i32
    %add3A_233 = arith.constant 30464 : i32
    %add3A_234 = arith.addi %mul3A_232, %add3A_233 : i32
    %mul3A_235 = arith.constant 16 : i32
    %mul3A_236 = arith.muli %arg1, %mul3A_235 : i32
    %add3A_237 = arith.constant 0 : i32
    %add3A_238 = arith.addi %mul3A_236, %add3A_237 : i32
    %dma_start3A_239 = arith.constant 0 : i32
    %dma_start3A_240 = tpu.memref_slice %arg9[%add3A_238, %dma_start3A_239] : memref<1792x128xf32, #tpu.memory_space<vmem_shared>> -> memref<16x128xf32, #tpu.memory_space<vmem_shared>>
    %dma_start3A_241 = arith.constant 0 : i32
    %dma_start3A_242 = tpu.memref_slice %arg2[%add3A_234, %dma_start3A_241] : memref<106624x128xf32, #tpu.memory_space<hbm>> -> memref<16x128xf32, #tpu.memory_space<hbm>>
    tpu.enqueue_dma source(%dma_start3A_242 : memref<16x128xf32, #tpu.memory_space<hbm>>) target(%dma_start3A_240 : memref<16x128xf32, #tpu.memory_space<vmem_shared>>) target_semaphore(%arg17 : memref<!tpu.dma_semaphore, #tpu.memory_space<semaphore_mem>>)
    %mul3A_243 = arith.constant 136 : i32
    %mul3A_244 = arith.muli %arg1, %mul3A_243 : i32
    %add3A_245 = arith.constant 32640 : i32
    %add3A_246 = arith.addi %mul3A_244, %add3A_245 : i32
    %mul3A_247 = arith.constant 16 : i32
    %mul3A_248 = arith.muli %arg1, %mul3A_247 : i32
    %add3A_249 = arith.constant 256 : i32
    %add3A_250 = arith.addi %mul3A_248, %add3A_249 : i32
    %dma_start3A_251 = arith.constant 0 : i32
    %dma_start3A_252 = tpu.memref_slice %arg9[%add3A_250, %dma_start3A_251] : memref<1792x128xf32, #tpu.memory_space<vmem_shared>> -> memref<16x128xf32, #tpu.memory_space<vmem_shared>>
    %dma_start3A_253 = arith.constant 0 : i32
    %dma_start3A_254 = tpu.memref_slice %arg2[%add3A_246, %dma_start3A_253] : memref<106624x128xf32, #tpu.memory_space<hbm>> -> memref<16x128xf32, #tpu.memory_space<hbm>>
    tpu.enqueue_dma source(%dma_start3A_254 : memref<16x128xf32, #tpu.memory_space<hbm>>) target(%dma_start3A_252 : memref<16x128xf32, #tpu.memory_space<vmem_shared>>) target_semaphore(%arg17 : memref<!tpu.dma_semaphore, #tpu.memory_space<semaphore_mem>>)
    %mul3A_255 = arith.constant 136 : i32
    %mul3A_256 = arith.muli %arg1, %mul3A_255 : i32
    %add3A_257 = arith.constant 34816 : i32
    %add3A_258 = arith.addi %mul3A_256, %add3A_257 : i32
    %mul3A_259 = arith.constant 16 : i32
    %mul3A_260 = arith.muli %arg1, %mul3A_259 : i32
    %add3A_261 = arith.constant 512 : i32
    %add3A_262 = arith.addi %mul3A_260, %add3A_261 : i32
    %dma_start3A_263 = arith.constant 0 : i32
    %dma_start3A_264 = tpu.memref_slice %arg9[%add3A_262, %dma_start3A_263] : memref<1792x128xf32, #tpu.memory_space<vmem_shared>> -> memref<16x128xf32, #tpu.memory_space<vmem_shared>>
    %dma_start3A_265 = arith.constant 0 : i32
    %dma_start3A_266 = tpu.memref_slice %arg2[%add3A_258, %dma_start3A_265] : memref<106624x128xf32, #tpu.memory_space<hbm>> -> memref<16x128xf32, #tpu.memory_space<hbm>>
    tpu.enqueue_dma source(%dma_start3A_266 : memref<16x128xf32, #tpu.memory_space<hbm>>) target(%dma_start3A_264 : memref<16x128xf32, #tpu.memory_space<vmem_shared>>) target_semaphore(%arg17 : memref<!tpu.dma_semaphore, #tpu.memory_space<semaphore_mem>>)
    %mul3A_267 = arith.constant 136 : i32
    %mul3A_268 = arith.muli %arg1, %mul3A_267 : i32
    %add3A_269 = arith.constant 36992 : i32
    %add3A_270 = arith.addi %mul3A_268, %add3A_269 : i32
    %mul3A_271 = arith.constant 16 : i32
    %mul3A_272 = arith.muli %arg1, %mul3A_271 : i32
    %add3A_273 = arith.constant 768 : i32
    %add3A_274 = arith.addi %mul3A_272, %add3A_273 : i32
    %dma_start3A_275 = arith.constant 0 : i32
    %dma_start3A_276 = tpu.memref_slice %arg9[%add3A_274, %dma_start3A_275] : memref<1792x128xf32, #tpu.memory_space<vmem_shared>> -> memref<16x128xf32, #tpu.memory_space<vmem_shared>>
    %dma_start3A_277 = arith.constant 0 : i32
    %dma_start3A_278 = tpu.memref_slice %arg2[%add3A_270, %dma_start3A_277] : memref<106624x128xf32, #tpu.memory_space<hbm>> -> memref<16x128xf32, #tpu.memory_space<hbm>>
    tpu.enqueue_dma source(%dma_start3A_278 : memref<16x128xf32, #tpu.memory_space<hbm>>) target(%dma_start3A_276 : memref<16x128xf32, #tpu.memory_space<vmem_shared>>) target_semaphore(%arg17 : memref<!tpu.dma_semaphore, #tpu.memory_space<semaphore_mem>>)
    %mul3A_279 = arith.constant 136 : i32
    %mul3A_280 = arith.muli %arg1, %mul3A_279 : i32
    %add3A_281 = arith.constant 39168 : i32
    %add3A_282 = arith.addi %mul3A_280, %add3A_281 : i32
    %mul3A_283 = arith.constant 16 : i32
    %mul3A_284 = arith.muli %arg1, %mul3A_283 : i32
    %add3A_285 = arith.constant 1024 : i32
    %add3A_286 = arith.addi %mul3A_284, %add3A_285 : i32
    %dma_start3A_287 = arith.constant 0 : i32
    %dma_start3A_288 = tpu.memref_slice %arg9[%add3A_286, %dma_start3A_287] : memref<1792x128xf32, #tpu.memory_space<vmem_shared>> -> memref<16x128xf32, #tpu.memory_space<vmem_shared>>
    %dma_start3A_289 = arith.constant 0 : i32
    %dma_start3A_290 = tpu.memref_slice %arg2[%add3A_282, %dma_start3A_289] : memref<106624x128xf32, #tpu.memory_space<hbm>> -> memref<16x128xf32, #tpu.memory_space<hbm>>
    tpu.enqueue_dma source(%dma_start3A_290 : memref<16x128xf32, #tpu.memory_space<hbm>>) target(%dma_start3A_288 : memref<16x128xf32, #tpu.memory_space<vmem_shared>>) target_semaphore(%arg17 : memref<!tpu.dma_semaphore, #tpu.memory_space<semaphore_mem>>)
    %mul3A_291 = arith.constant 136 : i32
    %mul3A_292 = arith.muli %arg1, %mul3A_291 : i32
    %add3A_293 = arith.constant 41344 : i32
    %add3A_294 = arith.addi %mul3A_292, %add3A_293 : i32
    %mul3A_295 = arith.constant 16 : i32
    %mul3A_296 = arith.muli %arg1, %mul3A_295 : i32
    %add3A_297 = arith.constant 1280 : i32
    %add3A_298 = arith.addi %mul3A_296, %add3A_297 : i32
    %dma_start3A_299 = arith.constant 0 : i32
    %dma_start3A_300 = tpu.memref_slice %arg9[%add3A_298, %dma_start3A_299] : memref<1792x128xf32, #tpu.memory_space<vmem_shared>> -> memref<16x128xf32, #tpu.memory_space<vmem_shared>>
    %dma_start3A_301 = arith.constant 0 : i32
    %dma_start3A_302 = tpu.memref_slice %arg2[%add3A_294, %dma_start3A_301] : memref<106624x128xf32, #tpu.memory_space<hbm>> -> memref<16x128xf32, #tpu.memory_space<hbm>>
    tpu.enqueue_dma source(%dma_start3A_302 : memref<16x128xf32, #tpu.memory_space<hbm>>) target(%dma_start3A_300 : memref<16x128xf32, #tpu.memory_space<vmem_shared>>) target_semaphore(%arg17 : memref<!tpu.dma_semaphore, #tpu.memory_space<semaphore_mem>>)
    %mul3A_303 = arith.constant 136 : i32
    %mul3A_304 = arith.muli %arg1, %mul3A_303 : i32
    %add3A_305 = arith.constant 43520 : i32
    %add3A_306 = arith.addi %mul3A_304, %add3A_305 : i32
    %mul3A_307 = arith.constant 16 : i32
    %mul3A_308 = arith.muli %arg1, %mul3A_307 : i32
    %add3A_309 = arith.constant 1536 : i32
    %add3A_310 = arith.addi %mul3A_308, %add3A_309 : i32
    %dma_start3A_311 = arith.constant 0 : i32
    %dma_start3A_312 = tpu.memref_slice %arg9[%add3A_310, %dma_start3A_311] : memref<1792x128xf32, #tpu.memory_space<vmem_shared>> -> memref<16x128xf32, #tpu.memory_space<vmem_shared>>
    %dma_start3A_313 = arith.constant 0 : i32
    %dma_start3A_314 = tpu.memref_slice %arg2[%add3A_306, %dma_start3A_313] : memref<106624x128xf32, #tpu.memory_space<hbm>> -> memref<16x128xf32, #tpu.memory_space<hbm>>
    tpu.enqueue_dma source(%dma_start3A_314 : memref<16x128xf32, #tpu.memory_space<hbm>>) target(%dma_start3A_312 : memref<16x128xf32, #tpu.memory_space<vmem_shared>>) target_semaphore(%arg17 : memref<!tpu.dma_semaphore, #tpu.memory_space<semaphore_mem>>)
    %lt3A_315 = arith.constant 30 : i32
    %lt3A_316 = arith.cmpi slt, %add3A, %lt3A_315 : i32
    %convert_element_type3A_317 = arith.extui %lt3A_316 : i1 to i32
    %cond3A_318 = arith.constant 0 : i32
    %cond3A_319 = arith.cmpi ne, %convert_element_type3A_317, %cond3A_318 : i32
    scf.if %cond3A_319 {
      %dma_start3A_826 = arith.constant 1792 : i32
      %dma_start3A_827 = tpu.memref_slice %arg5[%dma_start3A_826] : memref<9408xi32, #tpu.memory_space<vmem>> -> memref<224xi32, #tpu.memory_space<vmem>>
      %dma_start3A_828 = arith.constant 0 : i32
      %dma_start3A_829 = arith.constant 0 : i32
      %dma_start3A_830 = tpu.memref_slice %arg10[%dma_start3A_828, %dma_start3A_829] : memref<1792x128xf32, #tpu.memory_space<vmem_shared>> -> memref<1792x128xf32, #tpu.memory_space<vmem_shared>>
      tpu.enqueue_indirect_dma source(%dma_start3A_830 : memref<1792x128xf32, #tpu.memory_space<vmem_shared>>) target(%arg8 : memref<224x128xf32, #tpu.memory_space<vmem>>) offsets(%dma_start3A_827 : memref<224xi32, #tpu.memory_space<vmem>>) semaphore(%arg13 : memref<!tpu.dma_semaphore, #tpu.memory_space<semaphore_mem>>)
      %dma_wait3A_831 = arith.constant 1344 : i32
      %dma_wait3A_832 = tpu.memref_slice %arg5[%dma_wait3A_831] : memref<9408xi32, #tpu.memory_space<vmem>> -> memref<224xi32, #tpu.memory_space<vmem>>
      %dma_wait3A_833 = arith.constant 0 : i32
      %dma_wait3A_834 = arith.constant 0 : i32
      %dma_wait3A_835 = tpu.memref_slice %arg2[%dma_wait3A_833, %dma_wait3A_834] : memref<106624x128xf32, #tpu.memory_space<hbm>> -> memref<106624x128xf32, #tpu.memory_space<hbm>>
      tpu.wait_indirect_dma semaphore(%arg11 : memref<!tpu.dma_semaphore, #tpu.memory_space<semaphore_mem>>) src(%dma_wait3A_835 : memref<106624x128xf32, #tpu.memory_space<hbm>>) dst(%arg6 : memref<224x128xf32, #tpu.memory_space<vmem>>)
      %mul3A_836 = arith.constant 2 : i32
      %mul3A_837 = arith.muli %mul3A_836, %add3A : i32
      %add3A_838 = arith.constant 0 : i32
      %add3A_839 = arith.addi %mul3A_837, %add3A_838 : i32
      %mul3A_840 = arith.constant 224 : i32
      %mul3A_841 = arith.muli %add3A_839, %mul3A_840 : i32
      %add3A_842 = arith.constant 201600 : i32
      %add3A_843 = arith.addi %add3A_842, %mul3A_841 : i32
      %dma_start3A_844 = arith.constant 0 : i32
      %dma_start3A_845 = tpu.memref_slice %arg4[%add3A_843, %dma_start3A_844] : memref<282240x128xf32, #tpu.memory_space<hbm>> -> memref<224x128xf32, #tpu.memory_space<hbm>>
      %dma_start3A_846 = arith.constant 0 : i32
      %dma_start3A_847 = tpu.memref_slice %arg4[%add3A_843, %dma_start3A_846] : memref<282240x128xf32, #tpu.memory_space<hbm>> -> memref<224x128xf32, #tpu.memory_space<hbm>>
      tpu.enqueue_dma source(%arg6 : memref<224x128xf32, #tpu.memory_space<vmem>>) target(%dma_start3A_847 : memref<224x128xf32, #tpu.memory_space<hbm>>) target_semaphore(%arg14 : memref<!tpu.dma_semaphore, #tpu.memory_space<semaphore_mem>>)
      %dma_wait3A_848 = arith.constant 0 : i32
      %dma_wait3A_849 = tpu.memref_slice %arg4[%add3A_843, %dma_wait3A_848] : memref<282240x128xf32, #tpu.memory_space<hbm>> -> memref<224x128xf32, #tpu.memory_space<hbm>>
      %dma_wait3A_850 = arith.constant 0 : i32
      %dma_wait3A_851 = tpu.memref_slice %arg4[%add3A_843, %dma_wait3A_850] : memref<282240x128xf32, #tpu.memory_space<hbm>> -> memref<224x128xf32, #tpu.memory_space<hbm>>
      tpu.wait_dma2 semaphore(%arg14 : memref<!tpu.dma_semaphore, #tpu.memory_space<semaphore_mem>>) src(%arg6 : memref<224x128xf32, #tpu.memory_space<vmem>>) dst(%dma_wait3A_851 : memref<224x128xf32, #tpu.memory_space<hbm>>)
      %dma_start3A_852 = arith.constant 2016 : i32
      %dma_start3A_853 = tpu.memref_slice %arg5[%dma_start3A_852] : memref<9408xi32, #tpu.memory_space<vmem>> -> memref<224xi32, #tpu.memory_space<vmem>>
      %dma_start3A_854 = arith.constant 0 : i32
      %dma_start3A_855 = arith.constant 0 : i32
      %dma_start3A_856 = tpu.memref_slice %arg10[%dma_start3A_854, %dma_start3A_855] : memref<1792x128xf32, #tpu.memory_space<vmem_shared>> -> memref<1792x128xf32, #tpu.memory_space<vmem_shared>>
      tpu.enqueue_indirect_dma source(%dma_start3A_856 : memref<1792x128xf32, #tpu.memory_space<vmem_shared>>) target(%arg6 : memref<224x128xf32, #tpu.memory_space<vmem>>) offsets(%dma_start3A_853 : memref<224xi32, #tpu.memory_space<vmem>>) semaphore(%arg11 : memref<!tpu.dma_semaphore, #tpu.memory_space<semaphore_mem>>)
      %dma_wait3A_857 = arith.constant 1568 : i32
      %dma_wait3A_858 = tpu.memref_slice %arg5[%dma_wait3A_857] : memref<9408xi32, #tpu.memory_space<vmem>> -> memref<224xi32, #tpu.memory_space<vmem>>
      %dma_wait3A_859 = arith.constant 0 : i32
      %dma_wait3A_860 = arith.constant 0 : i32
      %dma_wait3A_861 = tpu.memref_slice %arg2[%dma_wait3A_859, %dma_wait3A_860] : memref<106624x128xf32, #tpu.memory_space<hbm>> -> memref<106624x128xf32, #tpu.memory_space<hbm>>
      tpu.wait_indirect_dma semaphore(%arg12 : memref<!tpu.dma_semaphore, #tpu.memory_space<semaphore_mem>>) src(%dma_wait3A_861 : memref<106624x128xf32, #tpu.memory_space<hbm>>) dst(%arg7 : memref<224x128xf32, #tpu.memory_space<vmem>>)
      %mul3A_862 = arith.constant 2 : i32
      %mul3A_863 = arith.muli %mul3A_862, %add3A : i32
      %add3A_864 = arith.constant 1 : i32
      %add3A_865 = arith.addi %mul3A_863, %add3A_864 : i32
      %mul3A_866 = arith.constant 224 : i32
      %mul3A_867 = arith.muli %add3A_865, %mul3A_866 : i32
      %add3A_868 = arith.constant 201600 : i32
      %add3A_869 = arith.addi %add3A_868, %mul3A_867 : i32
      %dma_start3A_870 = arith.constant 0 : i32
      %dma_start3A_871 = tpu.memref_slice %arg4[%add3A_869, %dma_start3A_870] : memref<282240x128xf32, #tpu.memory_space<hbm>> -> memref<224x128xf32, #tpu.memory_space<hbm>>
      %dma_start3A_872 = arith.constant 0 : i32
      %dma_start3A_873 = tpu.memref_slice %arg4[%add3A_869, %dma_start3A_872] : memref<282240x128xf32, #tpu.memory_space<hbm>> -> memref<224x128xf32, #tpu.memory_space<hbm>>
      tpu.enqueue_dma source(%arg7 : memref<224x128xf32, #tpu.memory_space<vmem>>) target(%dma_start3A_873 : memref<224x128xf32, #tpu.memory_space<hbm>>) target_semaphore(%arg15 : memref<!tpu.dma_semaphore, #tpu.memory_space<semaphore_mem>>)
      %dma_wait3A_874 = arith.constant 0 : i32
      %dma_wait3A_875 = tpu.memref_slice %arg4[%add3A_869, %dma_wait3A_874] : memref<282240x128xf32, #tpu.memory_space<hbm>> -> memref<224x128xf32, #tpu.memory_space<hbm>>
      %dma_wait3A_876 = arith.constant 0 : i32
      %dma_wait3A_877 = tpu.memref_slice %arg4[%add3A_869, %dma_wait3A_876] : memref<282240x128xf32, #tpu.memory_space<hbm>> -> memref<224x128xf32, #tpu.memory_space<hbm>>
      tpu.wait_dma2 semaphore(%arg15 : memref<!tpu.dma_semaphore, #tpu.memory_space<semaphore_mem>>) src(%arg7 : memref<224x128xf32, #tpu.memory_space<vmem>>) dst(%dma_wait3A_877 : memref<224x128xf32, #tpu.memory_space<hbm>>)
      %dma_start3A_878 = arith.constant 2240 : i32
      %dma_start3A_879 = tpu.memref_slice %arg5[%dma_start3A_878] : memref<9408xi32, #tpu.memory_space<vmem>> -> memref<224xi32, #tpu.memory_space<vmem>>
      %dma_start3A_880 = arith.constant 0 : i32
      %dma_start3A_881 = arith.constant 0 : i32
      %dma_start3A_882 = tpu.memref_slice %arg10[%dma_start3A_880, %dma_start3A_881] : memref<1792x128xf32, #tpu.memory_space<vmem_shared>> -> memref<1792x128xf32, #tpu.memory_space<vmem_shared>>
      tpu.enqueue_indirect_dma source(%dma_start3A_882 : memref<1792x128xf32, #tpu.memory_space<vmem_shared>>) target(%arg7 : memref<224x128xf32, #tpu.memory_space<vmem>>) offsets(%dma_start3A_879 : memref<224xi32, #tpu.memory_space<vmem>>) semaphore(%arg12 : memref<!tpu.dma_semaphore, #tpu.memory_space<semaphore_mem>>)
      %dma_wait3A_883 = arith.constant 1792 : i32
      %dma_wait3A_884 = tpu.memref_slice %arg5[%dma_wait3A_883] : memref<9408xi32, #tpu.memory_space<vmem>> -> memref<224xi32, #tpu.memory_space<vmem>>
      %dma_wait3A_885 = arith.constant 0 : i32
      %dma_wait3A_886 = arith.constant 0 : i32
      %dma_wait3A_887 = tpu.memref_slice %arg10[%dma_wait3A_885, %dma_wait3A_886] : memref<1792x128xf32, #tpu.memory_space<vmem_shared>> -> memref<1792x128xf32, #tpu.memory_space<vmem_shared>>
      tpu.wait_indirect_dma semaphore(%arg13 : memref<!tpu.dma_semaphore, #tpu.memory_space<semaphore_mem>>) src(%dma_wait3A_887 : memref<1792x128xf32, #tpu.memory_space<vmem_shared>>) dst(%arg8 : memref<224x128xf32, #tpu.memory_space<vmem>>)
      %mul3A_888 = arith.constant 2 : i32
      %mul3A_889 = arith.muli %mul3A_888, %add3A : i32
      %add3A_890 = arith.constant 0 : i32
      %add3A_891 = arith.addi %mul3A_889, %add3A_890 : i32
      %mul3A_892 = arith.constant 224 : i32
      %mul3A_893 = arith.muli %add3A_891, %mul3A_892 : i32
      %add3A_894 = arith.constant 13440 : i32
      %add3A_895 = arith.addi %add3A_894, %mul3A_893 : i32
      %dma_start3A_896 = arith.constant 0 : i32
      %dma_start3A_897 = tpu.memref_slice %arg4[%add3A_895, %dma_start3A_896] : memref<282240x128xf32, #tpu.memory_space<hbm>> -> memref<224x128xf32, #tpu.memory_space<hbm>>
      %dma_start3A_898 = arith.constant 0 : i32
      %dma_start3A_899 = tpu.memref_slice %arg4[%add3A_895, %dma_start3A_898] : memref<282240x128xf32, #tpu.memory_space<hbm>> -> memref<224x128xf32, #tpu.memory_space<hbm>>
      tpu.enqueue_dma source(%arg8 : memref<224x128xf32, #tpu.memory_space<vmem>>) target(%dma_start3A_899 : memref<224x128xf32, #tpu.memory_space<hbm>>) target_semaphore(%arg16 : memref<!tpu.dma_semaphore, #tpu.memory_space<semaphore_mem>>)
      %dma_wait3A_900 = arith.constant 0 : i32
      %dma_wait3A_901 = tpu.memref_slice %arg4[%add3A_895, %dma_wait3A_900] : memref<282240x128xf32, #tpu.memory_space<hbm>> -> memref<224x128xf32, #tpu.memory_space<hbm>>
      %dma_wait3A_902 = arith.constant 0 : i32
      %dma_wait3A_903 = tpu.memref_slice %arg4[%add3A_895, %dma_wait3A_902] : memref<282240x128xf32, #tpu.memory_space<hbm>> -> memref<224x128xf32, #tpu.memory_space<hbm>>
      tpu.wait_dma2 semaphore(%arg16 : memref<!tpu.dma_semaphore, #tpu.memory_space<semaphore_mem>>) src(%arg8 : memref<224x128xf32, #tpu.memory_space<vmem>>) dst(%dma_wait3A_903 : memref<224x128xf32, #tpu.memory_space<hbm>>)
      %dma_start3A_904 = arith.constant 2464 : i32
      %dma_start3A_905 = tpu.memref_slice %arg5[%dma_start3A_904] : memref<9408xi32, #tpu.memory_space<vmem>> -> memref<224xi32, #tpu.memory_space<vmem>>
      %dma_start3A_906 = arith.constant 0 : i32
      %dma_start3A_907 = arith.constant 0 : i32
      %dma_start3A_908 = tpu.memref_slice %arg10[%dma_start3A_906, %dma_start3A_907] : memref<1792x128xf32, #tpu.memory_space<vmem_shared>> -> memref<1792x128xf32, #tpu.memory_space<vmem_shared>>
      tpu.enqueue_indirect_dma source(%dma_start3A_908 : memref<1792x128xf32, #tpu.memory_space<vmem_shared>>) target(%arg8 : memref<224x128xf32, #tpu.memory_space<vmem>>) offsets(%dma_start3A_905 : memref<224xi32, #tpu.memory_space<vmem>>) semaphore(%arg13 : memref<!tpu.dma_semaphore, #tpu.memory_space<semaphore_mem>>)
      %dma_wait3A_909 = arith.constant 2016 : i32
      %dma_wait3A_910 = tpu.memref_slice %arg5[%dma_wait3A_909] : memref<9408xi32, #tpu.memory_space<vmem>> -> memref<224xi32, #tpu.memory_space<vmem>>
      %dma_wait3A_911 = arith.constant 0 : i32
      %dma_wait3A_912 = arith.constant 0 : i32
      %dma_wait3A_913 = tpu.memref_slice %arg10[%dma_wait3A_911, %dma_wait3A_912] : memref<1792x128xf32, #tpu.memory_space<vmem_shared>> -> memref<1792x128xf32, #tpu.memory_space<vmem_shared>>
      tpu.wait_indirect_dma semaphore(%arg11 : memref<!tpu.dma_semaphore, #tpu.memory_space<semaphore_mem>>) src(%dma_wait3A_913 : memref<1792x128xf32, #tpu.memory_space<vmem_shared>>) dst(%arg6 : memref<224x128xf32, #tpu.memory_space<vmem>>)
      %mul3A_914 = arith.constant 2 : i32
      %mul3A_915 = arith.muli %mul3A_914, %add3A : i32
      %add3A_916 = arith.constant 1 : i32
      %add3A_917 = arith.addi %mul3A_915, %add3A_916 : i32
      %mul3A_918 = arith.constant 224 : i32
      %mul3A_919 = arith.muli %add3A_917, %mul3A_918 : i32
      %add3A_920 = arith.constant 13440 : i32
      %add3A_921 = arith.addi %add3A_920, %mul3A_919 : i32
      %dma_start3A_922 = arith.constant 0 : i32
      %dma_start3A_923 = tpu.memref_slice %arg4[%add3A_921, %dma_start3A_922] : memref<282240x128xf32, #tpu.memory_space<hbm>> -> memref<224x128xf32, #tpu.memory_space<hbm>>
      %dma_start3A_924 = arith.constant 0 : i32
      %dma_start3A_925 = tpu.memref_slice %arg4[%add3A_921, %dma_start3A_924] : memref<282240x128xf32, #tpu.memory_space<hbm>> -> memref<224x128xf32, #tpu.memory_space<hbm>>
      tpu.enqueue_dma source(%arg6 : memref<224x128xf32, #tpu.memory_space<vmem>>) target(%dma_start3A_925 : memref<224x128xf32, #tpu.memory_space<hbm>>) target_semaphore(%arg14 : memref<!tpu.dma_semaphore, #tpu.memory_space<semaphore_mem>>)
      %dma_wait3A_926 = arith.constant 0 : i32
      %dma_wait3A_927 = tpu.memref_slice %arg4[%add3A_921, %dma_wait3A_926] : memref<282240x128xf32, #tpu.memory_space<hbm>> -> memref<224x128xf32, #tpu.memory_space<hbm>>
      %dma_wait3A_928 = arith.constant 0 : i32
      %dma_wait3A_929 = tpu.memref_slice %arg4[%add3A_921, %dma_wait3A_928] : memref<282240x128xf32, #tpu.memory_space<hbm>> -> memref<224x128xf32, #tpu.memory_space<hbm>>
      tpu.wait_dma2 semaphore(%arg14 : memref<!tpu.dma_semaphore, #tpu.memory_space<semaphore_mem>>) src(%arg6 : memref<224x128xf32, #tpu.memory_space<vmem>>) dst(%dma_wait3A_929 : memref<224x128xf32, #tpu.memory_space<hbm>>)
      %dma_start3A_930 = arith.constant 2688 : i32
      %dma_start3A_931 = tpu.memref_slice %arg5[%dma_start3A_930] : memref<9408xi32, #tpu.memory_space<vmem>> -> memref<224xi32, #tpu.memory_space<vmem>>
      %dma_start3A_932 = arith.constant 0 : i32
      %dma_start3A_933 = arith.constant 0 : i32
      %dma_start3A_934 = tpu.memref_slice %arg2[%dma_start3A_932, %dma_start3A_933] : memref<106624x128xf32, #tpu.memory_space<hbm>> -> memref<106624x128xf32, #tpu.memory_space<hbm>>
      tpu.enqueue_indirect_dma source(%dma_start3A_934 : memref<106624x128xf32, #tpu.memory_space<hbm>>) target(%arg6 : memref<224x128xf32, #tpu.memory_space<vmem>>) offsets(%dma_start3A_931 : memref<224xi32, #tpu.memory_space<vmem>>) semaphore(%arg11 : memref<!tpu.dma_semaphore, #tpu.memory_space<semaphore_mem>>)
      %dma_wait3A_935 = arith.constant 2240 : i32
      %dma_wait3A_936 = tpu.memref_slice %arg5[%dma_wait3A_935] : memref<9408xi32, #tpu.memory_space<vmem>> -> memref<224xi32, #tpu.memory_space<vmem>>
      %dma_wait3A_937 = arith.constant 0 : i32
      %dma_wait3A_938 = arith.constant 0 : i32
      %dma_wait3A_939 = tpu.memref_slice %arg10[%dma_wait3A_937, %dma_wait3A_938] : memref<1792x128xf32, #tpu.memory_space<vmem_shared>> -> memref<1792x128xf32, #tpu.memory_space<vmem_shared>>
      tpu.wait_indirect_dma semaphore(%arg12 : memref<!tpu.dma_semaphore, #tpu.memory_space<semaphore_mem>>) src(%dma_wait3A_939 : memref<1792x128xf32, #tpu.memory_space<vmem_shared>>) dst(%arg7 : memref<224x128xf32, #tpu.memory_space<vmem>>)
      %mul3A_940 = arith.constant 2 : i32
      %mul3A_941 = arith.muli %mul3A_940, %add3A : i32
      %add3A_942 = arith.constant 0 : i32
      %add3A_943 = arith.addi %mul3A_941, %add3A_942 : i32
      %mul3A_944 = arith.constant 224 : i32
      %mul3A_945 = arith.muli %add3A_943, %mul3A_944 : i32
      %add3A_946 = arith.constant 107520 : i32
      %add3A_947 = arith.addi %add3A_946, %mul3A_945 : i32
      %dma_start3A_948 = arith.constant 0 : i32
      %dma_start3A_949 = tpu.memref_slice %arg4[%add3A_947, %dma_start3A_948] : memref<282240x128xf32, #tpu.memory_space<hbm>> -> memref<224x128xf32, #tpu.memory_space<hbm>>
      %dma_start3A_950 = arith.constant 0 : i32
      %dma_start3A_951 = tpu.memref_slice %arg4[%add3A_947, %dma_start3A_950] : memref<282240x128xf32, #tpu.memory_space<hbm>> -> memref<224x128xf32, #tpu.memory_space<hbm>>
      tpu.enqueue_dma source(%arg7 : memref<224x128xf32, #tpu.memory_space<vmem>>) target(%dma_start3A_951 : memref<224x128xf32, #tpu.memory_space<hbm>>) target_semaphore(%arg15 : memref<!tpu.dma_semaphore, #tpu.memory_space<semaphore_mem>>)
      %dma_wait3A_952 = arith.constant 0 : i32
      %dma_wait3A_953 = tpu.memref_slice %arg4[%add3A_947, %dma_wait3A_952] : memref<282240x128xf32, #tpu.memory_space<hbm>> -> memref<224x128xf32, #tpu.memory_space<hbm>>
      %dma_wait3A_954 = arith.constant 0 : i32
      %dma_wait3A_955 = tpu.memref_slice %arg4[%add3A_947, %dma_wait3A_954] : memref<282240x128xf32, #tpu.memory_space<hbm>> -> memref<224x128xf32, #tpu.memory_space<hbm>>
      tpu.wait_dma2 semaphore(%arg15 : memref<!tpu.dma_semaphore, #tpu.memory_space<semaphore_mem>>) src(%arg7 : memref<224x128xf32, #tpu.memory_space<vmem>>) dst(%dma_wait3A_955 : memref<224x128xf32, #tpu.memory_space<hbm>>)
      %dma_start3A_956 = arith.constant 2912 : i32
      %dma_start3A_957 = tpu.memref_slice %arg5[%dma_start3A_956] : memref<9408xi32, #tpu.memory_space<vmem>> -> memref<224xi32, #tpu.memory_space<vmem>>
      %dma_start3A_958 = arith.constant 0 : i32
      %dma_start3A_959 = arith.constant 0 : i32
      %dma_start3A_960 = tpu.memref_slice %arg2[%dma_start3A_958, %dma_start3A_959] : memref<106624x128xf32, #tpu.memory_space<hbm>> -> memref<106624x128xf32, #tpu.memory_space<hbm>>
      tpu.enqueue_indirect_dma source(%dma_start3A_960 : memref<106624x128xf32, #tpu.memory_space<hbm>>) target(%arg7 : memref<224x128xf32, #tpu.memory_space<vmem>>) offsets(%dma_start3A_957 : memref<224xi32, #tpu.memory_space<vmem>>) semaphore(%arg12 : memref<!tpu.dma_semaphore, #tpu.memory_space<semaphore_mem>>)
      %dma_wait3A_961 = arith.constant 2464 : i32
      %dma_wait3A_962 = tpu.memref_slice %arg5[%dma_wait3A_961] : memref<9408xi32, #tpu.memory_space<vmem>> -> memref<224xi32, #tpu.memory_space<vmem>>
      %dma_wait3A_963 = arith.constant 0 : i32
      %dma_wait3A_964 = arith.constant 0 : i32
      %dma_wait3A_965 = tpu.memref_slice %arg10[%dma_wait3A_963, %dma_wait3A_964] : memref<1792x128xf32, #tpu.memory_space<vmem_shared>> -> memref<1792x128xf32, #tpu.memory_space<vmem_shared>>
      tpu.wait_indirect_dma semaphore(%arg13 : memref<!tpu.dma_semaphore, #tpu.memory_space<semaphore_mem>>) src(%dma_wait3A_965 : memref<1792x128xf32, #tpu.memory_space<vmem_shared>>) dst(%arg8 : memref<224x128xf32, #tpu.memory_space<vmem>>)
      %mul3A_966 = arith.constant 2 : i32
      %mul3A_967 = arith.muli %mul3A_966, %add3A : i32
      %add3A_968 = arith.constant 1 : i32
      %add3A_969 = arith.addi %mul3A_967, %add3A_968 : i32
      %mul3A_970 = arith.constant 224 : i32
      %mul3A_971 = arith.muli %add3A_969, %mul3A_970 : i32
      %add3A_972 = arith.constant 107520 : i32
      %add3A_973 = arith.addi %add3A_972, %mul3A_971 : i32
      %dma_start3A_974 = arith.constant 0 : i32
      %dma_start3A_975 = tpu.memref_slice %arg4[%add3A_973, %dma_start3A_974] : memref<282240x128xf32, #tpu.memory_space<hbm>> -> memref<224x128xf32, #tpu.memory_space<hbm>>
      %dma_start3A_976 = arith.constant 0 : i32
      %dma_start3A_977 = tpu.memref_slice %arg4[%add3A_973, %dma_start3A_976] : memref<282240x128xf32, #tpu.memory_space<hbm>> -> memref<224x128xf32, #tpu.memory_space<hbm>>
      tpu.enqueue_dma source(%arg8 : memref<224x128xf32, #tpu.memory_space<vmem>>) target(%dma_start3A_977 : memref<224x128xf32, #tpu.memory_space<hbm>>) target_semaphore(%arg16 : memref<!tpu.dma_semaphore, #tpu.memory_space<semaphore_mem>>)
      %dma_wait3A_978 = arith.constant 0 : i32
      %dma_wait3A_979 = tpu.memref_slice %arg4[%add3A_973, %dma_wait3A_978] : memref<282240x128xf32, #tpu.memory_space<hbm>> -> memref<224x128xf32, #tpu.memory_space<hbm>>
      %dma_wait3A_980 = arith.constant 0 : i32
      %dma_wait3A_981 = tpu.memref_slice %arg4[%add3A_973, %dma_wait3A_980] : memref<282240x128xf32, #tpu.memory_space<hbm>> -> memref<224x128xf32, #tpu.memory_space<hbm>>
      tpu.wait_dma2 semaphore(%arg16 : memref<!tpu.dma_semaphore, #tpu.memory_space<semaphore_mem>>) src(%arg8 : memref<224x128xf32, #tpu.memory_space<vmem>>) dst(%dma_wait3A_981 : memref<224x128xf32, #tpu.memory_space<hbm>>)
    } else {
    }
    %dma_wait3A_320 = arith.constant 0 : i32
    %dma_wait3A_321 = tpu.memref_slice %arg9[%add3A_238, %dma_wait3A_320] : memref<1792x128xf32, #tpu.memory_space<vmem_shared>> -> memref<16x128xf32, #tpu.memory_space<vmem_shared>>
    %dma_wait3A_322 = arith.constant 0 : i32
    %dma_wait3A_323 = tpu.memref_slice %arg2[%add3A_234, %dma_wait3A_322] : memref<106624x128xf32, #tpu.memory_space<hbm>> -> memref<16x128xf32, #tpu.memory_space<hbm>>
    tpu.wait_dma2 semaphore(%arg17 : memref<!tpu.dma_semaphore, #tpu.memory_space<semaphore_mem>>) src(%dma_wait3A_323 : memref<16x128xf32, #tpu.memory_space<hbm>>) dst(%dma_wait3A_321 : memref<16x128xf32, #tpu.memory_space<vmem_shared>>)
    %dma_wait3A_324 = arith.constant 0 : i32
    %dma_wait3A_325 = tpu.memref_slice %arg9[%add3A_250, %dma_wait3A_324] : memref<1792x128xf32, #tpu.memory_space<vmem_shared>> -> memref<16x128xf32, #tpu.memory_space<vmem_shared>>
    %dma_wait3A_326 = arith.constant 0 : i32
    %dma_wait3A_327 = tpu.memref_slice %arg2[%add3A_246, %dma_wait3A_326] : memref<106624x128xf32, #tpu.memory_space<hbm>> -> memref<16x128xf32, #tpu.memory_space<hbm>>
    tpu.wait_dma2 semaphore(%arg17 : memref<!tpu.dma_semaphore, #tpu.memory_space<semaphore_mem>>) src(%dma_wait3A_327 : memref<16x128xf32, #tpu.memory_space<hbm>>) dst(%dma_wait3A_325 : memref<16x128xf32, #tpu.memory_space<vmem_shared>>)
    %dma_wait3A_328 = arith.constant 0 : i32
    %dma_wait3A_329 = tpu.memref_slice %arg9[%add3A_262, %dma_wait3A_328] : memref<1792x128xf32, #tpu.memory_space<vmem_shared>> -> memref<16x128xf32, #tpu.memory_space<vmem_shared>>
    %dma_wait3A_330 = arith.constant 0 : i32
    %dma_wait3A_331 = tpu.memref_slice %arg2[%add3A_258, %dma_wait3A_330] : memref<106624x128xf32, #tpu.memory_space<hbm>> -> memref<16x128xf32, #tpu.memory_space<hbm>>
    tpu.wait_dma2 semaphore(%arg17 : memref<!tpu.dma_semaphore, #tpu.memory_space<semaphore_mem>>) src(%dma_wait3A_331 : memref<16x128xf32, #tpu.memory_space<hbm>>) dst(%dma_wait3A_329 : memref<16x128xf32, #tpu.memory_space<vmem_shared>>)
    %dma_wait3A_332 = arith.constant 0 : i32
    %dma_wait3A_333 = tpu.memref_slice %arg9[%add3A_274, %dma_wait3A_332] : memref<1792x128xf32, #tpu.memory_space<vmem_shared>> -> memref<16x128xf32, #tpu.memory_space<vmem_shared>>
    %dma_wait3A_334 = arith.constant 0 : i32
    %dma_wait3A_335 = tpu.memref_slice %arg2[%add3A_270, %dma_wait3A_334] : memref<106624x128xf32, #tpu.memory_space<hbm>> -> memref<16x128xf32, #tpu.memory_space<hbm>>
    tpu.wait_dma2 semaphore(%arg17 : memref<!tpu.dma_semaphore, #tpu.memory_space<semaphore_mem>>) src(%dma_wait3A_335 : memref<16x128xf32, #tpu.memory_space<hbm>>) dst(%dma_wait3A_333 : memref<16x128xf32, #tpu.memory_space<vmem_shared>>)
    %dma_wait3A_336 = arith.constant 0 : i32
    %dma_wait3A_337 = tpu.memref_slice %arg9[%add3A_286, %dma_wait3A_336] : memref<1792x128xf32, #tpu.memory_space<vmem_shared>> -> memref<16x128xf32, #tpu.memory_space<vmem_shared>>
    %dma_wait3A_338 = arith.constant 0 : i32
    %dma_wait3A_339 = tpu.memref_slice %arg2[%add3A_282, %dma_wait3A_338] : memref<106624x128xf32, #tpu.memory_space<hbm>> -> memref<16x128xf32, #tpu.memory_space<hbm>>
    tpu.wait_dma2 semaphore(%arg17 : memref<!tpu.dma_semaphore, #tpu.memory_space<semaphore_mem>>) src(%dma_wait3A_339 : memref<16x128xf32, #tpu.memory_space<hbm>>) dst(%dma_wait3A_337 : memref<16x128xf32, #tpu.memory_space<vmem_shared>>)
    %dma_wait3A_340 = arith.constant 0 : i32
    %dma_wait3A_341 = tpu.memref_slice %arg9[%add3A_298, %dma_wait3A_340] : memref<1792x128xf32, #tpu.memory_space<vmem_shared>> -> memref<16x128xf32, #tpu.memory_space<vmem_shared>>
    %dma_wait3A_342 = arith.constant 0 : i32
    %dma_wait3A_343 = tpu.memref_slice %arg2[%add3A_294, %dma_wait3A_342] : memref<106624x128xf32, #tpu.memory_space<hbm>> -> memref<16x128xf32, #tpu.memory_space<hbm>>
    tpu.wait_dma2 semaphore(%arg17 : memref<!tpu.dma_semaphore, #tpu.memory_space<semaphore_mem>>) src(%dma_wait3A_343 : memref<16x128xf32, #tpu.memory_space<hbm>>) dst(%dma_wait3A_341 : memref<16x128xf32, #tpu.memory_space<vmem_shared>>)
    %dma_wait3A_344 = arith.constant 0 : i32
    %dma_wait3A_345 = tpu.memref_slice %arg9[%add3A_310, %dma_wait3A_344] : memref<1792x128xf32, #tpu.memory_space<vmem_shared>> -> memref<16x128xf32, #tpu.memory_space<vmem_shared>>
    %dma_wait3A_346 = arith.constant 0 : i32
    %dma_wait3A_347 = tpu.memref_slice %arg2[%add3A_306, %dma_wait3A_346] : memref<106624x128xf32, #tpu.memory_space<hbm>> -> memref<16x128xf32, #tpu.memory_space<hbm>>
    tpu.wait_dma2 semaphore(%arg17 : memref<!tpu.dma_semaphore, #tpu.memory_space<semaphore_mem>>) src(%dma_wait3A_347 : memref<16x128xf32, #tpu.memory_space<hbm>>) dst(%dma_wait3A_345 : memref<16x128xf32, #tpu.memory_space<vmem_shared>>)
    %barrier3A_348 = arith.constant 0 : index
    tpu.barrier barrier_id(%barrier3A_348)
    %mul3A_349 = arith.constant 136 : i32
    %mul3A_350 = arith.muli %arg1, %mul3A_349 : i32
    %add3A_351 = arith.constant 45696 : i32
    %add3A_352 = arith.addi %mul3A_350, %add3A_351 : i32
    %mul3A_353 = arith.constant 16 : i32
    %mul3A_354 = arith.muli %arg1, %mul3A_353 : i32
    %add3A_355 = arith.constant 0 : i32
    %add3A_356 = arith.addi %mul3A_354, %add3A_355 : i32
    %dma_start3A_357 = arith.constant 0 : i32
    %dma_start3A_358 = tpu.memref_slice %arg10[%add3A_356, %dma_start3A_357] : memref<1792x128xf32, #tpu.memory_space<vmem_shared>> -> memref<16x128xf32, #tpu.memory_space<vmem_shared>>
    %dma_start3A_359 = arith.constant 0 : i32
    %dma_start3A_360 = tpu.memref_slice %arg2[%add3A_352, %dma_start3A_359] : memref<106624x128xf32, #tpu.memory_space<hbm>> -> memref<16x128xf32, #tpu.memory_space<hbm>>
    tpu.enqueue_dma source(%dma_start3A_360 : memref<16x128xf32, #tpu.memory_space<hbm>>) target(%dma_start3A_358 : memref<16x128xf32, #tpu.memory_space<vmem_shared>>) target_semaphore(%arg17 : memref<!tpu.dma_semaphore, #tpu.memory_space<semaphore_mem>>)
    %mul3A_361 = arith.constant 136 : i32
    %mul3A_362 = arith.muli %arg1, %mul3A_361 : i32
    %add3A_363 = arith.constant 47872 : i32
    %add3A_364 = arith.addi %mul3A_362, %add3A_363 : i32
    %mul3A_365 = arith.constant 16 : i32
    %mul3A_366 = arith.muli %arg1, %mul3A_365 : i32
    %add3A_367 = arith.constant 256 : i32
    %add3A_368 = arith.addi %mul3A_366, %add3A_367 : i32
    %dma_start3A_369 = arith.constant 0 : i32
    %dma_start3A_370 = tpu.memref_slice %arg10[%add3A_368, %dma_start3A_369] : memref<1792x128xf32, #tpu.memory_space<vmem_shared>> -> memref<16x128xf32, #tpu.memory_space<vmem_shared>>
    %dma_start3A_371 = arith.constant 0 : i32
    %dma_start3A_372 = tpu.memref_slice %arg2[%add3A_364, %dma_start3A_371] : memref<106624x128xf32, #tpu.memory_space<hbm>> -> memref<16x128xf32, #tpu.memory_space<hbm>>
    tpu.enqueue_dma source(%dma_start3A_372 : memref<16x128xf32, #tpu.memory_space<hbm>>) target(%dma_start3A_370 : memref<16x128xf32, #tpu.memory_space<vmem_shared>>) target_semaphore(%arg17 : memref<!tpu.dma_semaphore, #tpu.memory_space<semaphore_mem>>)
    %mul3A_373 = arith.constant 136 : i32
    %mul3A_374 = arith.muli %arg1, %mul3A_373 : i32
    %add3A_375 = arith.constant 50048 : i32
    %add3A_376 = arith.addi %mul3A_374, %add3A_375 : i32
    %mul3A_377 = arith.constant 16 : i32
    %mul3A_378 = arith.muli %arg1, %mul3A_377 : i32
    %add3A_379 = arith.constant 512 : i32
    %add3A_380 = arith.addi %mul3A_378, %add3A_379 : i32
    %dma_start3A_381 = arith.constant 0 : i32
    %dma_start3A_382 = tpu.memref_slice %arg10[%add3A_380, %dma_start3A_381] : memref<1792x128xf32, #tpu.memory_space<vmem_shared>> -> memref<16x128xf32, #tpu.memory_space<vmem_shared>>
    %dma_start3A_383 = arith.constant 0 : i32
    %dma_start3A_384 = tpu.memref_slice %arg2[%add3A_376, %dma_start3A_383] : memref<106624x128xf32, #tpu.memory_space<hbm>> -> memref<16x128xf32, #tpu.memory_space<hbm>>
    tpu.enqueue_dma source(%dma_start3A_384 : memref<16x128xf32, #tpu.memory_space<hbm>>) target(%dma_start3A_382 : memref<16x128xf32, #tpu.memory_space<vmem_shared>>) target_semaphore(%arg17 : memref<!tpu.dma_semaphore, #tpu.memory_space<semaphore_mem>>)
    %mul3A_385 = arith.constant 136 : i32
    %mul3A_386 = arith.muli %arg1, %mul3A_385 : i32
    %add3A_387 = arith.constant 52224 : i32
    %add3A_388 = arith.addi %mul3A_386, %add3A_387 : i32
    %mul3A_389 = arith.constant 16 : i32
    %mul3A_390 = arith.muli %arg1, %mul3A_389 : i32
    %add3A_391 = arith.constant 768 : i32
    %add3A_392 = arith.addi %mul3A_390, %add3A_391 : i32
    %dma_start3A_393 = arith.constant 0 : i32
    %dma_start3A_394 = tpu.memref_slice %arg10[%add3A_392, %dma_start3A_393] : memref<1792x128xf32, #tpu.memory_space<vmem_shared>> -> memref<16x128xf32, #tpu.memory_space<vmem_shared>>
    %dma_start3A_395 = arith.constant 0 : i32
    %dma_start3A_396 = tpu.memref_slice %arg2[%add3A_388, %dma_start3A_395] : memref<106624x128xf32, #tpu.memory_space<hbm>> -> memref<16x128xf32, #tpu.memory_space<hbm>>
    tpu.enqueue_dma source(%dma_start3A_396 : memref<16x128xf32, #tpu.memory_space<hbm>>) target(%dma_start3A_394 : memref<16x128xf32, #tpu.memory_space<vmem_shared>>) target_semaphore(%arg17 : memref<!tpu.dma_semaphore, #tpu.memory_space<semaphore_mem>>)
    %mul3A_397 = arith.constant 136 : i32
    %mul3A_398 = arith.muli %arg1, %mul3A_397 : i32
    %add3A_399 = arith.constant 54400 : i32
    %add3A_400 = arith.addi %mul3A_398, %add3A_399 : i32
    %mul3A_401 = arith.constant 16 : i32
    %mul3A_402 = arith.muli %arg1, %mul3A_401 : i32
    %add3A_403 = arith.constant 1024 : i32
    %add3A_404 = arith.addi %mul3A_402, %add3A_403 : i32
    %dma_start3A_405 = arith.constant 0 : i32
    %dma_start3A_406 = tpu.memref_slice %arg10[%add3A_404, %dma_start3A_405] : memref<1792x128xf32, #tpu.memory_space<vmem_shared>> -> memref<16x128xf32, #tpu.memory_space<vmem_shared>>
    %dma_start3A_407 = arith.constant 0 : i32
    %dma_start3A_408 = tpu.memref_slice %arg2[%add3A_400, %dma_start3A_407] : memref<106624x128xf32, #tpu.memory_space<hbm>> -> memref<16x128xf32, #tpu.memory_space<hbm>>
    tpu.enqueue_dma source(%dma_start3A_408 : memref<16x128xf32, #tpu.memory_space<hbm>>) target(%dma_start3A_406 : memref<16x128xf32, #tpu.memory_space<vmem_shared>>) target_semaphore(%arg17 : memref<!tpu.dma_semaphore, #tpu.memory_space<semaphore_mem>>)
    %mul3A_409 = arith.constant 136 : i32
    %mul3A_410 = arith.muli %arg1, %mul3A_409 : i32
    %add3A_411 = arith.constant 56576 : i32
    %add3A_412 = arith.addi %mul3A_410, %add3A_411 : i32
    %mul3A_413 = arith.constant 16 : i32
    %mul3A_414 = arith.muli %arg1, %mul3A_413 : i32
    %add3A_415 = arith.constant 1280 : i32
    %add3A_416 = arith.addi %mul3A_414, %add3A_415 : i32
    %dma_start3A_417 = arith.constant 0 : i32
    %dma_start3A_418 = tpu.memref_slice %arg10[%add3A_416, %dma_start3A_417] : memref<1792x128xf32, #tpu.memory_space<vmem_shared>> -> memref<16x128xf32, #tpu.memory_space<vmem_shared>>
    %dma_start3A_419 = arith.constant 0 : i32
    %dma_start3A_420 = tpu.memref_slice %arg2[%add3A_412, %dma_start3A_419] : memref<106624x128xf32, #tpu.memory_space<hbm>> -> memref<16x128xf32, #tpu.memory_space<hbm>>
    tpu.enqueue_dma source(%dma_start3A_420 : memref<16x128xf32, #tpu.memory_space<hbm>>) target(%dma_start3A_418 : memref<16x128xf32, #tpu.memory_space<vmem_shared>>) target_semaphore(%arg17 : memref<!tpu.dma_semaphore, #tpu.memory_space<semaphore_mem>>)
    %mul3A_421 = arith.constant 136 : i32
    %mul3A_422 = arith.muli %arg1, %mul3A_421 : i32
    %add3A_423 = arith.constant 58752 : i32
    %add3A_424 = arith.addi %mul3A_422, %add3A_423 : i32
    %mul3A_425 = arith.constant 16 : i32
    %mul3A_426 = arith.muli %arg1, %mul3A_425 : i32
    %add3A_427 = arith.constant 1536 : i32
    %add3A_428 = arith.addi %mul3A_426, %add3A_427 : i32
    %dma_start3A_429 = arith.constant 0 : i32
    %dma_start3A_430 = tpu.memref_slice %arg10[%add3A_428, %dma_start3A_429] : memref<1792x128xf32, #tpu.memory_space<vmem_shared>> -> memref<16x128xf32, #tpu.memory_space<vmem_shared>>
    %dma_start3A_431 = arith.constant 0 : i32
    %dma_start3A_432 = tpu.memref_slice %arg2[%add3A_424, %dma_start3A_431] : memref<106624x128xf32, #tpu.memory_space<hbm>> -> memref<16x128xf32, #tpu.memory_space<hbm>>
    tpu.enqueue_dma source(%dma_start3A_432 : memref<16x128xf32, #tpu.memory_space<hbm>>) target(%dma_start3A_430 : memref<16x128xf32, #tpu.memory_space<vmem_shared>>) target_semaphore(%arg17 : memref<!tpu.dma_semaphore, #tpu.memory_space<semaphore_mem>>)
    %lt3A_433 = arith.constant 30 : i32
    %lt3A_434 = arith.cmpi slt, %add3A, %lt3A_433 : i32
    %convert_element_type3A_435 = arith.extui %lt3A_434 : i1 to i32
    %cond3A_436 = arith.constant 0 : i32
    %cond3A_437 = arith.cmpi ne, %convert_element_type3A_435, %cond3A_436 : i32
    scf.if %cond3A_437 {
      %dma_start3A_826 = arith.constant 3136 : i32
      %dma_start3A_827 = tpu.memref_slice %arg5[%dma_start3A_826] : memref<9408xi32, #tpu.memory_space<vmem>> -> memref<224xi32, #tpu.memory_space<vmem>>
      %dma_start3A_828 = arith.constant 0 : i32
      %dma_start3A_829 = arith.constant 0 : i32
      %dma_start3A_830 = tpu.memref_slice %arg9[%dma_start3A_828, %dma_start3A_829] : memref<1792x128xf32, #tpu.memory_space<vmem_shared>> -> memref<1792x128xf32, #tpu.memory_space<vmem_shared>>
      tpu.enqueue_indirect_dma source(%dma_start3A_830 : memref<1792x128xf32, #tpu.memory_space<vmem_shared>>) target(%arg8 : memref<224x128xf32, #tpu.memory_space<vmem>>) offsets(%dma_start3A_827 : memref<224xi32, #tpu.memory_space<vmem>>) semaphore(%arg13 : memref<!tpu.dma_semaphore, #tpu.memory_space<semaphore_mem>>)
      %dma_wait3A_831 = arith.constant 2688 : i32
      %dma_wait3A_832 = tpu.memref_slice %arg5[%dma_wait3A_831] : memref<9408xi32, #tpu.memory_space<vmem>> -> memref<224xi32, #tpu.memory_space<vmem>>
      %dma_wait3A_833 = arith.constant 0 : i32
      %dma_wait3A_834 = arith.constant 0 : i32
      %dma_wait3A_835 = tpu.memref_slice %arg2[%dma_wait3A_833, %dma_wait3A_834] : memref<106624x128xf32, #tpu.memory_space<hbm>> -> memref<106624x128xf32, #tpu.memory_space<hbm>>
      tpu.wait_indirect_dma semaphore(%arg11 : memref<!tpu.dma_semaphore, #tpu.memory_space<semaphore_mem>>) src(%dma_wait3A_835 : memref<106624x128xf32, #tpu.memory_space<hbm>>) dst(%arg6 : memref<224x128xf32, #tpu.memory_space<vmem>>)
      %mul3A_836 = arith.constant 2 : i32
      %mul3A_837 = arith.muli %mul3A_836, %add3A : i32
      %add3A_838 = arith.constant 0 : i32
      %add3A_839 = arith.addi %mul3A_837, %add3A_838 : i32
      %mul3A_840 = arith.constant 224 : i32
      %mul3A_841 = arith.muli %add3A_839, %mul3A_840 : i32
      %add3A_842 = arith.constant 215040 : i32
      %add3A_843 = arith.addi %add3A_842, %mul3A_841 : i32
      %dma_start3A_844 = arith.constant 0 : i32
      %dma_start3A_845 = tpu.memref_slice %arg4[%add3A_843, %dma_start3A_844] : memref<282240x128xf32, #tpu.memory_space<hbm>> -> memref<224x128xf32, #tpu.memory_space<hbm>>
      %dma_start3A_846 = arith.constant 0 : i32
      %dma_start3A_847 = tpu.memref_slice %arg4[%add3A_843, %dma_start3A_846] : memref<282240x128xf32, #tpu.memory_space<hbm>> -> memref<224x128xf32, #tpu.memory_space<hbm>>
      tpu.enqueue_dma source(%arg6 : memref<224x128xf32, #tpu.memory_space<vmem>>) target(%dma_start3A_847 : memref<224x128xf32, #tpu.memory_space<hbm>>) target_semaphore(%arg14 : memref<!tpu.dma_semaphore, #tpu.memory_space<semaphore_mem>>)
      %dma_wait3A_848 = arith.constant 0 : i32
      %dma_wait3A_849 = tpu.memref_slice %arg4[%add3A_843, %dma_wait3A_848] : memref<282240x128xf32, #tpu.memory_space<hbm>> -> memref<224x128xf32, #tpu.memory_space<hbm>>
      %dma_wait3A_850 = arith.constant 0 : i32
      %dma_wait3A_851 = tpu.memref_slice %arg4[%add3A_843, %dma_wait3A_850] : memref<282240x128xf32, #tpu.memory_space<hbm>> -> memref<224x128xf32, #tpu.memory_space<hbm>>
      tpu.wait_dma2 semaphore(%arg14 : memref<!tpu.dma_semaphore, #tpu.memory_space<semaphore_mem>>) src(%arg6 : memref<224x128xf32, #tpu.memory_space<vmem>>) dst(%dma_wait3A_851 : memref<224x128xf32, #tpu.memory_space<hbm>>)
      %dma_start3A_852 = arith.constant 3360 : i32
      %dma_start3A_853 = tpu.memref_slice %arg5[%dma_start3A_852] : memref<9408xi32, #tpu.memory_space<vmem>> -> memref<224xi32, #tpu.memory_space<vmem>>
      %dma_start3A_854 = arith.constant 0 : i32
      %dma_start3A_855 = arith.constant 0 : i32
      %dma_start3A_856 = tpu.memref_slice %arg9[%dma_start3A_854, %dma_start3A_855] : memref<1792x128xf32, #tpu.memory_space<vmem_shared>> -> memref<1792x128xf32, #tpu.memory_space<vmem_shared>>
      tpu.enqueue_indirect_dma source(%dma_start3A_856 : memref<1792x128xf32, #tpu.memory_space<vmem_shared>>) target(%arg6 : memref<224x128xf32, #tpu.memory_space<vmem>>) offsets(%dma_start3A_853 : memref<224xi32, #tpu.memory_space<vmem>>) semaphore(%arg11 : memref<!tpu.dma_semaphore, #tpu.memory_space<semaphore_mem>>)
      %dma_wait3A_857 = arith.constant 2912 : i32
      %dma_wait3A_858 = tpu.memref_slice %arg5[%dma_wait3A_857] : memref<9408xi32, #tpu.memory_space<vmem>> -> memref<224xi32, #tpu.memory_space<vmem>>
      %dma_wait3A_859 = arith.constant 0 : i32
      %dma_wait3A_860 = arith.constant 0 : i32
      %dma_wait3A_861 = tpu.memref_slice %arg2[%dma_wait3A_859, %dma_wait3A_860] : memref<106624x128xf32, #tpu.memory_space<hbm>> -> memref<106624x128xf32, #tpu.memory_space<hbm>>
      tpu.wait_indirect_dma semaphore(%arg12 : memref<!tpu.dma_semaphore, #tpu.memory_space<semaphore_mem>>) src(%dma_wait3A_861 : memref<106624x128xf32, #tpu.memory_space<hbm>>) dst(%arg7 : memref<224x128xf32, #tpu.memory_space<vmem>>)
      %mul3A_862 = arith.constant 2 : i32
      %mul3A_863 = arith.muli %mul3A_862, %add3A : i32
      %add3A_864 = arith.constant 1 : i32
      %add3A_865 = arith.addi %mul3A_863, %add3A_864 : i32
      %mul3A_866 = arith.constant 224 : i32
      %mul3A_867 = arith.muli %add3A_865, %mul3A_866 : i32
      %add3A_868 = arith.constant 215040 : i32
      %add3A_869 = arith.addi %add3A_868, %mul3A_867 : i32
      %dma_start3A_870 = arith.constant 0 : i32
      %dma_start3A_871 = tpu.memref_slice %arg4[%add3A_869, %dma_start3A_870] : memref<282240x128xf32, #tpu.memory_space<hbm>> -> memref<224x128xf32, #tpu.memory_space<hbm>>
      %dma_start3A_872 = arith.constant 0 : i32
      %dma_start3A_873 = tpu.memref_slice %arg4[%add3A_869, %dma_start3A_872] : memref<282240x128xf32, #tpu.memory_space<hbm>> -> memref<224x128xf32, #tpu.memory_space<hbm>>
      tpu.enqueue_dma source(%arg7 : memref<224x128xf32, #tpu.memory_space<vmem>>) target(%dma_start3A_873 : memref<224x128xf32, #tpu.memory_space<hbm>>) target_semaphore(%arg15 : memref<!tpu.dma_semaphore, #tpu.memory_space<semaphore_mem>>)
      %dma_wait3A_874 = arith.constant 0 : i32
      %dma_wait3A_875 = tpu.memref_slice %arg4[%add3A_869, %dma_wait3A_874] : memref<282240x128xf32, #tpu.memory_space<hbm>> -> memref<224x128xf32, #tpu.memory_space<hbm>>
      %dma_wait3A_876 = arith.constant 0 : i32
      %dma_wait3A_877 = tpu.memref_slice %arg4[%add3A_869, %dma_wait3A_876] : memref<282240x128xf32, #tpu.memory_space<hbm>> -> memref<224x128xf32, #tpu.memory_space<hbm>>
      tpu.wait_dma2 semaphore(%arg15 : memref<!tpu.dma_semaphore, #tpu.memory_space<semaphore_mem>>) src(%arg7 : memref<224x128xf32, #tpu.memory_space<vmem>>) dst(%dma_wait3A_877 : memref<224x128xf32, #tpu.memory_space<hbm>>)
      %dma_start3A_878 = arith.constant 3584 : i32
      %dma_start3A_879 = tpu.memref_slice %arg5[%dma_start3A_878] : memref<9408xi32, #tpu.memory_space<vmem>> -> memref<224xi32, #tpu.memory_space<vmem>>
      %dma_start3A_880 = arith.constant 0 : i32
      %dma_start3A_881 = arith.constant 0 : i32
      %dma_start3A_882 = tpu.memref_slice %arg9[%dma_start3A_880, %dma_start3A_881] : memref<1792x128xf32, #tpu.memory_space<vmem_shared>> -> memref<1792x128xf32, #tpu.memory_space<vmem_shared>>
      tpu.enqueue_indirect_dma source(%dma_start3A_882 : memref<1792x128xf32, #tpu.memory_space<vmem_shared>>) target(%arg7 : memref<224x128xf32, #tpu.memory_space<vmem>>) offsets(%dma_start3A_879 : memref<224xi32, #tpu.memory_space<vmem>>) semaphore(%arg12 : memref<!tpu.dma_semaphore, #tpu.memory_space<semaphore_mem>>)
      %dma_wait3A_883 = arith.constant 3136 : i32
      %dma_wait3A_884 = tpu.memref_slice %arg5[%dma_wait3A_883] : memref<9408xi32, #tpu.memory_space<vmem>> -> memref<224xi32, #tpu.memory_space<vmem>>
      %dma_wait3A_885 = arith.constant 0 : i32
      %dma_wait3A_886 = arith.constant 0 : i32
      %dma_wait3A_887 = tpu.memref_slice %arg9[%dma_wait3A_885, %dma_wait3A_886] : memref<1792x128xf32, #tpu.memory_space<vmem_shared>> -> memref<1792x128xf32, #tpu.memory_space<vmem_shared>>
      tpu.wait_indirect_dma semaphore(%arg13 : memref<!tpu.dma_semaphore, #tpu.memory_space<semaphore_mem>>) src(%dma_wait3A_887 : memref<1792x128xf32, #tpu.memory_space<vmem_shared>>) dst(%arg8 : memref<224x128xf32, #tpu.memory_space<vmem>>)
      %mul3A_888 = arith.constant 2 : i32
      %mul3A_889 = arith.muli %mul3A_888, %add3A : i32
      %add3A_890 = arith.constant 0 : i32
      %add3A_891 = arith.addi %mul3A_889, %add3A_890 : i32
      %mul3A_892 = arith.constant 224 : i32
      %mul3A_893 = arith.muli %add3A_891, %mul3A_892 : i32
      %add3A_894 = arith.constant 26880 : i32
      %add3A_895 = arith.addi %add3A_894, %mul3A_893 : i32
      %dma_start3A_896 = arith.constant 0 : i32
      %dma_start3A_897 = tpu.memref_slice %arg4[%add3A_895, %dma_start3A_896] : memref<282240x128xf32, #tpu.memory_space<hbm>> -> memref<224x128xf32, #tpu.memory_space<hbm>>
      %dma_start3A_898 = arith.constant 0 : i32
      %dma_start3A_899 = tpu.memref_slice %arg4[%add3A_895, %dma_start3A_898] : memref<282240x128xf32, #tpu.memory_space<hbm>> -> memref<224x128xf32, #tpu.memory_space<hbm>>
      tpu.enqueue_dma source(%arg8 : memref<224x128xf32, #tpu.memory_space<vmem>>) target(%dma_start3A_899 : memref<224x128xf32, #tpu.memory_space<hbm>>) target_semaphore(%arg16 : memref<!tpu.dma_semaphore, #tpu.memory_space<semaphore_mem>>)
      %dma_wait3A_900 = arith.constant 0 : i32
      %dma_wait3A_901 = tpu.memref_slice %arg4[%add3A_895, %dma_wait3A_900] : memref<282240x128xf32, #tpu.memory_space<hbm>> -> memref<224x128xf32, #tpu.memory_space<hbm>>
      %dma_wait3A_902 = arith.constant 0 : i32
      %dma_wait3A_903 = tpu.memref_slice %arg4[%add3A_895, %dma_wait3A_902] : memref<282240x128xf32, #tpu.memory_space<hbm>> -> memref<224x128xf32, #tpu.memory_space<hbm>>
      tpu.wait_dma2 semaphore(%arg16 : memref<!tpu.dma_semaphore, #tpu.memory_space<semaphore_mem>>) src(%arg8 : memref<224x128xf32, #tpu.memory_space<vmem>>) dst(%dma_wait3A_903 : memref<224x128xf32, #tpu.memory_space<hbm>>)
      %dma_start3A_904 = arith.constant 3808 : i32
      %dma_start3A_905 = tpu.memref_slice %arg5[%dma_start3A_904] : memref<9408xi32, #tpu.memory_space<vmem>> -> memref<224xi32, #tpu.memory_space<vmem>>
      %dma_start3A_906 = arith.constant 0 : i32
      %dma_start3A_907 = arith.constant 0 : i32
      %dma_start3A_908 = tpu.memref_slice %arg9[%dma_start3A_906, %dma_start3A_907] : memref<1792x128xf32, #tpu.memory_space<vmem_shared>> -> memref<1792x128xf32, #tpu.memory_space<vmem_shared>>
      tpu.enqueue_indirect_dma source(%dma_start3A_908 : memref<1792x128xf32, #tpu.memory_space<vmem_shared>>) target(%arg8 : memref<224x128xf32, #tpu.memory_space<vmem>>) offsets(%dma_start3A_905 : memref<224xi32, #tpu.memory_space<vmem>>) semaphore(%arg13 : memref<!tpu.dma_semaphore, #tpu.memory_space<semaphore_mem>>)
      %dma_wait3A_909 = arith.constant 3360 : i32
      %dma_wait3A_910 = tpu.memref_slice %arg5[%dma_wait3A_909] : memref<9408xi32, #tpu.memory_space<vmem>> -> memref<224xi32, #tpu.memory_space<vmem>>
      %dma_wait3A_911 = arith.constant 0 : i32
      %dma_wait3A_912 = arith.constant 0 : i32
      %dma_wait3A_913 = tpu.memref_slice %arg9[%dma_wait3A_911, %dma_wait3A_912] : memref<1792x128xf32, #tpu.memory_space<vmem_shared>> -> memref<1792x128xf32, #tpu.memory_space<vmem_shared>>
      tpu.wait_indirect_dma semaphore(%arg11 : memref<!tpu.dma_semaphore, #tpu.memory_space<semaphore_mem>>) src(%dma_wait3A_913 : memref<1792x128xf32, #tpu.memory_space<vmem_shared>>) dst(%arg6 : memref<224x128xf32, #tpu.memory_space<vmem>>)
      %mul3A_914 = arith.constant 2 : i32
      %mul3A_915 = arith.muli %mul3A_914, %add3A : i32
      %add3A_916 = arith.constant 1 : i32
      %add3A_917 = arith.addi %mul3A_915, %add3A_916 : i32
      %mul3A_918 = arith.constant 224 : i32
      %mul3A_919 = arith.muli %add3A_917, %mul3A_918 : i32
      %add3A_920 = arith.constant 26880 : i32
      %add3A_921 = arith.addi %add3A_920, %mul3A_919 : i32
      %dma_start3A_922 = arith.constant 0 : i32
      %dma_start3A_923 = tpu.memref_slice %arg4[%add3A_921, %dma_start3A_922] : memref<282240x128xf32, #tpu.memory_space<hbm>> -> memref<224x128xf32, #tpu.memory_space<hbm>>
      %dma_start3A_924 = arith.constant 0 : i32
      %dma_start3A_925 = tpu.memref_slice %arg4[%add3A_921, %dma_start3A_924] : memref<282240x128xf32, #tpu.memory_space<hbm>> -> memref<224x128xf32, #tpu.memory_space<hbm>>
      tpu.enqueue_dma source(%arg6 : memref<224x128xf32, #tpu.memory_space<vmem>>) target(%dma_start3A_925 : memref<224x128xf32, #tpu.memory_space<hbm>>) target_semaphore(%arg14 : memref<!tpu.dma_semaphore, #tpu.memory_space<semaphore_mem>>)
      %dma_wait3A_926 = arith.constant 0 : i32
      %dma_wait3A_927 = tpu.memref_slice %arg4[%add3A_921, %dma_wait3A_926] : memref<282240x128xf32, #tpu.memory_space<hbm>> -> memref<224x128xf32, #tpu.memory_space<hbm>>
      %dma_wait3A_928 = arith.constant 0 : i32
      %dma_wait3A_929 = tpu.memref_slice %arg4[%add3A_921, %dma_wait3A_928] : memref<282240x128xf32, #tpu.memory_space<hbm>> -> memref<224x128xf32, #tpu.memory_space<hbm>>
      tpu.wait_dma2 semaphore(%arg14 : memref<!tpu.dma_semaphore, #tpu.memory_space<semaphore_mem>>) src(%arg6 : memref<224x128xf32, #tpu.memory_space<vmem>>) dst(%dma_wait3A_929 : memref<224x128xf32, #tpu.memory_space<hbm>>)
      %dma_start3A_930 = arith.constant 4032 : i32
      %dma_start3A_931 = tpu.memref_slice %arg5[%dma_start3A_930] : memref<9408xi32, #tpu.memory_space<vmem>> -> memref<224xi32, #tpu.memory_space<vmem>>
      %dma_start3A_932 = arith.constant 0 : i32
      %dma_start3A_933 = arith.constant 0 : i32
      %dma_start3A_934 = tpu.memref_slice %arg2[%dma_start3A_932, %dma_start3A_933] : memref<106624x128xf32, #tpu.memory_space<hbm>> -> memref<106624x128xf32, #tpu.memory_space<hbm>>
      tpu.enqueue_indirect_dma source(%dma_start3A_934 : memref<106624x128xf32, #tpu.memory_space<hbm>>) target(%arg6 : memref<224x128xf32, #tpu.memory_space<vmem>>) offsets(%dma_start3A_931 : memref<224xi32, #tpu.memory_space<vmem>>) semaphore(%arg11 : memref<!tpu.dma_semaphore, #tpu.memory_space<semaphore_mem>>)
      %dma_wait3A_935 = arith.constant 3584 : i32
      %dma_wait3A_936 = tpu.memref_slice %arg5[%dma_wait3A_935] : memref<9408xi32, #tpu.memory_space<vmem>> -> memref<224xi32, #tpu.memory_space<vmem>>
      %dma_wait3A_937 = arith.constant 0 : i32
      %dma_wait3A_938 = arith.constant 0 : i32
      %dma_wait3A_939 = tpu.memref_slice %arg9[%dma_wait3A_937, %dma_wait3A_938] : memref<1792x128xf32, #tpu.memory_space<vmem_shared>> -> memref<1792x128xf32, #tpu.memory_space<vmem_shared>>
      tpu.wait_indirect_dma semaphore(%arg12 : memref<!tpu.dma_semaphore, #tpu.memory_space<semaphore_mem>>) src(%dma_wait3A_939 : memref<1792x128xf32, #tpu.memory_space<vmem_shared>>) dst(%arg7 : memref<224x128xf32, #tpu.memory_space<vmem>>)
      %mul3A_940 = arith.constant 2 : i32
      %mul3A_941 = arith.muli %mul3A_940, %add3A : i32
      %add3A_942 = arith.constant 0 : i32
      %add3A_943 = arith.addi %mul3A_941, %add3A_942 : i32
      %mul3A_944 = arith.constant 224 : i32
      %mul3A_945 = arith.muli %add3A_943, %mul3A_944 : i32
      %add3A_946 = arith.constant 120960 : i32
      %add3A_947 = arith.addi %add3A_946, %mul3A_945 : i32
      %dma_start3A_948 = arith.constant 0 : i32
      %dma_start3A_949 = tpu.memref_slice %arg4[%add3A_947, %dma_start3A_948] : memref<282240x128xf32, #tpu.memory_space<hbm>> -> memref<224x128xf32, #tpu.memory_space<hbm>>
      %dma_start3A_950 = arith.constant 0 : i32
      %dma_start3A_951 = tpu.memref_slice %arg4[%add3A_947, %dma_start3A_950] : memref<282240x128xf32, #tpu.memory_space<hbm>> -> memref<224x128xf32, #tpu.memory_space<hbm>>
      tpu.enqueue_dma source(%arg7 : memref<224x128xf32, #tpu.memory_space<vmem>>) target(%dma_start3A_951 : memref<224x128xf32, #tpu.memory_space<hbm>>) target_semaphore(%arg15 : memref<!tpu.dma_semaphore, #tpu.memory_space<semaphore_mem>>)
      %dma_wait3A_952 = arith.constant 0 : i32
      %dma_wait3A_953 = tpu.memref_slice %arg4[%add3A_947, %dma_wait3A_952] : memref<282240x128xf32, #tpu.memory_space<hbm>> -> memref<224x128xf32, #tpu.memory_space<hbm>>
      %dma_wait3A_954 = arith.constant 0 : i32
      %dma_wait3A_955 = tpu.memref_slice %arg4[%add3A_947, %dma_wait3A_954] : memref<282240x128xf32, #tpu.memory_space<hbm>> -> memref<224x128xf32, #tpu.memory_space<hbm>>
      tpu.wait_dma2 semaphore(%arg15 : memref<!tpu.dma_semaphore, #tpu.memory_space<semaphore_mem>>) src(%arg7 : memref<224x128xf32, #tpu.memory_space<vmem>>) dst(%dma_wait3A_955 : memref<224x128xf32, #tpu.memory_space<hbm>>)
      %dma_start3A_956 = arith.constant 4256 : i32
      %dma_start3A_957 = tpu.memref_slice %arg5[%dma_start3A_956] : memref<9408xi32, #tpu.memory_space<vmem>> -> memref<224xi32, #tpu.memory_space<vmem>>
      %dma_start3A_958 = arith.constant 0 : i32
      %dma_start3A_959 = arith.constant 0 : i32
      %dma_start3A_960 = tpu.memref_slice %arg2[%dma_start3A_958, %dma_start3A_959] : memref<106624x128xf32, #tpu.memory_space<hbm>> -> memref<106624x128xf32, #tpu.memory_space<hbm>>
      tpu.enqueue_indirect_dma source(%dma_start3A_960 : memref<106624x128xf32, #tpu.memory_space<hbm>>) target(%arg7 : memref<224x128xf32, #tpu.memory_space<vmem>>) offsets(%dma_start3A_957 : memref<224xi32, #tpu.memory_space<vmem>>) semaphore(%arg12 : memref<!tpu.dma_semaphore, #tpu.memory_space<semaphore_mem>>)
      %dma_wait3A_961 = arith.constant 3808 : i32
      %dma_wait3A_962 = tpu.memref_slice %arg5[%dma_wait3A_961] : memref<9408xi32, #tpu.memory_space<vmem>> -> memref<224xi32, #tpu.memory_space<vmem>>
      %dma_wait3A_963 = arith.constant 0 : i32
      %dma_wait3A_964 = arith.constant 0 : i32
      %dma_wait3A_965 = tpu.memref_slice %arg9[%dma_wait3A_963, %dma_wait3A_964] : memref<1792x128xf32, #tpu.memory_space<vmem_shared>> -> memref<1792x128xf32, #tpu.memory_space<vmem_shared>>
      tpu.wait_indirect_dma semaphore(%arg13 : memref<!tpu.dma_semaphore, #tpu.memory_space<semaphore_mem>>) src(%dma_wait3A_965 : memref<1792x128xf32, #tpu.memory_space<vmem_shared>>) dst(%arg8 : memref<224x128xf32, #tpu.memory_space<vmem>>)
      %mul3A_966 = arith.constant 2 : i32
      %mul3A_967 = arith.muli %mul3A_966, %add3A : i32
      %add3A_968 = arith.constant 1 : i32
      %add3A_969 = arith.addi %mul3A_967, %add3A_968 : i32
      %mul3A_970 = arith.constant 224 : i32
      %mul3A_971 = arith.muli %add3A_969, %mul3A_970 : i32
      %add3A_972 = arith.constant 120960 : i32
      %add3A_973 = arith.addi %add3A_972, %mul3A_971 : i32
      %dma_start3A_974 = arith.constant 0 : i32
      %dma_start3A_975 = tpu.memref_slice %arg4[%add3A_973, %dma_start3A_974] : memref<282240x128xf32, #tpu.memory_space<hbm>> -> memref<224x128xf32, #tpu.memory_space<hbm>>
      %dma_start3A_976 = arith.constant 0 : i32
      %dma_start3A_977 = tpu.memref_slice %arg4[%add3A_973, %dma_start3A_976] : memref<282240x128xf32, #tpu.memory_space<hbm>> -> memref<224x128xf32, #tpu.memory_space<hbm>>
      tpu.enqueue_dma source(%arg8 : memref<224x128xf32, #tpu.memory_space<vmem>>) target(%dma_start3A_977 : memref<224x128xf32, #tpu.memory_space<hbm>>) target_semaphore(%arg16 : memref<!tpu.dma_semaphore, #tpu.memory_space<semaphore_mem>>)
      %dma_wait3A_978 = arith.constant 0 : i32
      %dma_wait3A_979 = tpu.memref_slice %arg4[%add3A_973, %dma_wait3A_978] : memref<282240x128xf32, #tpu.memory_space<hbm>> -> memref<224x128xf32, #tpu.memory_space<hbm>>
      %dma_wait3A_980 = arith.constant 0 : i32
      %dma_wait3A_981 = tpu.memref_slice %arg4[%add3A_973, %dma_wait3A_980] : memref<282240x128xf32, #tpu.memory_space<hbm>> -> memref<224x128xf32, #tpu.memory_space<hbm>>
      tpu.wait_dma2 semaphore(%arg16 : memref<!tpu.dma_semaphore, #tpu.memory_space<semaphore_mem>>) src(%arg8 : memref<224x128xf32, #tpu.memory_space<vmem>>) dst(%dma_wait3A_981 : memref<224x128xf32, #tpu.memory_space<hbm>>)
    } else {
    }
    %dma_wait3A_438 = arith.constant 0 : i32
    %dma_wait3A_439 = tpu.memref_slice %arg10[%add3A_356, %dma_wait3A_438] : memref<1792x128xf32, #tpu.memory_space<vmem_shared>> -> memref<16x128xf32, #tpu.memory_space<vmem_shared>>
    %dma_wait3A_440 = arith.constant 0 : i32
    %dma_wait3A_441 = tpu.memref_slice %arg2[%add3A_352, %dma_wait3A_440] : memref<106624x128xf32, #tpu.memory_space<hbm>> -> memref<16x128xf32, #tpu.memory_space<hbm>>
    tpu.wait_dma2 semaphore(%arg17 : memref<!tpu.dma_semaphore, #tpu.memory_space<semaphore_mem>>) src(%dma_wait3A_441 : memref<16x128xf32, #tpu.memory_space<hbm>>) dst(%dma_wait3A_439 : memref<16x128xf32, #tpu.memory_space<vmem_shared>>)
    %dma_wait3A_442 = arith.constant 0 : i32
    %dma_wait3A_443 = tpu.memref_slice %arg10[%add3A_368, %dma_wait3A_442] : memref<1792x128xf32, #tpu.memory_space<vmem_shared>> -> memref<16x128xf32, #tpu.memory_space<vmem_shared>>
    %dma_wait3A_444 = arith.constant 0 : i32
    %dma_wait3A_445 = tpu.memref_slice %arg2[%add3A_364, %dma_wait3A_444] : memref<106624x128xf32, #tpu.memory_space<hbm>> -> memref<16x128xf32, #tpu.memory_space<hbm>>
    tpu.wait_dma2 semaphore(%arg17 : memref<!tpu.dma_semaphore, #tpu.memory_space<semaphore_mem>>) src(%dma_wait3A_445 : memref<16x128xf32, #tpu.memory_space<hbm>>) dst(%dma_wait3A_443 : memref<16x128xf32, #tpu.memory_space<vmem_shared>>)
    %dma_wait3A_446 = arith.constant 0 : i32
    %dma_wait3A_447 = tpu.memref_slice %arg10[%add3A_380, %dma_wait3A_446] : memref<1792x128xf32, #tpu.memory_space<vmem_shared>> -> memref<16x128xf32, #tpu.memory_space<vmem_shared>>
    %dma_wait3A_448 = arith.constant 0 : i32
    %dma_wait3A_449 = tpu.memref_slice %arg2[%add3A_376, %dma_wait3A_448] : memref<106624x128xf32, #tpu.memory_space<hbm>> -> memref<16x128xf32, #tpu.memory_space<hbm>>
    tpu.wait_dma2 semaphore(%arg17 : memref<!tpu.dma_semaphore, #tpu.memory_space<semaphore_mem>>) src(%dma_wait3A_449 : memref<16x128xf32, #tpu.memory_space<hbm>>) dst(%dma_wait3A_447 : memref<16x128xf32, #tpu.memory_space<vmem_shared>>)
    %dma_wait3A_450 = arith.constant 0 : i32
    %dma_wait3A_451 = tpu.memref_slice %arg10[%add3A_392, %dma_wait3A_450] : memref<1792x128xf32, #tpu.memory_space<vmem_shared>> -> memref<16x128xf32, #tpu.memory_space<vmem_shared>>
    %dma_wait3A_452 = arith.constant 0 : i32
    %dma_wait3A_453 = tpu.memref_slice %arg2[%add3A_388, %dma_wait3A_452] : memref<106624x128xf32, #tpu.memory_space<hbm>> -> memref<16x128xf32, #tpu.memory_space<hbm>>
    tpu.wait_dma2 semaphore(%arg17 : memref<!tpu.dma_semaphore, #tpu.memory_space<semaphore_mem>>) src(%dma_wait3A_453 : memref<16x128xf32, #tpu.memory_space<hbm>>) dst(%dma_wait3A_451 : memref<16x128xf32, #tpu.memory_space<vmem_shared>>)
    %dma_wait3A_454 = arith.constant 0 : i32
    %dma_wait3A_455 = tpu.memref_slice %arg10[%add3A_404, %dma_wait3A_454] : memref<1792x128xf32, #tpu.memory_space<vmem_shared>> -> memref<16x128xf32, #tpu.memory_space<vmem_shared>>
    %dma_wait3A_456 = arith.constant 0 : i32
    %dma_wait3A_457 = tpu.memref_slice %arg2[%add3A_400, %dma_wait3A_456] : memref<106624x128xf32, #tpu.memory_space<hbm>> -> memref<16x128xf32, #tpu.memory_space<hbm>>
    tpu.wait_dma2 semaphore(%arg17 : memref<!tpu.dma_semaphore, #tpu.memory_space<semaphore_mem>>) src(%dma_wait3A_457 : memref<16x128xf32, #tpu.memory_space<hbm>>) dst(%dma_wait3A_455 : memref<16x128xf32, #tpu.memory_space<vmem_shared>>)
    %dma_wait3A_458 = arith.constant 0 : i32
    %dma_wait3A_459 = tpu.memref_slice %arg10[%add3A_416, %dma_wait3A_458] : memref<1792x128xf32, #tpu.memory_space<vmem_shared>> -> memref<16x128xf32, #tpu.memory_space<vmem_shared>>
    %dma_wait3A_460 = arith.constant 0 : i32
    %dma_wait3A_461 = tpu.memref_slice %arg2[%add3A_412, %dma_wait3A_460] : memref<106624x128xf32, #tpu.memory_space<hbm>> -> memref<16x128xf32, #tpu.memory_space<hbm>>
    tpu.wait_dma2 semaphore(%arg17 : memref<!tpu.dma_semaphore, #tpu.memory_space<semaphore_mem>>) src(%dma_wait3A_461 : memref<16x128xf32, #tpu.memory_space<hbm>>) dst(%dma_wait3A_459 : memref<16x128xf32, #tpu.memory_space<vmem_shared>>)
    %dma_wait3A_462 = arith.constant 0 : i32
    %dma_wait3A_463 = tpu.memref_slice %arg10[%add3A_428, %dma_wait3A_462] : memref<1792x128xf32, #tpu.memory_space<vmem_shared>> -> memref<16x128xf32, #tpu.memory_space<vmem_shared>>
    %dma_wait3A_464 = arith.constant 0 : i32
    %dma_wait3A_465 = tpu.memref_slice %arg2[%add3A_424, %dma_wait3A_464] : memref<106624x128xf32, #tpu.memory_space<hbm>> -> memref<16x128xf32, #tpu.memory_space<hbm>>
    tpu.wait_dma2 semaphore(%arg17 : memref<!tpu.dma_semaphore, #tpu.memory_space<semaphore_mem>>) src(%dma_wait3A_465 : memref<16x128xf32, #tpu.memory_space<hbm>>) dst(%dma_wait3A_463 : memref<16x128xf32, #tpu.memory_space<vmem_shared>>)
    %barrier3A_466 = arith.constant 0 : index
    tpu.barrier barrier_id(%barrier3A_466)
    %mul3A_467 = arith.constant 136 : i32
    %mul3A_468 = arith.muli %arg1, %mul3A_467 : i32
    %add3A_469 = arith.constant 60928 : i32
    %add3A_470 = arith.addi %mul3A_468, %add3A_469 : i32
    %mul3A_471 = arith.constant 16 : i32
    %mul3A_472 = arith.muli %arg1, %mul3A_471 : i32
    %add3A_473 = arith.constant 0 : i32
    %add3A_474 = arith.addi %mul3A_472, %add3A_473 : i32
    %dma_start3A_475 = arith.constant 0 : i32
    %dma_start3A_476 = tpu.memref_slice %arg9[%add3A_474, %dma_start3A_475] : memref<1792x128xf32, #tpu.memory_space<vmem_shared>> -> memref<16x128xf32, #tpu.memory_space<vmem_shared>>
    %dma_start3A_477 = arith.constant 0 : i32
    %dma_start3A_478 = tpu.memref_slice %arg2[%add3A_470, %dma_start3A_477] : memref<106624x128xf32, #tpu.memory_space<hbm>> -> memref<16x128xf32, #tpu.memory_space<hbm>>
    tpu.enqueue_dma source(%dma_start3A_478 : memref<16x128xf32, #tpu.memory_space<hbm>>) target(%dma_start3A_476 : memref<16x128xf32, #tpu.memory_space<vmem_shared>>) target_semaphore(%arg17 : memref<!tpu.dma_semaphore, #tpu.memory_space<semaphore_mem>>)
    %mul3A_479 = arith.constant 136 : i32
    %mul3A_480 = arith.muli %arg1, %mul3A_479 : i32
    %add3A_481 = arith.constant 63104 : i32
    %add3A_482 = arith.addi %mul3A_480, %add3A_481 : i32
    %mul3A_483 = arith.constant 16 : i32
    %mul3A_484 = arith.muli %arg1, %mul3A_483 : i32
    %add3A_485 = arith.constant 256 : i32
    %add3A_486 = arith.addi %mul3A_484, %add3A_485 : i32
    %dma_start3A_487 = arith.constant 0 : i32
    %dma_start3A_488 = tpu.memref_slice %arg9[%add3A_486, %dma_start3A_487] : memref<1792x128xf32, #tpu.memory_space<vmem_shared>> -> memref<16x128xf32, #tpu.memory_space<vmem_shared>>
    %dma_start3A_489 = arith.constant 0 : i32
    %dma_start3A_490 = tpu.memref_slice %arg2[%add3A_482, %dma_start3A_489] : memref<106624x128xf32, #tpu.memory_space<hbm>> -> memref<16x128xf32, #tpu.memory_space<hbm>>
    tpu.enqueue_dma source(%dma_start3A_490 : memref<16x128xf32, #tpu.memory_space<hbm>>) target(%dma_start3A_488 : memref<16x128xf32, #tpu.memory_space<vmem_shared>>) target_semaphore(%arg17 : memref<!tpu.dma_semaphore, #tpu.memory_space<semaphore_mem>>)
    %mul3A_491 = arith.constant 136 : i32
    %mul3A_492 = arith.muli %arg1, %mul3A_491 : i32
    %add3A_493 = arith.constant 65280 : i32
    %add3A_494 = arith.addi %mul3A_492, %add3A_493 : i32
    %mul3A_495 = arith.constant 16 : i32
    %mul3A_496 = arith.muli %arg1, %mul3A_495 : i32
    %add3A_497 = arith.constant 512 : i32
    %add3A_498 = arith.addi %mul3A_496, %add3A_497 : i32
    %dma_start3A_499 = arith.constant 0 : i32
    %dma_start3A_500 = tpu.memref_slice %arg9[%add3A_498, %dma_start3A_499] : memref<1792x128xf32, #tpu.memory_space<vmem_shared>> -> memref<16x128xf32, #tpu.memory_space<vmem_shared>>
    %dma_start3A_501 = arith.constant 0 : i32
    %dma_start3A_502 = tpu.memref_slice %arg2[%add3A_494, %dma_start3A_501] : memref<106624x128xf32, #tpu.memory_space<hbm>> -> memref<16x128xf32, #tpu.memory_space<hbm>>
    tpu.enqueue_dma source(%dma_start3A_502 : memref<16x128xf32, #tpu.memory_space<hbm>>) target(%dma_start3A_500 : memref<16x128xf32, #tpu.memory_space<vmem_shared>>) target_semaphore(%arg17 : memref<!tpu.dma_semaphore, #tpu.memory_space<semaphore_mem>>)
    %mul3A_503 = arith.constant 136 : i32
    %mul3A_504 = arith.muli %arg1, %mul3A_503 : i32
    %add3A_505 = arith.constant 67456 : i32
    %add3A_506 = arith.addi %mul3A_504, %add3A_505 : i32
    %mul3A_507 = arith.constant 16 : i32
    %mul3A_508 = arith.muli %arg1, %mul3A_507 : i32
    %add3A_509 = arith.constant 768 : i32
    %add3A_510 = arith.addi %mul3A_508, %add3A_509 : i32
    %dma_start3A_511 = arith.constant 0 : i32
    %dma_start3A_512 = tpu.memref_slice %arg9[%add3A_510, %dma_start3A_511] : memref<1792x128xf32, #tpu.memory_space<vmem_shared>> -> memref<16x128xf32, #tpu.memory_space<vmem_shared>>
    %dma_start3A_513 = arith.constant 0 : i32
    %dma_start3A_514 = tpu.memref_slice %arg2[%add3A_506, %dma_start3A_513] : memref<106624x128xf32, #tpu.memory_space<hbm>> -> memref<16x128xf32, #tpu.memory_space<hbm>>
    tpu.enqueue_dma source(%dma_start3A_514 : memref<16x128xf32, #tpu.memory_space<hbm>>) target(%dma_start3A_512 : memref<16x128xf32, #tpu.memory_space<vmem_shared>>) target_semaphore(%arg17 : memref<!tpu.dma_semaphore, #tpu.memory_space<semaphore_mem>>)
    %mul3A_515 = arith.constant 136 : i32
    %mul3A_516 = arith.muli %arg1, %mul3A_515 : i32
    %add3A_517 = arith.constant 69632 : i32
    %add3A_518 = arith.addi %mul3A_516, %add3A_517 : i32
    %mul3A_519 = arith.constant 16 : i32
    %mul3A_520 = arith.muli %arg1, %mul3A_519 : i32
    %add3A_521 = arith.constant 1024 : i32
    %add3A_522 = arith.addi %mul3A_520, %add3A_521 : i32
    %dma_start3A_523 = arith.constant 0 : i32
    %dma_start3A_524 = tpu.memref_slice %arg9[%add3A_522, %dma_start3A_523] : memref<1792x128xf32, #tpu.memory_space<vmem_shared>> -> memref<16x128xf32, #tpu.memory_space<vmem_shared>>
    %dma_start3A_525 = arith.constant 0 : i32
    %dma_start3A_526 = tpu.memref_slice %arg2[%add3A_518, %dma_start3A_525] : memref<106624x128xf32, #tpu.memory_space<hbm>> -> memref<16x128xf32, #tpu.memory_space<hbm>>
    tpu.enqueue_dma source(%dma_start3A_526 : memref<16x128xf32, #tpu.memory_space<hbm>>) target(%dma_start3A_524 : memref<16x128xf32, #tpu.memory_space<vmem_shared>>) target_semaphore(%arg17 : memref<!tpu.dma_semaphore, #tpu.memory_space<semaphore_mem>>)
    %mul3A_527 = arith.constant 136 : i32
    %mul3A_528 = arith.muli %arg1, %mul3A_527 : i32
    %add3A_529 = arith.constant 71808 : i32
    %add3A_530 = arith.addi %mul3A_528, %add3A_529 : i32
    %mul3A_531 = arith.constant 16 : i32
    %mul3A_532 = arith.muli %arg1, %mul3A_531 : i32
    %add3A_533 = arith.constant 1280 : i32
    %add3A_534 = arith.addi %mul3A_532, %add3A_533 : i32
    %dma_start3A_535 = arith.constant 0 : i32
    %dma_start3A_536 = tpu.memref_slice %arg9[%add3A_534, %dma_start3A_535] : memref<1792x128xf32, #tpu.memory_space<vmem_shared>> -> memref<16x128xf32, #tpu.memory_space<vmem_shared>>
    %dma_start3A_537 = arith.constant 0 : i32
    %dma_start3A_538 = tpu.memref_slice %arg2[%add3A_530, %dma_start3A_537] : memref<106624x128xf32, #tpu.memory_space<hbm>> -> memref<16x128xf32, #tpu.memory_space<hbm>>
    tpu.enqueue_dma source(%dma_start3A_538 : memref<16x128xf32, #tpu.memory_space<hbm>>) target(%dma_start3A_536 : memref<16x128xf32, #tpu.memory_space<vmem_shared>>) target_semaphore(%arg17 : memref<!tpu.dma_semaphore, #tpu.memory_space<semaphore_mem>>)
    %mul3A_539 = arith.constant 136 : i32
    %mul3A_540 = arith.muli %arg1, %mul3A_539 : i32
    %add3A_541 = arith.constant 73984 : i32
    %add3A_542 = arith.addi %mul3A_540, %add3A_541 : i32
    %mul3A_543 = arith.constant 16 : i32
    %mul3A_544 = arith.muli %arg1, %mul3A_543 : i32
    %add3A_545 = arith.constant 1536 : i32
    %add3A_546 = arith.addi %mul3A_544, %add3A_545 : i32
    %dma_start3A_547 = arith.constant 0 : i32
    %dma_start3A_548 = tpu.memref_slice %arg9[%add3A_546, %dma_start3A_547] : memref<1792x128xf32, #tpu.memory_space<vmem_shared>> -> memref<16x128xf32, #tpu.memory_space<vmem_shared>>
    %dma_start3A_549 = arith.constant 0 : i32
    %dma_start3A_550 = tpu.memref_slice %arg2[%add3A_542, %dma_start3A_549] : memref<106624x128xf32, #tpu.memory_space<hbm>> -> memref<16x128xf32, #tpu.memory_space<hbm>>
    tpu.enqueue_dma source(%dma_start3A_550 : memref<16x128xf32, #tpu.memory_space<hbm>>) target(%dma_start3A_548 : memref<16x128xf32, #tpu.memory_space<vmem_shared>>) target_semaphore(%arg17 : memref<!tpu.dma_semaphore, #tpu.memory_space<semaphore_mem>>)
    %lt3A_551 = arith.constant 30 : i32
    %lt3A_552 = arith.cmpi slt, %add3A, %lt3A_551 : i32
    %convert_element_type3A_553 = arith.extui %lt3A_552 : i1 to i32
    %cond3A_554 = arith.constant 0 : i32
    %cond3A_555 = arith.cmpi ne, %convert_element_type3A_553, %cond3A_554 : i32
    scf.if %cond3A_555 {
      %dma_start3A_826 = arith.constant 4480 : i32
      %dma_start3A_827 = tpu.memref_slice %arg5[%dma_start3A_826] : memref<9408xi32, #tpu.memory_space<vmem>> -> memref<224xi32, #tpu.memory_space<vmem>>
      %dma_start3A_828 = arith.constant 0 : i32
      %dma_start3A_829 = arith.constant 0 : i32
      %dma_start3A_830 = tpu.memref_slice %arg10[%dma_start3A_828, %dma_start3A_829] : memref<1792x128xf32, #tpu.memory_space<vmem_shared>> -> memref<1792x128xf32, #tpu.memory_space<vmem_shared>>
      tpu.enqueue_indirect_dma source(%dma_start3A_830 : memref<1792x128xf32, #tpu.memory_space<vmem_shared>>) target(%arg8 : memref<224x128xf32, #tpu.memory_space<vmem>>) offsets(%dma_start3A_827 : memref<224xi32, #tpu.memory_space<vmem>>) semaphore(%arg13 : memref<!tpu.dma_semaphore, #tpu.memory_space<semaphore_mem>>)
      %dma_wait3A_831 = arith.constant 4032 : i32
      %dma_wait3A_832 = tpu.memref_slice %arg5[%dma_wait3A_831] : memref<9408xi32, #tpu.memory_space<vmem>> -> memref<224xi32, #tpu.memory_space<vmem>>
      %dma_wait3A_833 = arith.constant 0 : i32
      %dma_wait3A_834 = arith.constant 0 : i32
      %dma_wait3A_835 = tpu.memref_slice %arg2[%dma_wait3A_833, %dma_wait3A_834] : memref<106624x128xf32, #tpu.memory_space<hbm>> -> memref<106624x128xf32, #tpu.memory_space<hbm>>
      tpu.wait_indirect_dma semaphore(%arg11 : memref<!tpu.dma_semaphore, #tpu.memory_space<semaphore_mem>>) src(%dma_wait3A_835 : memref<106624x128xf32, #tpu.memory_space<hbm>>) dst(%arg6 : memref<224x128xf32, #tpu.memory_space<vmem>>)
      %mul3A_836 = arith.constant 2 : i32
      %mul3A_837 = arith.muli %mul3A_836, %add3A : i32
      %add3A_838 = arith.constant 0 : i32
      %add3A_839 = arith.addi %mul3A_837, %add3A_838 : i32
      %mul3A_840 = arith.constant 224 : i32
      %mul3A_841 = arith.muli %add3A_839, %mul3A_840 : i32
      %add3A_842 = arith.constant 228480 : i32
      %add3A_843 = arith.addi %add3A_842, %mul3A_841 : i32
      %dma_start3A_844 = arith.constant 0 : i32
      %dma_start3A_845 = tpu.memref_slice %arg4[%add3A_843, %dma_start3A_844] : memref<282240x128xf32, #tpu.memory_space<hbm>> -> memref<224x128xf32, #tpu.memory_space<hbm>>
      %dma_start3A_846 = arith.constant 0 : i32
      %dma_start3A_847 = tpu.memref_slice %arg4[%add3A_843, %dma_start3A_846] : memref<282240x128xf32, #tpu.memory_space<hbm>> -> memref<224x128xf32, #tpu.memory_space<hbm>>
      tpu.enqueue_dma source(%arg6 : memref<224x128xf32, #tpu.memory_space<vmem>>) target(%dma_start3A_847 : memref<224x128xf32, #tpu.memory_space<hbm>>) target_semaphore(%arg14 : memref<!tpu.dma_semaphore, #tpu.memory_space<semaphore_mem>>)
      %dma_wait3A_848 = arith.constant 0 : i32
      %dma_wait3A_849 = tpu.memref_slice %arg4[%add3A_843, %dma_wait3A_848] : memref<282240x128xf32, #tpu.memory_space<hbm>> -> memref<224x128xf32, #tpu.memory_space<hbm>>
      %dma_wait3A_850 = arith.constant 0 : i32
      %dma_wait3A_851 = tpu.memref_slice %arg4[%add3A_843, %dma_wait3A_850] : memref<282240x128xf32, #tpu.memory_space<hbm>> -> memref<224x128xf32, #tpu.memory_space<hbm>>
      tpu.wait_dma2 semaphore(%arg14 : memref<!tpu.dma_semaphore, #tpu.memory_space<semaphore_mem>>) src(%arg6 : memref<224x128xf32, #tpu.memory_space<vmem>>) dst(%dma_wait3A_851 : memref<224x128xf32, #tpu.memory_space<hbm>>)
      %dma_start3A_852 = arith.constant 4704 : i32
      %dma_start3A_853 = tpu.memref_slice %arg5[%dma_start3A_852] : memref<9408xi32, #tpu.memory_space<vmem>> -> memref<224xi32, #tpu.memory_space<vmem>>
      %dma_start3A_854 = arith.constant 0 : i32
      %dma_start3A_855 = arith.constant 0 : i32
      %dma_start3A_856 = tpu.memref_slice %arg10[%dma_start3A_854, %dma_start3A_855] : memref<1792x128xf32, #tpu.memory_space<vmem_shared>> -> memref<1792x128xf32, #tpu.memory_space<vmem_shared>>
      tpu.enqueue_indirect_dma source(%dma_start3A_856 : memref<1792x128xf32, #tpu.memory_space<vmem_shared>>) target(%arg6 : memref<224x128xf32, #tpu.memory_space<vmem>>) offsets(%dma_start3A_853 : memref<224xi32, #tpu.memory_space<vmem>>) semaphore(%arg11 : memref<!tpu.dma_semaphore, #tpu.memory_space<semaphore_mem>>)
      %dma_wait3A_857 = arith.constant 4256 : i32
      %dma_wait3A_858 = tpu.memref_slice %arg5[%dma_wait3A_857] : memref<9408xi32, #tpu.memory_space<vmem>> -> memref<224xi32, #tpu.memory_space<vmem>>
      %dma_wait3A_859 = arith.constant 0 : i32
      %dma_wait3A_860 = arith.constant 0 : i32
      %dma_wait3A_861 = tpu.memref_slice %arg2[%dma_wait3A_859, %dma_wait3A_860] : memref<106624x128xf32, #tpu.memory_space<hbm>> -> memref<106624x128xf32, #tpu.memory_space<hbm>>
      tpu.wait_indirect_dma semaphore(%arg12 : memref<!tpu.dma_semaphore, #tpu.memory_space<semaphore_mem>>) src(%dma_wait3A_861 : memref<106624x128xf32, #tpu.memory_space<hbm>>) dst(%arg7 : memref<224x128xf32, #tpu.memory_space<vmem>>)
      %mul3A_862 = arith.constant 2 : i32
      %mul3A_863 = arith.muli %mul3A_862, %add3A : i32
      %add3A_864 = arith.constant 1 : i32
      %add3A_865 = arith.addi %mul3A_863, %add3A_864 : i32
      %mul3A_866 = arith.constant 224 : i32
      %mul3A_867 = arith.muli %add3A_865, %mul3A_866 : i32
      %add3A_868 = arith.constant 228480 : i32
      %add3A_869 = arith.addi %add3A_868, %mul3A_867 : i32
      %dma_start3A_870 = arith.constant 0 : i32
      %dma_start3A_871 = tpu.memref_slice %arg4[%add3A_869, %dma_start3A_870] : memref<282240x128xf32, #tpu.memory_space<hbm>> -> memref<224x128xf32, #tpu.memory_space<hbm>>
      %dma_start3A_872 = arith.constant 0 : i32
      %dma_start3A_873 = tpu.memref_slice %arg4[%add3A_869, %dma_start3A_872] : memref<282240x128xf32, #tpu.memory_space<hbm>> -> memref<224x128xf32, #tpu.memory_space<hbm>>
      tpu.enqueue_dma source(%arg7 : memref<224x128xf32, #tpu.memory_space<vmem>>) target(%dma_start3A_873 : memref<224x128xf32, #tpu.memory_space<hbm>>) target_semaphore(%arg15 : memref<!tpu.dma_semaphore, #tpu.memory_space<semaphore_mem>>)
      %dma_wait3A_874 = arith.constant 0 : i32
      %dma_wait3A_875 = tpu.memref_slice %arg4[%add3A_869, %dma_wait3A_874] : memref<282240x128xf32, #tpu.memory_space<hbm>> -> memref<224x128xf32, #tpu.memory_space<hbm>>
      %dma_wait3A_876 = arith.constant 0 : i32
      %dma_wait3A_877 = tpu.memref_slice %arg4[%add3A_869, %dma_wait3A_876] : memref<282240x128xf32, #tpu.memory_space<hbm>> -> memref<224x128xf32, #tpu.memory_space<hbm>>
      tpu.wait_dma2 semaphore(%arg15 : memref<!tpu.dma_semaphore, #tpu.memory_space<semaphore_mem>>) src(%arg7 : memref<224x128xf32, #tpu.memory_space<vmem>>) dst(%dma_wait3A_877 : memref<224x128xf32, #tpu.memory_space<hbm>>)
      %dma_start3A_878 = arith.constant 4928 : i32
      %dma_start3A_879 = tpu.memref_slice %arg5[%dma_start3A_878] : memref<9408xi32, #tpu.memory_space<vmem>> -> memref<224xi32, #tpu.memory_space<vmem>>
      %dma_start3A_880 = arith.constant 0 : i32
      %dma_start3A_881 = arith.constant 0 : i32
      %dma_start3A_882 = tpu.memref_slice %arg10[%dma_start3A_880, %dma_start3A_881] : memref<1792x128xf32, #tpu.memory_space<vmem_shared>> -> memref<1792x128xf32, #tpu.memory_space<vmem_shared>>
      tpu.enqueue_indirect_dma source(%dma_start3A_882 : memref<1792x128xf32, #tpu.memory_space<vmem_shared>>) target(%arg7 : memref<224x128xf32, #tpu.memory_space<vmem>>) offsets(%dma_start3A_879 : memref<224xi32, #tpu.memory_space<vmem>>) semaphore(%arg12 : memref<!tpu.dma_semaphore, #tpu.memory_space<semaphore_mem>>)
      %dma_wait3A_883 = arith.constant 4480 : i32
      %dma_wait3A_884 = tpu.memref_slice %arg5[%dma_wait3A_883] : memref<9408xi32, #tpu.memory_space<vmem>> -> memref<224xi32, #tpu.memory_space<vmem>>
      %dma_wait3A_885 = arith.constant 0 : i32
      %dma_wait3A_886 = arith.constant 0 : i32
      %dma_wait3A_887 = tpu.memref_slice %arg10[%dma_wait3A_885, %dma_wait3A_886] : memref<1792x128xf32, #tpu.memory_space<vmem_shared>> -> memref<1792x128xf32, #tpu.memory_space<vmem_shared>>
      tpu.wait_indirect_dma semaphore(%arg13 : memref<!tpu.dma_semaphore, #tpu.memory_space<semaphore_mem>>) src(%dma_wait3A_887 : memref<1792x128xf32, #tpu.memory_space<vmem_shared>>) dst(%arg8 : memref<224x128xf32, #tpu.memory_space<vmem>>)
      %mul3A_888 = arith.constant 2 : i32
      %mul3A_889 = arith.muli %mul3A_888, %add3A : i32
      %add3A_890 = arith.constant 0 : i32
      %add3A_891 = arith.addi %mul3A_889, %add3A_890 : i32
      %mul3A_892 = arith.constant 224 : i32
      %mul3A_893 = arith.muli %add3A_891, %mul3A_892 : i32
      %add3A_894 = arith.constant 40320 : i32
      %add3A_895 = arith.addi %add3A_894, %mul3A_893 : i32
      %dma_start3A_896 = arith.constant 0 : i32
      %dma_start3A_897 = tpu.memref_slice %arg4[%add3A_895, %dma_start3A_896] : memref<282240x128xf32, #tpu.memory_space<hbm>> -> memref<224x128xf32, #tpu.memory_space<hbm>>
      %dma_start3A_898 = arith.constant 0 : i32
      %dma_start3A_899 = tpu.memref_slice %arg4[%add3A_895, %dma_start3A_898] : memref<282240x128xf32, #tpu.memory_space<hbm>> -> memref<224x128xf32, #tpu.memory_space<hbm>>
      tpu.enqueue_dma source(%arg8 : memref<224x128xf32, #tpu.memory_space<vmem>>) target(%dma_start3A_899 : memref<224x128xf32, #tpu.memory_space<hbm>>) target_semaphore(%arg16 : memref<!tpu.dma_semaphore, #tpu.memory_space<semaphore_mem>>)
      %dma_wait3A_900 = arith.constant 0 : i32
      %dma_wait3A_901 = tpu.memref_slice %arg4[%add3A_895, %dma_wait3A_900] : memref<282240x128xf32, #tpu.memory_space<hbm>> -> memref<224x128xf32, #tpu.memory_space<hbm>>
      %dma_wait3A_902 = arith.constant 0 : i32
      %dma_wait3A_903 = tpu.memref_slice %arg4[%add3A_895, %dma_wait3A_902] : memref<282240x128xf32, #tpu.memory_space<hbm>> -> memref<224x128xf32, #tpu.memory_space<hbm>>
      tpu.wait_dma2 semaphore(%arg16 : memref<!tpu.dma_semaphore, #tpu.memory_space<semaphore_mem>>) src(%arg8 : memref<224x128xf32, #tpu.memory_space<vmem>>) dst(%dma_wait3A_903 : memref<224x128xf32, #tpu.memory_space<hbm>>)
      %dma_start3A_904 = arith.constant 5152 : i32
      %dma_start3A_905 = tpu.memref_slice %arg5[%dma_start3A_904] : memref<9408xi32, #tpu.memory_space<vmem>> -> memref<224xi32, #tpu.memory_space<vmem>>
      %dma_start3A_906 = arith.constant 0 : i32
      %dma_start3A_907 = arith.constant 0 : i32
      %dma_start3A_908 = tpu.memref_slice %arg10[%dma_start3A_906, %dma_start3A_907] : memref<1792x128xf32, #tpu.memory_space<vmem_shared>> -> memref<1792x128xf32, #tpu.memory_space<vmem_shared>>
      tpu.enqueue_indirect_dma source(%dma_start3A_908 : memref<1792x128xf32, #tpu.memory_space<vmem_shared>>) target(%arg8 : memref<224x128xf32, #tpu.memory_space<vmem>>) offsets(%dma_start3A_905 : memref<224xi32, #tpu.memory_space<vmem>>) semaphore(%arg13 : memref<!tpu.dma_semaphore, #tpu.memory_space<semaphore_mem>>)
      %dma_wait3A_909 = arith.constant 4704 : i32
      %dma_wait3A_910 = tpu.memref_slice %arg5[%dma_wait3A_909] : memref<9408xi32, #tpu.memory_space<vmem>> -> memref<224xi32, #tpu.memory_space<vmem>>
      %dma_wait3A_911 = arith.constant 0 : i32
      %dma_wait3A_912 = arith.constant 0 : i32
      %dma_wait3A_913 = tpu.memref_slice %arg10[%dma_wait3A_911, %dma_wait3A_912] : memref<1792x128xf32, #tpu.memory_space<vmem_shared>> -> memref<1792x128xf32, #tpu.memory_space<vmem_shared>>
      tpu.wait_indirect_dma semaphore(%arg11 : memref<!tpu.dma_semaphore, #tpu.memory_space<semaphore_mem>>) src(%dma_wait3A_913 : memref<1792x128xf32, #tpu.memory_space<vmem_shared>>) dst(%arg6 : memref<224x128xf32, #tpu.memory_space<vmem>>)
      %mul3A_914 = arith.constant 2 : i32
      %mul3A_915 = arith.muli %mul3A_914, %add3A : i32
      %add3A_916 = arith.constant 1 : i32
      %add3A_917 = arith.addi %mul3A_915, %add3A_916 : i32
      %mul3A_918 = arith.constant 224 : i32
      %mul3A_919 = arith.muli %add3A_917, %mul3A_918 : i32
      %add3A_920 = arith.constant 40320 : i32
      %add3A_921 = arith.addi %add3A_920, %mul3A_919 : i32
      %dma_start3A_922 = arith.constant 0 : i32
      %dma_start3A_923 = tpu.memref_slice %arg4[%add3A_921, %dma_start3A_922] : memref<282240x128xf32, #tpu.memory_space<hbm>> -> memref<224x128xf32, #tpu.memory_space<hbm>>
      %dma_start3A_924 = arith.constant 0 : i32
      %dma_start3A_925 = tpu.memref_slice %arg4[%add3A_921, %dma_start3A_924] : memref<282240x128xf32, #tpu.memory_space<hbm>> -> memref<224x128xf32, #tpu.memory_space<hbm>>
      tpu.enqueue_dma source(%arg6 : memref<224x128xf32, #tpu.memory_space<vmem>>) target(%dma_start3A_925 : memref<224x128xf32, #tpu.memory_space<hbm>>) target_semaphore(%arg14 : memref<!tpu.dma_semaphore, #tpu.memory_space<semaphore_mem>>)
      %dma_wait3A_926 = arith.constant 0 : i32
      %dma_wait3A_927 = tpu.memref_slice %arg4[%add3A_921, %dma_wait3A_926] : memref<282240x128xf32, #tpu.memory_space<hbm>> -> memref<224x128xf32, #tpu.memory_space<hbm>>
      %dma_wait3A_928 = arith.constant 0 : i32
      %dma_wait3A_929 = tpu.memref_slice %arg4[%add3A_921, %dma_wait3A_928] : memref<282240x128xf32, #tpu.memory_space<hbm>> -> memref<224x128xf32, #tpu.memory_space<hbm>>
      tpu.wait_dma2 semaphore(%arg14 : memref<!tpu.dma_semaphore, #tpu.memory_space<semaphore_mem>>) src(%arg6 : memref<224x128xf32, #tpu.memory_space<vmem>>) dst(%dma_wait3A_929 : memref<224x128xf32, #tpu.memory_space<hbm>>)
      %dma_start3A_930 = arith.constant 5376 : i32
      %dma_start3A_931 = tpu.memref_slice %arg5[%dma_start3A_930] : memref<9408xi32, #tpu.memory_space<vmem>> -> memref<224xi32, #tpu.memory_space<vmem>>
      %dma_start3A_932 = arith.constant 0 : i32
      %dma_start3A_933 = arith.constant 0 : i32
      %dma_start3A_934 = tpu.memref_slice %arg2[%dma_start3A_932, %dma_start3A_933] : memref<106624x128xf32, #tpu.memory_space<hbm>> -> memref<106624x128xf32, #tpu.memory_space<hbm>>
      tpu.enqueue_indirect_dma source(%dma_start3A_934 : memref<106624x128xf32, #tpu.memory_space<hbm>>) target(%arg6 : memref<224x128xf32, #tpu.memory_space<vmem>>) offsets(%dma_start3A_931 : memref<224xi32, #tpu.memory_space<vmem>>) semaphore(%arg11 : memref<!tpu.dma_semaphore, #tpu.memory_space<semaphore_mem>>)
      %dma_wait3A_935 = arith.constant 4928 : i32
      %dma_wait3A_936 = tpu.memref_slice %arg5[%dma_wait3A_935] : memref<9408xi32, #tpu.memory_space<vmem>> -> memref<224xi32, #tpu.memory_space<vmem>>
      %dma_wait3A_937 = arith.constant 0 : i32
      %dma_wait3A_938 = arith.constant 0 : i32
      %dma_wait3A_939 = tpu.memref_slice %arg10[%dma_wait3A_937, %dma_wait3A_938] : memref<1792x128xf32, #tpu.memory_space<vmem_shared>> -> memref<1792x128xf32, #tpu.memory_space<vmem_shared>>
      tpu.wait_indirect_dma semaphore(%arg12 : memref<!tpu.dma_semaphore, #tpu.memory_space<semaphore_mem>>) src(%dma_wait3A_939 : memref<1792x128xf32, #tpu.memory_space<vmem_shared>>) dst(%arg7 : memref<224x128xf32, #tpu.memory_space<vmem>>)
      %mul3A_940 = arith.constant 2 : i32
      %mul3A_941 = arith.muli %mul3A_940, %add3A : i32
      %add3A_942 = arith.constant 0 : i32
      %add3A_943 = arith.addi %mul3A_941, %add3A_942 : i32
      %mul3A_944 = arith.constant 224 : i32
      %mul3A_945 = arith.muli %add3A_943, %mul3A_944 : i32
      %add3A_946 = arith.constant 134400 : i32
      %add3A_947 = arith.addi %add3A_946, %mul3A_945 : i32
      %dma_start3A_948 = arith.constant 0 : i32
      %dma_start3A_949 = tpu.memref_slice %arg4[%add3A_947, %dma_start3A_948] : memref<282240x128xf32, #tpu.memory_space<hbm>> -> memref<224x128xf32, #tpu.memory_space<hbm>>
      %dma_start3A_950 = arith.constant 0 : i32
      %dma_start3A_951 = tpu.memref_slice %arg4[%add3A_947, %dma_start3A_950] : memref<282240x128xf32, #tpu.memory_space<hbm>> -> memref<224x128xf32, #tpu.memory_space<hbm>>
      tpu.enqueue_dma source(%arg7 : memref<224x128xf32, #tpu.memory_space<vmem>>) target(%dma_start3A_951 : memref<224x128xf32, #tpu.memory_space<hbm>>) target_semaphore(%arg15 : memref<!tpu.dma_semaphore, #tpu.memory_space<semaphore_mem>>)
      %dma_wait3A_952 = arith.constant 0 : i32
      %dma_wait3A_953 = tpu.memref_slice %arg4[%add3A_947, %dma_wait3A_952] : memref<282240x128xf32, #tpu.memory_space<hbm>> -> memref<224x128xf32, #tpu.memory_space<hbm>>
      %dma_wait3A_954 = arith.constant 0 : i32
      %dma_wait3A_955 = tpu.memref_slice %arg4[%add3A_947, %dma_wait3A_954] : memref<282240x128xf32, #tpu.memory_space<hbm>> -> memref<224x128xf32, #tpu.memory_space<hbm>>
      tpu.wait_dma2 semaphore(%arg15 : memref<!tpu.dma_semaphore, #tpu.memory_space<semaphore_mem>>) src(%arg7 : memref<224x128xf32, #tpu.memory_space<vmem>>) dst(%dma_wait3A_955 : memref<224x128xf32, #tpu.memory_space<hbm>>)
      %dma_start3A_956 = arith.constant 5600 : i32
      %dma_start3A_957 = tpu.memref_slice %arg5[%dma_start3A_956] : memref<9408xi32, #tpu.memory_space<vmem>> -> memref<224xi32, #tpu.memory_space<vmem>>
      %dma_start3A_958 = arith.constant 0 : i32
      %dma_start3A_959 = arith.constant 0 : i32
      %dma_start3A_960 = tpu.memref_slice %arg2[%dma_start3A_958, %dma_start3A_959] : memref<106624x128xf32, #tpu.memory_space<hbm>> -> memref<106624x128xf32, #tpu.memory_space<hbm>>
      tpu.enqueue_indirect_dma source(%dma_start3A_960 : memref<106624x128xf32, #tpu.memory_space<hbm>>) target(%arg7 : memref<224x128xf32, #tpu.memory_space<vmem>>) offsets(%dma_start3A_957 : memref<224xi32, #tpu.memory_space<vmem>>) semaphore(%arg12 : memref<!tpu.dma_semaphore, #tpu.memory_space<semaphore_mem>>)
      %dma_wait3A_961 = arith.constant 5152 : i32
      %dma_wait3A_962 = tpu.memref_slice %arg5[%dma_wait3A_961] : memref<9408xi32, #tpu.memory_space<vmem>> -> memref<224xi32, #tpu.memory_space<vmem>>
      %dma_wait3A_963 = arith.constant 0 : i32
      %dma_wait3A_964 = arith.constant 0 : i32
      %dma_wait3A_965 = tpu.memref_slice %arg10[%dma_wait3A_963, %dma_wait3A_964] : memref<1792x128xf32, #tpu.memory_space<vmem_shared>> -> memref<1792x128xf32, #tpu.memory_space<vmem_shared>>
      tpu.wait_indirect_dma semaphore(%arg13 : memref<!tpu.dma_semaphore, #tpu.memory_space<semaphore_mem>>) src(%dma_wait3A_965 : memref<1792x128xf32, #tpu.memory_space<vmem_shared>>) dst(%arg8 : memref<224x128xf32, #tpu.memory_space<vmem>>)
      %mul3A_966 = arith.constant 2 : i32
      %mul3A_967 = arith.muli %mul3A_966, %add3A : i32
      %add3A_968 = arith.constant 1 : i32
      %add3A_969 = arith.addi %mul3A_967, %add3A_968 : i32
      %mul3A_970 = arith.constant 224 : i32
      %mul3A_971 = arith.muli %add3A_969, %mul3A_970 : i32
      %add3A_972 = arith.constant 134400 : i32
      %add3A_973 = arith.addi %add3A_972, %mul3A_971 : i32
      %dma_start3A_974 = arith.constant 0 : i32
      %dma_start3A_975 = tpu.memref_slice %arg4[%add3A_973, %dma_start3A_974] : memref<282240x128xf32, #tpu.memory_space<hbm>> -> memref<224x128xf32, #tpu.memory_space<hbm>>
      %dma_start3A_976 = arith.constant 0 : i32
      %dma_start3A_977 = tpu.memref_slice %arg4[%add3A_973, %dma_start3A_976] : memref<282240x128xf32, #tpu.memory_space<hbm>> -> memref<224x128xf32, #tpu.memory_space<hbm>>
      tpu.enqueue_dma source(%arg8 : memref<224x128xf32, #tpu.memory_space<vmem>>) target(%dma_start3A_977 : memref<224x128xf32, #tpu.memory_space<hbm>>) target_semaphore(%arg16 : memref<!tpu.dma_semaphore, #tpu.memory_space<semaphore_mem>>)
      %dma_wait3A_978 = arith.constant 0 : i32
      %dma_wait3A_979 = tpu.memref_slice %arg4[%add3A_973, %dma_wait3A_978] : memref<282240x128xf32, #tpu.memory_space<hbm>> -> memref<224x128xf32, #tpu.memory_space<hbm>>
      %dma_wait3A_980 = arith.constant 0 : i32
      %dma_wait3A_981 = tpu.memref_slice %arg4[%add3A_973, %dma_wait3A_980] : memref<282240x128xf32, #tpu.memory_space<hbm>> -> memref<224x128xf32, #tpu.memory_space<hbm>>
      tpu.wait_dma2 semaphore(%arg16 : memref<!tpu.dma_semaphore, #tpu.memory_space<semaphore_mem>>) src(%arg8 : memref<224x128xf32, #tpu.memory_space<vmem>>) dst(%dma_wait3A_981 : memref<224x128xf32, #tpu.memory_space<hbm>>)
    } else {
    }
    %dma_wait3A_556 = arith.constant 0 : i32
    %dma_wait3A_557 = tpu.memref_slice %arg9[%add3A_474, %dma_wait3A_556] : memref<1792x128xf32, #tpu.memory_space<vmem_shared>> -> memref<16x128xf32, #tpu.memory_space<vmem_shared>>
    %dma_wait3A_558 = arith.constant 0 : i32
    %dma_wait3A_559 = tpu.memref_slice %arg2[%add3A_470, %dma_wait3A_558] : memref<106624x128xf32, #tpu.memory_space<hbm>> -> memref<16x128xf32, #tpu.memory_space<hbm>>
    tpu.wait_dma2 semaphore(%arg17 : memref<!tpu.dma_semaphore, #tpu.memory_space<semaphore_mem>>) src(%dma_wait3A_559 : memref<16x128xf32, #tpu.memory_space<hbm>>) dst(%dma_wait3A_557 : memref<16x128xf32, #tpu.memory_space<vmem_shared>>)
    %dma_wait3A_560 = arith.constant 0 : i32
    %dma_wait3A_561 = tpu.memref_slice %arg9[%add3A_486, %dma_wait3A_560] : memref<1792x128xf32, #tpu.memory_space<vmem_shared>> -> memref<16x128xf32, #tpu.memory_space<vmem_shared>>
    %dma_wait3A_562 = arith.constant 0 : i32
    %dma_wait3A_563 = tpu.memref_slice %arg2[%add3A_482, %dma_wait3A_562] : memref<106624x128xf32, #tpu.memory_space<hbm>> -> memref<16x128xf32, #tpu.memory_space<hbm>>
    tpu.wait_dma2 semaphore(%arg17 : memref<!tpu.dma_semaphore, #tpu.memory_space<semaphore_mem>>) src(%dma_wait3A_563 : memref<16x128xf32, #tpu.memory_space<hbm>>) dst(%dma_wait3A_561 : memref<16x128xf32, #tpu.memory_space<vmem_shared>>)
    %dma_wait3A_564 = arith.constant 0 : i32
    %dma_wait3A_565 = tpu.memref_slice %arg9[%add3A_498, %dma_wait3A_564] : memref<1792x128xf32, #tpu.memory_space<vmem_shared>> -> memref<16x128xf32, #tpu.memory_space<vmem_shared>>
    %dma_wait3A_566 = arith.constant 0 : i32
    %dma_wait3A_567 = tpu.memref_slice %arg2[%add3A_494, %dma_wait3A_566] : memref<106624x128xf32, #tpu.memory_space<hbm>> -> memref<16x128xf32, #tpu.memory_space<hbm>>
    tpu.wait_dma2 semaphore(%arg17 : memref<!tpu.dma_semaphore, #tpu.memory_space<semaphore_mem>>) src(%dma_wait3A_567 : memref<16x128xf32, #tpu.memory_space<hbm>>) dst(%dma_wait3A_565 : memref<16x128xf32, #tpu.memory_space<vmem_shared>>)
    %dma_wait3A_568 = arith.constant 0 : i32
    %dma_wait3A_569 = tpu.memref_slice %arg9[%add3A_510, %dma_wait3A_568] : memref<1792x128xf32, #tpu.memory_space<vmem_shared>> -> memref<16x128xf32, #tpu.memory_space<vmem_shared>>
    %dma_wait3A_570 = arith.constant 0 : i32
    %dma_wait3A_571 = tpu.memref_slice %arg2[%add3A_506, %dma_wait3A_570] : memref<106624x128xf32, #tpu.memory_space<hbm>> -> memref<16x128xf32, #tpu.memory_space<hbm>>
    tpu.wait_dma2 semaphore(%arg17 : memref<!tpu.dma_semaphore, #tpu.memory_space<semaphore_mem>>) src(%dma_wait3A_571 : memref<16x128xf32, #tpu.memory_space<hbm>>) dst(%dma_wait3A_569 : memref<16x128xf32, #tpu.memory_space<vmem_shared>>)
    %dma_wait3A_572 = arith.constant 0 : i32
    %dma_wait3A_573 = tpu.memref_slice %arg9[%add3A_522, %dma_wait3A_572] : memref<1792x128xf32, #tpu.memory_space<vmem_shared>> -> memref<16x128xf32, #tpu.memory_space<vmem_shared>>
    %dma_wait3A_574 = arith.constant 0 : i32
    %dma_wait3A_575 = tpu.memref_slice %arg2[%add3A_518, %dma_wait3A_574] : memref<106624x128xf32, #tpu.memory_space<hbm>> -> memref<16x128xf32, #tpu.memory_space<hbm>>
    tpu.wait_dma2 semaphore(%arg17 : memref<!tpu.dma_semaphore, #tpu.memory_space<semaphore_mem>>) src(%dma_wait3A_575 : memref<16x128xf32, #tpu.memory_space<hbm>>) dst(%dma_wait3A_573 : memref<16x128xf32, #tpu.memory_space<vmem_shared>>)
    %dma_wait3A_576 = arith.constant 0 : i32
    %dma_wait3A_577 = tpu.memref_slice %arg9[%add3A_534, %dma_wait3A_576] : memref<1792x128xf32, #tpu.memory_space<vmem_shared>> -> memref<16x128xf32, #tpu.memory_space<vmem_shared>>
    %dma_wait3A_578 = arith.constant 0 : i32
    %dma_wait3A_579 = tpu.memref_slice %arg2[%add3A_530, %dma_wait3A_578] : memref<106624x128xf32, #tpu.memory_space<hbm>> -> memref<16x128xf32, #tpu.memory_space<hbm>>
    tpu.wait_dma2 semaphore(%arg17 : memref<!tpu.dma_semaphore, #tpu.memory_space<semaphore_mem>>) src(%dma_wait3A_579 : memref<16x128xf32, #tpu.memory_space<hbm>>) dst(%dma_wait3A_577 : memref<16x128xf32, #tpu.memory_space<vmem_shared>>)
    %dma_wait3A_580 = arith.constant 0 : i32
    %dma_wait3A_581 = tpu.memref_slice %arg9[%add3A_546, %dma_wait3A_580] : memref<1792x128xf32, #tpu.memory_space<vmem_shared>> -> memref<16x128xf32, #tpu.memory_space<vmem_shared>>
    %dma_wait3A_582 = arith.constant 0 : i32
    %dma_wait3A_583 = tpu.memref_slice %arg2[%add3A_542, %dma_wait3A_582] : memref<106624x128xf32, #tpu.memory_space<hbm>> -> memref<16x128xf32, #tpu.memory_space<hbm>>
    tpu.wait_dma2 semaphore(%arg17 : memref<!tpu.dma_semaphore, #tpu.memory_space<semaphore_mem>>) src(%dma_wait3A_583 : memref<16x128xf32, #tpu.memory_space<hbm>>) dst(%dma_wait3A_581 : memref<16x128xf32, #tpu.memory_space<vmem_shared>>)
    %barrier3A_584 = arith.constant 0 : index
    tpu.barrier barrier_id(%barrier3A_584)
    %mul3A_585 = arith.constant 136 : i32
    %mul3A_586 = arith.muli %arg1, %mul3A_585 : i32
    %add3A_587 = arith.constant 76160 : i32
    %add3A_588 = arith.addi %mul3A_586, %add3A_587 : i32
    %mul3A_589 = arith.constant 16 : i32
    %mul3A_590 = arith.muli %arg1, %mul3A_589 : i32
    %add3A_591 = arith.constant 0 : i32
    %add3A_592 = arith.addi %mul3A_590, %add3A_591 : i32
    %dma_start3A_593 = arith.constant 0 : i32
    %dma_start3A_594 = tpu.memref_slice %arg10[%add3A_592, %dma_start3A_593] : memref<1792x128xf32, #tpu.memory_space<vmem_shared>> -> memref<16x128xf32, #tpu.memory_space<vmem_shared>>
    %dma_start3A_595 = arith.constant 0 : i32
    %dma_start3A_596 = tpu.memref_slice %arg2[%add3A_588, %dma_start3A_595] : memref<106624x128xf32, #tpu.memory_space<hbm>> -> memref<16x128xf32, #tpu.memory_space<hbm>>
    tpu.enqueue_dma source(%dma_start3A_596 : memref<16x128xf32, #tpu.memory_space<hbm>>) target(%dma_start3A_594 : memref<16x128xf32, #tpu.memory_space<vmem_shared>>) target_semaphore(%arg17 : memref<!tpu.dma_semaphore, #tpu.memory_space<semaphore_mem>>)
    %mul3A_597 = arith.constant 136 : i32
    %mul3A_598 = arith.muli %arg1, %mul3A_597 : i32
    %add3A_599 = arith.constant 78336 : i32
    %add3A_600 = arith.addi %mul3A_598, %add3A_599 : i32
    %mul3A_601 = arith.constant 16 : i32
    %mul3A_602 = arith.muli %arg1, %mul3A_601 : i32
    %add3A_603 = arith.constant 256 : i32
    %add3A_604 = arith.addi %mul3A_602, %add3A_603 : i32
    %dma_start3A_605 = arith.constant 0 : i32
    %dma_start3A_606 = tpu.memref_slice %arg10[%add3A_604, %dma_start3A_605] : memref<1792x128xf32, #tpu.memory_space<vmem_shared>> -> memref<16x128xf32, #tpu.memory_space<vmem_shared>>
    %dma_start3A_607 = arith.constant 0 : i32
    %dma_start3A_608 = tpu.memref_slice %arg2[%add3A_600, %dma_start3A_607] : memref<106624x128xf32, #tpu.memory_space<hbm>> -> memref<16x128xf32, #tpu.memory_space<hbm>>
    tpu.enqueue_dma source(%dma_start3A_608 : memref<16x128xf32, #tpu.memory_space<hbm>>) target(%dma_start3A_606 : memref<16x128xf32, #tpu.memory_space<vmem_shared>>) target_semaphore(%arg17 : memref<!tpu.dma_semaphore, #tpu.memory_space<semaphore_mem>>)
    %mul3A_609 = arith.constant 136 : i32
    %mul3A_610 = arith.muli %arg1, %mul3A_609 : i32
    %add3A_611 = arith.constant 80512 : i32
    %add3A_612 = arith.addi %mul3A_610, %add3A_611 : i32
    %mul3A_613 = arith.constant 16 : i32
    %mul3A_614 = arith.muli %arg1, %mul3A_613 : i32
    %add3A_615 = arith.constant 512 : i32
    %add3A_616 = arith.addi %mul3A_614, %add3A_615 : i32
    %dma_start3A_617 = arith.constant 0 : i32
    %dma_start3A_618 = tpu.memref_slice %arg10[%add3A_616, %dma_start3A_617] : memref<1792x128xf32, #tpu.memory_space<vmem_shared>> -> memref<16x128xf32, #tpu.memory_space<vmem_shared>>
    %dma_start3A_619 = arith.constant 0 : i32
    %dma_start3A_620 = tpu.memref_slice %arg2[%add3A_612, %dma_start3A_619] : memref<106624x128xf32, #tpu.memory_space<hbm>> -> memref<16x128xf32, #tpu.memory_space<hbm>>
    tpu.enqueue_dma source(%dma_start3A_620 : memref<16x128xf32, #tpu.memory_space<hbm>>) target(%dma_start3A_618 : memref<16x128xf32, #tpu.memory_space<vmem_shared>>) target_semaphore(%arg17 : memref<!tpu.dma_semaphore, #tpu.memory_space<semaphore_mem>>)
    %mul3A_621 = arith.constant 136 : i32
    %mul3A_622 = arith.muli %arg1, %mul3A_621 : i32
    %add3A_623 = arith.constant 82688 : i32
    %add3A_624 = arith.addi %mul3A_622, %add3A_623 : i32
    %mul3A_625 = arith.constant 16 : i32
    %mul3A_626 = arith.muli %arg1, %mul3A_625 : i32
    %add3A_627 = arith.constant 768 : i32
    %add3A_628 = arith.addi %mul3A_626, %add3A_627 : i32
    %dma_start3A_629 = arith.constant 0 : i32
    %dma_start3A_630 = tpu.memref_slice %arg10[%add3A_628, %dma_start3A_629] : memref<1792x128xf32, #tpu.memory_space<vmem_shared>> -> memref<16x128xf32, #tpu.memory_space<vmem_shared>>
    %dma_start3A_631 = arith.constant 0 : i32
    %dma_start3A_632 = tpu.memref_slice %arg2[%add3A_624, %dma_start3A_631] : memref<106624x128xf32, #tpu.memory_space<hbm>> -> memref<16x128xf32, #tpu.memory_space<hbm>>
    tpu.enqueue_dma source(%dma_start3A_632 : memref<16x128xf32, #tpu.memory_space<hbm>>) target(%dma_start3A_630 : memref<16x128xf32, #tpu.memory_space<vmem_shared>>) target_semaphore(%arg17 : memref<!tpu.dma_semaphore, #tpu.memory_space<semaphore_mem>>)
    %mul3A_633 = arith.constant 136 : i32
    %mul3A_634 = arith.muli %arg1, %mul3A_633 : i32
    %add3A_635 = arith.constant 84864 : i32
    %add3A_636 = arith.addi %mul3A_634, %add3A_635 : i32
    %mul3A_637 = arith.constant 16 : i32
    %mul3A_638 = arith.muli %arg1, %mul3A_637 : i32
    %add3A_639 = arith.constant 1024 : i32
    %add3A_640 = arith.addi %mul3A_638, %add3A_639 : i32
    %dma_start3A_641 = arith.constant 0 : i32
    %dma_start3A_642 = tpu.memref_slice %arg10[%add3A_640, %dma_start3A_641] : memref<1792x128xf32, #tpu.memory_space<vmem_shared>> -> memref<16x128xf32, #tpu.memory_space<vmem_shared>>
    %dma_start3A_643 = arith.constant 0 : i32
    %dma_start3A_644 = tpu.memref_slice %arg2[%add3A_636, %dma_start3A_643] : memref<106624x128xf32, #tpu.memory_space<hbm>> -> memref<16x128xf32, #tpu.memory_space<hbm>>
    tpu.enqueue_dma source(%dma_start3A_644 : memref<16x128xf32, #tpu.memory_space<hbm>>) target(%dma_start3A_642 : memref<16x128xf32, #tpu.memory_space<vmem_shared>>) target_semaphore(%arg17 : memref<!tpu.dma_semaphore, #tpu.memory_space<semaphore_mem>>)
    %mul3A_645 = arith.constant 136 : i32
    %mul3A_646 = arith.muli %arg1, %mul3A_645 : i32
    %add3A_647 = arith.constant 87040 : i32
    %add3A_648 = arith.addi %mul3A_646, %add3A_647 : i32
    %mul3A_649 = arith.constant 16 : i32
    %mul3A_650 = arith.muli %arg1, %mul3A_649 : i32
    %add3A_651 = arith.constant 1280 : i32
    %add3A_652 = arith.addi %mul3A_650, %add3A_651 : i32
    %dma_start3A_653 = arith.constant 0 : i32
    %dma_start3A_654 = tpu.memref_slice %arg10[%add3A_652, %dma_start3A_653] : memref<1792x128xf32, #tpu.memory_space<vmem_shared>> -> memref<16x128xf32, #tpu.memory_space<vmem_shared>>
    %dma_start3A_655 = arith.constant 0 : i32
    %dma_start3A_656 = tpu.memref_slice %arg2[%add3A_648, %dma_start3A_655] : memref<106624x128xf32, #tpu.memory_space<hbm>> -> memref<16x128xf32, #tpu.memory_space<hbm>>
    tpu.enqueue_dma source(%dma_start3A_656 : memref<16x128xf32, #tpu.memory_space<hbm>>) target(%dma_start3A_654 : memref<16x128xf32, #tpu.memory_space<vmem_shared>>) target_semaphore(%arg17 : memref<!tpu.dma_semaphore, #tpu.memory_space<semaphore_mem>>)
    %mul3A_657 = arith.constant 136 : i32
    %mul3A_658 = arith.muli %arg1, %mul3A_657 : i32
    %add3A_659 = arith.constant 89216 : i32
    %add3A_660 = arith.addi %mul3A_658, %add3A_659 : i32
    %mul3A_661 = arith.constant 16 : i32
    %mul3A_662 = arith.muli %arg1, %mul3A_661 : i32
    %add3A_663 = arith.constant 1536 : i32
    %add3A_664 = arith.addi %mul3A_662, %add3A_663 : i32
    %dma_start3A_665 = arith.constant 0 : i32
    %dma_start3A_666 = tpu.memref_slice %arg10[%add3A_664, %dma_start3A_665] : memref<1792x128xf32, #tpu.memory_space<vmem_shared>> -> memref<16x128xf32, #tpu.memory_space<vmem_shared>>
    %dma_start3A_667 = arith.constant 0 : i32
    %dma_start3A_668 = tpu.memref_slice %arg2[%add3A_660, %dma_start3A_667] : memref<106624x128xf32, #tpu.memory_space<hbm>> -> memref<16x128xf32, #tpu.memory_space<hbm>>
    tpu.enqueue_dma source(%dma_start3A_668 : memref<16x128xf32, #tpu.memory_space<hbm>>) target(%dma_start3A_666 : memref<16x128xf32, #tpu.memory_space<vmem_shared>>) target_semaphore(%arg17 : memref<!tpu.dma_semaphore, #tpu.memory_space<semaphore_mem>>)
    %lt3A_669 = arith.constant 30 : i32
    %lt3A_670 = arith.cmpi slt, %add3A, %lt3A_669 : i32
    %convert_element_type3A_671 = arith.extui %lt3A_670 : i1 to i32
    %cond3A_672 = arith.constant 0 : i32
    %cond3A_673 = arith.cmpi ne, %convert_element_type3A_671, %cond3A_672 : i32
    scf.if %cond3A_673 {
      %dma_start3A_826 = arith.constant 5824 : i32
      %dma_start3A_827 = tpu.memref_slice %arg5[%dma_start3A_826] : memref<9408xi32, #tpu.memory_space<vmem>> -> memref<224xi32, #tpu.memory_space<vmem>>
      %dma_start3A_828 = arith.constant 0 : i32
      %dma_start3A_829 = arith.constant 0 : i32
      %dma_start3A_830 = tpu.memref_slice %arg9[%dma_start3A_828, %dma_start3A_829] : memref<1792x128xf32, #tpu.memory_space<vmem_shared>> -> memref<1792x128xf32, #tpu.memory_space<vmem_shared>>
      tpu.enqueue_indirect_dma source(%dma_start3A_830 : memref<1792x128xf32, #tpu.memory_space<vmem_shared>>) target(%arg8 : memref<224x128xf32, #tpu.memory_space<vmem>>) offsets(%dma_start3A_827 : memref<224xi32, #tpu.memory_space<vmem>>) semaphore(%arg13 : memref<!tpu.dma_semaphore, #tpu.memory_space<semaphore_mem>>)
      %dma_wait3A_831 = arith.constant 5376 : i32
      %dma_wait3A_832 = tpu.memref_slice %arg5[%dma_wait3A_831] : memref<9408xi32, #tpu.memory_space<vmem>> -> memref<224xi32, #tpu.memory_space<vmem>>
      %dma_wait3A_833 = arith.constant 0 : i32
      %dma_wait3A_834 = arith.constant 0 : i32
      %dma_wait3A_835 = tpu.memref_slice %arg2[%dma_wait3A_833, %dma_wait3A_834] : memref<106624x128xf32, #tpu.memory_space<hbm>> -> memref<106624x128xf32, #tpu.memory_space<hbm>>
      tpu.wait_indirect_dma semaphore(%arg11 : memref<!tpu.dma_semaphore, #tpu.memory_space<semaphore_mem>>) src(%dma_wait3A_835 : memref<106624x128xf32, #tpu.memory_space<hbm>>) dst(%arg6 : memref<224x128xf32, #tpu.memory_space<vmem>>)
      %mul3A_836 = arith.constant 2 : i32
      %mul3A_837 = arith.muli %mul3A_836, %add3A : i32
      %add3A_838 = arith.constant 0 : i32
      %add3A_839 = arith.addi %mul3A_837, %add3A_838 : i32
      %mul3A_840 = arith.constant 224 : i32
      %mul3A_841 = arith.muli %add3A_839, %mul3A_840 : i32
      %add3A_842 = arith.constant 241920 : i32
      %add3A_843 = arith.addi %add3A_842, %mul3A_841 : i32
      %dma_start3A_844 = arith.constant 0 : i32
      %dma_start3A_845 = tpu.memref_slice %arg4[%add3A_843, %dma_start3A_844] : memref<282240x128xf32, #tpu.memory_space<hbm>> -> memref<224x128xf32, #tpu.memory_space<hbm>>
      %dma_start3A_846 = arith.constant 0 : i32
      %dma_start3A_847 = tpu.memref_slice %arg4[%add3A_843, %dma_start3A_846] : memref<282240x128xf32, #tpu.memory_space<hbm>> -> memref<224x128xf32, #tpu.memory_space<hbm>>
      tpu.enqueue_dma source(%arg6 : memref<224x128xf32, #tpu.memory_space<vmem>>) target(%dma_start3A_847 : memref<224x128xf32, #tpu.memory_space<hbm>>) target_semaphore(%arg14 : memref<!tpu.dma_semaphore, #tpu.memory_space<semaphore_mem>>)
      %dma_wait3A_848 = arith.constant 0 : i32
      %dma_wait3A_849 = tpu.memref_slice %arg4[%add3A_843, %dma_wait3A_848] : memref<282240x128xf32, #tpu.memory_space<hbm>> -> memref<224x128xf32, #tpu.memory_space<hbm>>
      %dma_wait3A_850 = arith.constant 0 : i32
      %dma_wait3A_851 = tpu.memref_slice %arg4[%add3A_843, %dma_wait3A_850] : memref<282240x128xf32, #tpu.memory_space<hbm>> -> memref<224x128xf32, #tpu.memory_space<hbm>>
      tpu.wait_dma2 semaphore(%arg14 : memref<!tpu.dma_semaphore, #tpu.memory_space<semaphore_mem>>) src(%arg6 : memref<224x128xf32, #tpu.memory_space<vmem>>) dst(%dma_wait3A_851 : memref<224x128xf32, #tpu.memory_space<hbm>>)
      %dma_start3A_852 = arith.constant 6048 : i32
      %dma_start3A_853 = tpu.memref_slice %arg5[%dma_start3A_852] : memref<9408xi32, #tpu.memory_space<vmem>> -> memref<224xi32, #tpu.memory_space<vmem>>
      %dma_start3A_854 = arith.constant 0 : i32
      %dma_start3A_855 = arith.constant 0 : i32
      %dma_start3A_856 = tpu.memref_slice %arg9[%dma_start3A_854, %dma_start3A_855] : memref<1792x128xf32, #tpu.memory_space<vmem_shared>> -> memref<1792x128xf32, #tpu.memory_space<vmem_shared>>
      tpu.enqueue_indirect_dma source(%dma_start3A_856 : memref<1792x128xf32, #tpu.memory_space<vmem_shared>>) target(%arg6 : memref<224x128xf32, #tpu.memory_space<vmem>>) offsets(%dma_start3A_853 : memref<224xi32, #tpu.memory_space<vmem>>) semaphore(%arg11 : memref<!tpu.dma_semaphore, #tpu.memory_space<semaphore_mem>>)
      %dma_wait3A_857 = arith.constant 5600 : i32
      %dma_wait3A_858 = tpu.memref_slice %arg5[%dma_wait3A_857] : memref<9408xi32, #tpu.memory_space<vmem>> -> memref<224xi32, #tpu.memory_space<vmem>>
      %dma_wait3A_859 = arith.constant 0 : i32
      %dma_wait3A_860 = arith.constant 0 : i32
      %dma_wait3A_861 = tpu.memref_slice %arg2[%dma_wait3A_859, %dma_wait3A_860] : memref<106624x128xf32, #tpu.memory_space<hbm>> -> memref<106624x128xf32, #tpu.memory_space<hbm>>
      tpu.wait_indirect_dma semaphore(%arg12 : memref<!tpu.dma_semaphore, #tpu.memory_space<semaphore_mem>>) src(%dma_wait3A_861 : memref<106624x128xf32, #tpu.memory_space<hbm>>) dst(%arg7 : memref<224x128xf32, #tpu.memory_space<vmem>>)
      %mul3A_862 = arith.constant 2 : i32
      %mul3A_863 = arith.muli %mul3A_862, %add3A : i32
      %add3A_864 = arith.constant 1 : i32
      %add3A_865 = arith.addi %mul3A_863, %add3A_864 : i32
      %mul3A_866 = arith.constant 224 : i32
      %mul3A_867 = arith.muli %add3A_865, %mul3A_866 : i32
      %add3A_868 = arith.constant 241920 : i32
      %add3A_869 = arith.addi %add3A_868, %mul3A_867 : i32
      %dma_start3A_870 = arith.constant 0 : i32
      %dma_start3A_871 = tpu.memref_slice %arg4[%add3A_869, %dma_start3A_870] : memref<282240x128xf32, #tpu.memory_space<hbm>> -> memref<224x128xf32, #tpu.memory_space<hbm>>
      %dma_start3A_872 = arith.constant 0 : i32
      %dma_start3A_873 = tpu.memref_slice %arg4[%add3A_869, %dma_start3A_872] : memref<282240x128xf32, #tpu.memory_space<hbm>> -> memref<224x128xf32, #tpu.memory_space<hbm>>
      tpu.enqueue_dma source(%arg7 : memref<224x128xf32, #tpu.memory_space<vmem>>) target(%dma_start3A_873 : memref<224x128xf32, #tpu.memory_space<hbm>>) target_semaphore(%arg15 : memref<!tpu.dma_semaphore, #tpu.memory_space<semaphore_mem>>)
      %dma_wait3A_874 = arith.constant 0 : i32
      %dma_wait3A_875 = tpu.memref_slice %arg4[%add3A_869, %dma_wait3A_874] : memref<282240x128xf32, #tpu.memory_space<hbm>> -> memref<224x128xf32, #tpu.memory_space<hbm>>
      %dma_wait3A_876 = arith.constant 0 : i32
      %dma_wait3A_877 = tpu.memref_slice %arg4[%add3A_869, %dma_wait3A_876] : memref<282240x128xf32, #tpu.memory_space<hbm>> -> memref<224x128xf32, #tpu.memory_space<hbm>>
      tpu.wait_dma2 semaphore(%arg15 : memref<!tpu.dma_semaphore, #tpu.memory_space<semaphore_mem>>) src(%arg7 : memref<224x128xf32, #tpu.memory_space<vmem>>) dst(%dma_wait3A_877 : memref<224x128xf32, #tpu.memory_space<hbm>>)
      %dma_start3A_878 = arith.constant 6272 : i32
      %dma_start3A_879 = tpu.memref_slice %arg5[%dma_start3A_878] : memref<9408xi32, #tpu.memory_space<vmem>> -> memref<224xi32, #tpu.memory_space<vmem>>
      %dma_start3A_880 = arith.constant 0 : i32
      %dma_start3A_881 = arith.constant 0 : i32
      %dma_start3A_882 = tpu.memref_slice %arg9[%dma_start3A_880, %dma_start3A_881] : memref<1792x128xf32, #tpu.memory_space<vmem_shared>> -> memref<1792x128xf32, #tpu.memory_space<vmem_shared>>
      tpu.enqueue_indirect_dma source(%dma_start3A_882 : memref<1792x128xf32, #tpu.memory_space<vmem_shared>>) target(%arg7 : memref<224x128xf32, #tpu.memory_space<vmem>>) offsets(%dma_start3A_879 : memref<224xi32, #tpu.memory_space<vmem>>) semaphore(%arg12 : memref<!tpu.dma_semaphore, #tpu.memory_space<semaphore_mem>>)
      %dma_wait3A_883 = arith.constant 5824 : i32
      %dma_wait3A_884 = tpu.memref_slice %arg5[%dma_wait3A_883] : memref<9408xi32, #tpu.memory_space<vmem>> -> memref<224xi32, #tpu.memory_space<vmem>>
      %dma_wait3A_885 = arith.constant 0 : i32
      %dma_wait3A_886 = arith.constant 0 : i32
      %dma_wait3A_887 = tpu.memref_slice %arg9[%dma_wait3A_885, %dma_wait3A_886] : memref<1792x128xf32, #tpu.memory_space<vmem_shared>> -> memref<1792x128xf32, #tpu.memory_space<vmem_shared>>
      tpu.wait_indirect_dma semaphore(%arg13 : memref<!tpu.dma_semaphore, #tpu.memory_space<semaphore_mem>>) src(%dma_wait3A_887 : memref<1792x128xf32, #tpu.memory_space<vmem_shared>>) dst(%arg8 : memref<224x128xf32, #tpu.memory_space<vmem>>)
      %mul3A_888 = arith.constant 2 : i32
      %mul3A_889 = arith.muli %mul3A_888, %add3A : i32
      %add3A_890 = arith.constant 0 : i32
      %add3A_891 = arith.addi %mul3A_889, %add3A_890 : i32
      %mul3A_892 = arith.constant 224 : i32
      %mul3A_893 = arith.muli %add3A_891, %mul3A_892 : i32
      %add3A_894 = arith.constant 53760 : i32
      %add3A_895 = arith.addi %add3A_894, %mul3A_893 : i32
      %dma_start3A_896 = arith.constant 0 : i32
      %dma_start3A_897 = tpu.memref_slice %arg4[%add3A_895, %dma_start3A_896] : memref<282240x128xf32, #tpu.memory_space<hbm>> -> memref<224x128xf32, #tpu.memory_space<hbm>>
      %dma_start3A_898 = arith.constant 0 : i32
      %dma_start3A_899 = tpu.memref_slice %arg4[%add3A_895, %dma_start3A_898] : memref<282240x128xf32, #tpu.memory_space<hbm>> -> memref<224x128xf32, #tpu.memory_space<hbm>>
      tpu.enqueue_dma source(%arg8 : memref<224x128xf32, #tpu.memory_space<vmem>>) target(%dma_start3A_899 : memref<224x128xf32, #tpu.memory_space<hbm>>) target_semaphore(%arg16 : memref<!tpu.dma_semaphore, #tpu.memory_space<semaphore_mem>>)
      %dma_wait3A_900 = arith.constant 0 : i32
      %dma_wait3A_901 = tpu.memref_slice %arg4[%add3A_895, %dma_wait3A_900] : memref<282240x128xf32, #tpu.memory_space<hbm>> -> memref<224x128xf32, #tpu.memory_space<hbm>>
      %dma_wait3A_902 = arith.constant 0 : i32
      %dma_wait3A_903 = tpu.memref_slice %arg4[%add3A_895, %dma_wait3A_902] : memref<282240x128xf32, #tpu.memory_space<hbm>> -> memref<224x128xf32, #tpu.memory_space<hbm>>
      tpu.wait_dma2 semaphore(%arg16 : memref<!tpu.dma_semaphore, #tpu.memory_space<semaphore_mem>>) src(%arg8 : memref<224x128xf32, #tpu.memory_space<vmem>>) dst(%dma_wait3A_903 : memref<224x128xf32, #tpu.memory_space<hbm>>)
      %dma_start3A_904 = arith.constant 6496 : i32
      %dma_start3A_905 = tpu.memref_slice %arg5[%dma_start3A_904] : memref<9408xi32, #tpu.memory_space<vmem>> -> memref<224xi32, #tpu.memory_space<vmem>>
      %dma_start3A_906 = arith.constant 0 : i32
      %dma_start3A_907 = arith.constant 0 : i32
      %dma_start3A_908 = tpu.memref_slice %arg9[%dma_start3A_906, %dma_start3A_907] : memref<1792x128xf32, #tpu.memory_space<vmem_shared>> -> memref<1792x128xf32, #tpu.memory_space<vmem_shared>>
      tpu.enqueue_indirect_dma source(%dma_start3A_908 : memref<1792x128xf32, #tpu.memory_space<vmem_shared>>) target(%arg8 : memref<224x128xf32, #tpu.memory_space<vmem>>) offsets(%dma_start3A_905 : memref<224xi32, #tpu.memory_space<vmem>>) semaphore(%arg13 : memref<!tpu.dma_semaphore, #tpu.memory_space<semaphore_mem>>)
      %dma_wait3A_909 = arith.constant 6048 : i32
      %dma_wait3A_910 = tpu.memref_slice %arg5[%dma_wait3A_909] : memref<9408xi32, #tpu.memory_space<vmem>> -> memref<224xi32, #tpu.memory_space<vmem>>
      %dma_wait3A_911 = arith.constant 0 : i32
      %dma_wait3A_912 = arith.constant 0 : i32
      %dma_wait3A_913 = tpu.memref_slice %arg9[%dma_wait3A_911, %dma_wait3A_912] : memref<1792x128xf32, #tpu.memory_space<vmem_shared>> -> memref<1792x128xf32, #tpu.memory_space<vmem_shared>>
      tpu.wait_indirect_dma semaphore(%arg11 : memref<!tpu.dma_semaphore, #tpu.memory_space<semaphore_mem>>) src(%dma_wait3A_913 : memref<1792x128xf32, #tpu.memory_space<vmem_shared>>) dst(%arg6 : memref<224x128xf32, #tpu.memory_space<vmem>>)
      %mul3A_914 = arith.constant 2 : i32
      %mul3A_915 = arith.muli %mul3A_914, %add3A : i32
      %add3A_916 = arith.constant 1 : i32
      %add3A_917 = arith.addi %mul3A_915, %add3A_916 : i32
      %mul3A_918 = arith.constant 224 : i32
      %mul3A_919 = arith.muli %add3A_917, %mul3A_918 : i32
      %add3A_920 = arith.constant 53760 : i32
      %add3A_921 = arith.addi %add3A_920, %mul3A_919 : i32
      %dma_start3A_922 = arith.constant 0 : i32
      %dma_start3A_923 = tpu.memref_slice %arg4[%add3A_921, %dma_start3A_922] : memref<282240x128xf32, #tpu.memory_space<hbm>> -> memref<224x128xf32, #tpu.memory_space<hbm>>
      %dma_start3A_924 = arith.constant 0 : i32
      %dma_start3A_925 = tpu.memref_slice %arg4[%add3A_921, %dma_start3A_924] : memref<282240x128xf32, #tpu.memory_space<hbm>> -> memref<224x128xf32, #tpu.memory_space<hbm>>
      tpu.enqueue_dma source(%arg6 : memref<224x128xf32, #tpu.memory_space<vmem>>) target(%dma_start3A_925 : memref<224x128xf32, #tpu.memory_space<hbm>>) target_semaphore(%arg14 : memref<!tpu.dma_semaphore, #tpu.memory_space<semaphore_mem>>)
      %dma_wait3A_926 = arith.constant 0 : i32
      %dma_wait3A_927 = tpu.memref_slice %arg4[%add3A_921, %dma_wait3A_926] : memref<282240x128xf32, #tpu.memory_space<hbm>> -> memref<224x128xf32, #tpu.memory_space<hbm>>
      %dma_wait3A_928 = arith.constant 0 : i32
      %dma_wait3A_929 = tpu.memref_slice %arg4[%add3A_921, %dma_wait3A_928] : memref<282240x128xf32, #tpu.memory_space<hbm>> -> memref<224x128xf32, #tpu.memory_space<hbm>>
      tpu.wait_dma2 semaphore(%arg14 : memref<!tpu.dma_semaphore, #tpu.memory_space<semaphore_mem>>) src(%arg6 : memref<224x128xf32, #tpu.memory_space<vmem>>) dst(%dma_wait3A_929 : memref<224x128xf32, #tpu.memory_space<hbm>>)
      %dma_start3A_930 = arith.constant 6720 : i32
      %dma_start3A_931 = tpu.memref_slice %arg5[%dma_start3A_930] : memref<9408xi32, #tpu.memory_space<vmem>> -> memref<224xi32, #tpu.memory_space<vmem>>
      %dma_start3A_932 = arith.constant 0 : i32
      %dma_start3A_933 = arith.constant 0 : i32
      %dma_start3A_934 = tpu.memref_slice %arg2[%dma_start3A_932, %dma_start3A_933] : memref<106624x128xf32, #tpu.memory_space<hbm>> -> memref<106624x128xf32, #tpu.memory_space<hbm>>
      tpu.enqueue_indirect_dma source(%dma_start3A_934 : memref<106624x128xf32, #tpu.memory_space<hbm>>) target(%arg6 : memref<224x128xf32, #tpu.memory_space<vmem>>) offsets(%dma_start3A_931 : memref<224xi32, #tpu.memory_space<vmem>>) semaphore(%arg11 : memref<!tpu.dma_semaphore, #tpu.memory_space<semaphore_mem>>)
      %dma_wait3A_935 = arith.constant 6272 : i32
      %dma_wait3A_936 = tpu.memref_slice %arg5[%dma_wait3A_935] : memref<9408xi32, #tpu.memory_space<vmem>> -> memref<224xi32, #tpu.memory_space<vmem>>
      %dma_wait3A_937 = arith.constant 0 : i32
      %dma_wait3A_938 = arith.constant 0 : i32
      %dma_wait3A_939 = tpu.memref_slice %arg9[%dma_wait3A_937, %dma_wait3A_938] : memref<1792x128xf32, #tpu.memory_space<vmem_shared>> -> memref<1792x128xf32, #tpu.memory_space<vmem_shared>>
      tpu.wait_indirect_dma semaphore(%arg12 : memref<!tpu.dma_semaphore, #tpu.memory_space<semaphore_mem>>) src(%dma_wait3A_939 : memref<1792x128xf32, #tpu.memory_space<vmem_shared>>) dst(%arg7 : memref<224x128xf32, #tpu.memory_space<vmem>>)
      %mul3A_940 = arith.constant 2 : i32
      %mul3A_941 = arith.muli %mul3A_940, %add3A : i32
      %add3A_942 = arith.constant 0 : i32
      %add3A_943 = arith.addi %mul3A_941, %add3A_942 : i32
      %mul3A_944 = arith.constant 224 : i32
      %mul3A_945 = arith.muli %add3A_943, %mul3A_944 : i32
      %add3A_946 = arith.constant 147840 : i32
      %add3A_947 = arith.addi %add3A_946, %mul3A_945 : i32
      %dma_start3A_948 = arith.constant 0 : i32
      %dma_start3A_949 = tpu.memref_slice %arg4[%add3A_947, %dma_start3A_948] : memref<282240x128xf32, #tpu.memory_space<hbm>> -> memref<224x128xf32, #tpu.memory_space<hbm>>
      %dma_start3A_950 = arith.constant 0 : i32
      %dma_start3A_951 = tpu.memref_slice %arg4[%add3A_947, %dma_start3A_950] : memref<282240x128xf32, #tpu.memory_space<hbm>> -> memref<224x128xf32, #tpu.memory_space<hbm>>
      tpu.enqueue_dma source(%arg7 : memref<224x128xf32, #tpu.memory_space<vmem>>) target(%dma_start3A_951 : memref<224x128xf32, #tpu.memory_space<hbm>>) target_semaphore(%arg15 : memref<!tpu.dma_semaphore, #tpu.memory_space<semaphore_mem>>)
      %dma_wait3A_952 = arith.constant 0 : i32
      %dma_wait3A_953 = tpu.memref_slice %arg4[%add3A_947, %dma_wait3A_952] : memref<282240x128xf32, #tpu.memory_space<hbm>> -> memref<224x128xf32, #tpu.memory_space<hbm>>
      %dma_wait3A_954 = arith.constant 0 : i32
      %dma_wait3A_955 = tpu.memref_slice %arg4[%add3A_947, %dma_wait3A_954] : memref<282240x128xf32, #tpu.memory_space<hbm>> -> memref<224x128xf32, #tpu.memory_space<hbm>>
      tpu.wait_dma2 semaphore(%arg15 : memref<!tpu.dma_semaphore, #tpu.memory_space<semaphore_mem>>) src(%arg7 : memref<224x128xf32, #tpu.memory_space<vmem>>) dst(%dma_wait3A_955 : memref<224x128xf32, #tpu.memory_space<hbm>>)
      %dma_start3A_956 = arith.constant 6944 : i32
      %dma_start3A_957 = tpu.memref_slice %arg5[%dma_start3A_956] : memref<9408xi32, #tpu.memory_space<vmem>> -> memref<224xi32, #tpu.memory_space<vmem>>
      %dma_start3A_958 = arith.constant 0 : i32
      %dma_start3A_959 = arith.constant 0 : i32
      %dma_start3A_960 = tpu.memref_slice %arg2[%dma_start3A_958, %dma_start3A_959] : memref<106624x128xf32, #tpu.memory_space<hbm>> -> memref<106624x128xf32, #tpu.memory_space<hbm>>
      tpu.enqueue_indirect_dma source(%dma_start3A_960 : memref<106624x128xf32, #tpu.memory_space<hbm>>) target(%arg7 : memref<224x128xf32, #tpu.memory_space<vmem>>) offsets(%dma_start3A_957 : memref<224xi32, #tpu.memory_space<vmem>>) semaphore(%arg12 : memref<!tpu.dma_semaphore, #tpu.memory_space<semaphore_mem>>)
      %dma_wait3A_961 = arith.constant 6496 : i32
      %dma_wait3A_962 = tpu.memref_slice %arg5[%dma_wait3A_961] : memref<9408xi32, #tpu.memory_space<vmem>> -> memref<224xi32, #tpu.memory_space<vmem>>
      %dma_wait3A_963 = arith.constant 0 : i32
      %dma_wait3A_964 = arith.constant 0 : i32
      %dma_wait3A_965 = tpu.memref_slice %arg9[%dma_wait3A_963, %dma_wait3A_964] : memref<1792x128xf32, #tpu.memory_space<vmem_shared>> -> memref<1792x128xf32, #tpu.memory_space<vmem_shared>>
      tpu.wait_indirect_dma semaphore(%arg13 : memref<!tpu.dma_semaphore, #tpu.memory_space<semaphore_mem>>) src(%dma_wait3A_965 : memref<1792x128xf32, #tpu.memory_space<vmem_shared>>) dst(%arg8 : memref<224x128xf32, #tpu.memory_space<vmem>>)
      %mul3A_966 = arith.constant 2 : i32
      %mul3A_967 = arith.muli %mul3A_966, %add3A : i32
      %add3A_968 = arith.constant 1 : i32
      %add3A_969 = arith.addi %mul3A_967, %add3A_968 : i32
      %mul3A_970 = arith.constant 224 : i32
      %mul3A_971 = arith.muli %add3A_969, %mul3A_970 : i32
      %add3A_972 = arith.constant 147840 : i32
      %add3A_973 = arith.addi %add3A_972, %mul3A_971 : i32
      %dma_start3A_974 = arith.constant 0 : i32
      %dma_start3A_975 = tpu.memref_slice %arg4[%add3A_973, %dma_start3A_974] : memref<282240x128xf32, #tpu.memory_space<hbm>> -> memref<224x128xf32, #tpu.memory_space<hbm>>
      %dma_start3A_976 = arith.constant 0 : i32
      %dma_start3A_977 = tpu.memref_slice %arg4[%add3A_973, %dma_start3A_976] : memref<282240x128xf32, #tpu.memory_space<hbm>> -> memref<224x128xf32, #tpu.memory_space<hbm>>
      tpu.enqueue_dma source(%arg8 : memref<224x128xf32, #tpu.memory_space<vmem>>) target(%dma_start3A_977 : memref<224x128xf32, #tpu.memory_space<hbm>>) target_semaphore(%arg16 : memref<!tpu.dma_semaphore, #tpu.memory_space<semaphore_mem>>)
      %dma_wait3A_978 = arith.constant 0 : i32
      %dma_wait3A_979 = tpu.memref_slice %arg4[%add3A_973, %dma_wait3A_978] : memref<282240x128xf32, #tpu.memory_space<hbm>> -> memref<224x128xf32, #tpu.memory_space<hbm>>
      %dma_wait3A_980 = arith.constant 0 : i32
      %dma_wait3A_981 = tpu.memref_slice %arg4[%add3A_973, %dma_wait3A_980] : memref<282240x128xf32, #tpu.memory_space<hbm>> -> memref<224x128xf32, #tpu.memory_space<hbm>>
      tpu.wait_dma2 semaphore(%arg16 : memref<!tpu.dma_semaphore, #tpu.memory_space<semaphore_mem>>) src(%arg8 : memref<224x128xf32, #tpu.memory_space<vmem>>) dst(%dma_wait3A_981 : memref<224x128xf32, #tpu.memory_space<hbm>>)
    } else {
    }
    %dma_wait3A_674 = arith.constant 0 : i32
    %dma_wait3A_675 = tpu.memref_slice %arg10[%add3A_592, %dma_wait3A_674] : memref<1792x128xf32, #tpu.memory_space<vmem_shared>> -> memref<16x128xf32, #tpu.memory_space<vmem_shared>>
    %dma_wait3A_676 = arith.constant 0 : i32
    %dma_wait3A_677 = tpu.memref_slice %arg2[%add3A_588, %dma_wait3A_676] : memref<106624x128xf32, #tpu.memory_space<hbm>> -> memref<16x128xf32, #tpu.memory_space<hbm>>
    tpu.wait_dma2 semaphore(%arg17 : memref<!tpu.dma_semaphore, #tpu.memory_space<semaphore_mem>>) src(%dma_wait3A_677 : memref<16x128xf32, #tpu.memory_space<hbm>>) dst(%dma_wait3A_675 : memref<16x128xf32, #tpu.memory_space<vmem_shared>>)
    %dma_wait3A_678 = arith.constant 0 : i32
    %dma_wait3A_679 = tpu.memref_slice %arg10[%add3A_604, %dma_wait3A_678] : memref<1792x128xf32, #tpu.memory_space<vmem_shared>> -> memref<16x128xf32, #tpu.memory_space<vmem_shared>>
    %dma_wait3A_680 = arith.constant 0 : i32
    %dma_wait3A_681 = tpu.memref_slice %arg2[%add3A_600, %dma_wait3A_680] : memref<106624x128xf32, #tpu.memory_space<hbm>> -> memref<16x128xf32, #tpu.memory_space<hbm>>
    tpu.wait_dma2 semaphore(%arg17 : memref<!tpu.dma_semaphore, #tpu.memory_space<semaphore_mem>>) src(%dma_wait3A_681 : memref<16x128xf32, #tpu.memory_space<hbm>>) dst(%dma_wait3A_679 : memref<16x128xf32, #tpu.memory_space<vmem_shared>>)
    %dma_wait3A_682 = arith.constant 0 : i32
    %dma_wait3A_683 = tpu.memref_slice %arg10[%add3A_616, %dma_wait3A_682] : memref<1792x128xf32, #tpu.memory_space<vmem_shared>> -> memref<16x128xf32, #tpu.memory_space<vmem_shared>>
    %dma_wait3A_684 = arith.constant 0 : i32
    %dma_wait3A_685 = tpu.memref_slice %arg2[%add3A_612, %dma_wait3A_684] : memref<106624x128xf32, #tpu.memory_space<hbm>> -> memref<16x128xf32, #tpu.memory_space<hbm>>
    tpu.wait_dma2 semaphore(%arg17 : memref<!tpu.dma_semaphore, #tpu.memory_space<semaphore_mem>>) src(%dma_wait3A_685 : memref<16x128xf32, #tpu.memory_space<hbm>>) dst(%dma_wait3A_683 : memref<16x128xf32, #tpu.memory_space<vmem_shared>>)
    %dma_wait3A_686 = arith.constant 0 : i32
    %dma_wait3A_687 = tpu.memref_slice %arg10[%add3A_628, %dma_wait3A_686] : memref<1792x128xf32, #tpu.memory_space<vmem_shared>> -> memref<16x128xf32, #tpu.memory_space<vmem_shared>>
    %dma_wait3A_688 = arith.constant 0 : i32
    %dma_wait3A_689 = tpu.memref_slice %arg2[%add3A_624, %dma_wait3A_688] : memref<106624x128xf32, #tpu.memory_space<hbm>> -> memref<16x128xf32, #tpu.memory_space<hbm>>
    tpu.wait_dma2 semaphore(%arg17 : memref<!tpu.dma_semaphore, #tpu.memory_space<semaphore_mem>>) src(%dma_wait3A_689 : memref<16x128xf32, #tpu.memory_space<hbm>>) dst(%dma_wait3A_687 : memref<16x128xf32, #tpu.memory_space<vmem_shared>>)
    %dma_wait3A_690 = arith.constant 0 : i32
    %dma_wait3A_691 = tpu.memref_slice %arg10[%add3A_640, %dma_wait3A_690] : memref<1792x128xf32, #tpu.memory_space<vmem_shared>> -> memref<16x128xf32, #tpu.memory_space<vmem_shared>>
    %dma_wait3A_692 = arith.constant 0 : i32
    %dma_wait3A_693 = tpu.memref_slice %arg2[%add3A_636, %dma_wait3A_692] : memref<106624x128xf32, #tpu.memory_space<hbm>> -> memref<16x128xf32, #tpu.memory_space<hbm>>
    tpu.wait_dma2 semaphore(%arg17 : memref<!tpu.dma_semaphore, #tpu.memory_space<semaphore_mem>>) src(%dma_wait3A_693 : memref<16x128xf32, #tpu.memory_space<hbm>>) dst(%dma_wait3A_691 : memref<16x128xf32, #tpu.memory_space<vmem_shared>>)
    %dma_wait3A_694 = arith.constant 0 : i32
    %dma_wait3A_695 = tpu.memref_slice %arg10[%add3A_652, %dma_wait3A_694] : memref<1792x128xf32, #tpu.memory_space<vmem_shared>> -> memref<16x128xf32, #tpu.memory_space<vmem_shared>>
    %dma_wait3A_696 = arith.constant 0 : i32
    %dma_wait3A_697 = tpu.memref_slice %arg2[%add3A_648, %dma_wait3A_696] : memref<106624x128xf32, #tpu.memory_space<hbm>> -> memref<16x128xf32, #tpu.memory_space<hbm>>
    tpu.wait_dma2 semaphore(%arg17 : memref<!tpu.dma_semaphore, #tpu.memory_space<semaphore_mem>>) src(%dma_wait3A_697 : memref<16x128xf32, #tpu.memory_space<hbm>>) dst(%dma_wait3A_695 : memref<16x128xf32, #tpu.memory_space<vmem_shared>>)
    %dma_wait3A_698 = arith.constant 0 : i32
    %dma_wait3A_699 = tpu.memref_slice %arg10[%add3A_664, %dma_wait3A_698] : memref<1792x128xf32, #tpu.memory_space<vmem_shared>> -> memref<16x128xf32, #tpu.memory_space<vmem_shared>>
    %dma_wait3A_700 = arith.constant 0 : i32
    %dma_wait3A_701 = tpu.memref_slice %arg2[%add3A_660, %dma_wait3A_700] : memref<106624x128xf32, #tpu.memory_space<hbm>> -> memref<16x128xf32, #tpu.memory_space<hbm>>
    tpu.wait_dma2 semaphore(%arg17 : memref<!tpu.dma_semaphore, #tpu.memory_space<semaphore_mem>>) src(%dma_wait3A_701 : memref<16x128xf32, #tpu.memory_space<hbm>>) dst(%dma_wait3A_699 : memref<16x128xf32, #tpu.memory_space<vmem_shared>>)
    %barrier3A_702 = arith.constant 0 : index
    tpu.barrier barrier_id(%barrier3A_702)
    %mul3A_703 = arith.constant 136 : i32
    %mul3A_704 = arith.muli %arg1, %mul3A_703 : i32
    %add3A_705 = arith.constant 91392 : i32
    %add3A_706 = arith.addi %mul3A_704, %add3A_705 : i32
    %mul3A_707 = arith.constant 16 : i32
    %mul3A_708 = arith.muli %arg1, %mul3A_707 : i32
    %add3A_709 = arith.constant 0 : i32
    %add3A_710 = arith.addi %mul3A_708, %add3A_709 : i32
    %dma_start3A_711 = arith.constant 0 : i32
    %dma_start3A_712 = tpu.memref_slice %arg9[%add3A_710, %dma_start3A_711] : memref<1792x128xf32, #tpu.memory_space<vmem_shared>> -> memref<16x128xf32, #tpu.memory_space<vmem_shared>>
    %dma_start3A_713 = arith.constant 0 : i32
    %dma_start3A_714 = tpu.memref_slice %arg2[%add3A_706, %dma_start3A_713] : memref<106624x128xf32, #tpu.memory_space<hbm>> -> memref<16x128xf32, #tpu.memory_space<hbm>>
    tpu.enqueue_dma source(%dma_start3A_714 : memref<16x128xf32, #tpu.memory_space<hbm>>) target(%dma_start3A_712 : memref<16x128xf32, #tpu.memory_space<vmem_shared>>) target_semaphore(%arg17 : memref<!tpu.dma_semaphore, #tpu.memory_space<semaphore_mem>>)
    %mul3A_715 = arith.constant 136 : i32
    %mul3A_716 = arith.muli %arg1, %mul3A_715 : i32
    %add3A_717 = arith.constant 93568 : i32
    %add3A_718 = arith.addi %mul3A_716, %add3A_717 : i32
    %mul3A_719 = arith.constant 16 : i32
    %mul3A_720 = arith.muli %arg1, %mul3A_719 : i32
    %add3A_721 = arith.constant 256 : i32
    %add3A_722 = arith.addi %mul3A_720, %add3A_721 : i32
    %dma_start3A_723 = arith.constant 0 : i32
    %dma_start3A_724 = tpu.memref_slice %arg9[%add3A_722, %dma_start3A_723] : memref<1792x128xf32, #tpu.memory_space<vmem_shared>> -> memref<16x128xf32, #tpu.memory_space<vmem_shared>>
    %dma_start3A_725 = arith.constant 0 : i32
    %dma_start3A_726 = tpu.memref_slice %arg2[%add3A_718, %dma_start3A_725] : memref<106624x128xf32, #tpu.memory_space<hbm>> -> memref<16x128xf32, #tpu.memory_space<hbm>>
    tpu.enqueue_dma source(%dma_start3A_726 : memref<16x128xf32, #tpu.memory_space<hbm>>) target(%dma_start3A_724 : memref<16x128xf32, #tpu.memory_space<vmem_shared>>) target_semaphore(%arg17 : memref<!tpu.dma_semaphore, #tpu.memory_space<semaphore_mem>>)
    %mul3A_727 = arith.constant 136 : i32
    %mul3A_728 = arith.muli %arg1, %mul3A_727 : i32
    %add3A_729 = arith.constant 95744 : i32
    %add3A_730 = arith.addi %mul3A_728, %add3A_729 : i32
    %mul3A_731 = arith.constant 16 : i32
    %mul3A_732 = arith.muli %arg1, %mul3A_731 : i32
    %add3A_733 = arith.constant 512 : i32
    %add3A_734 = arith.addi %mul3A_732, %add3A_733 : i32
    %dma_start3A_735 = arith.constant 0 : i32
    %dma_start3A_736 = tpu.memref_slice %arg9[%add3A_734, %dma_start3A_735] : memref<1792x128xf32, #tpu.memory_space<vmem_shared>> -> memref<16x128xf32, #tpu.memory_space<vmem_shared>>
    %dma_start3A_737 = arith.constant 0 : i32
    %dma_start3A_738 = tpu.memref_slice %arg2[%add3A_730, %dma_start3A_737] : memref<106624x128xf32, #tpu.memory_space<hbm>> -> memref<16x128xf32, #tpu.memory_space<hbm>>
    tpu.enqueue_dma source(%dma_start3A_738 : memref<16x128xf32, #tpu.memory_space<hbm>>) target(%dma_start3A_736 : memref<16x128xf32, #tpu.memory_space<vmem_shared>>) target_semaphore(%arg17 : memref<!tpu.dma_semaphore, #tpu.memory_space<semaphore_mem>>)
    %mul3A_739 = arith.constant 136 : i32
    %mul3A_740 = arith.muli %arg1, %mul3A_739 : i32
    %add3A_741 = arith.constant 97920 : i32
    %add3A_742 = arith.addi %mul3A_740, %add3A_741 : i32
    %mul3A_743 = arith.constant 16 : i32
    %mul3A_744 = arith.muli %arg1, %mul3A_743 : i32
    %add3A_745 = arith.constant 768 : i32
    %add3A_746 = arith.addi %mul3A_744, %add3A_745 : i32
    %dma_start3A_747 = arith.constant 0 : i32
    %dma_start3A_748 = tpu.memref_slice %arg9[%add3A_746, %dma_start3A_747] : memref<1792x128xf32, #tpu.memory_space<vmem_shared>> -> memref<16x128xf32, #tpu.memory_space<vmem_shared>>
    %dma_start3A_749 = arith.constant 0 : i32
    %dma_start3A_750 = tpu.memref_slice %arg2[%add3A_742, %dma_start3A_749] : memref<106624x128xf32, #tpu.memory_space<hbm>> -> memref<16x128xf32, #tpu.memory_space<hbm>>
    tpu.enqueue_dma source(%dma_start3A_750 : memref<16x128xf32, #tpu.memory_space<hbm>>) target(%dma_start3A_748 : memref<16x128xf32, #tpu.memory_space<vmem_shared>>) target_semaphore(%arg17 : memref<!tpu.dma_semaphore, #tpu.memory_space<semaphore_mem>>)
    %mul3A_751 = arith.constant 136 : i32
    %mul3A_752 = arith.muli %arg1, %mul3A_751 : i32
    %add3A_753 = arith.constant 100096 : i32
    %add3A_754 = arith.addi %mul3A_752, %add3A_753 : i32
    %mul3A_755 = arith.constant 16 : i32
    %mul3A_756 = arith.muli %arg1, %mul3A_755 : i32
    %add3A_757 = arith.constant 1024 : i32
    %add3A_758 = arith.addi %mul3A_756, %add3A_757 : i32
    %dma_start3A_759 = arith.constant 0 : i32
    %dma_start3A_760 = tpu.memref_slice %arg9[%add3A_758, %dma_start3A_759] : memref<1792x128xf32, #tpu.memory_space<vmem_shared>> -> memref<16x128xf32, #tpu.memory_space<vmem_shared>>
    %dma_start3A_761 = arith.constant 0 : i32
    %dma_start3A_762 = tpu.memref_slice %arg2[%add3A_754, %dma_start3A_761] : memref<106624x128xf32, #tpu.memory_space<hbm>> -> memref<16x128xf32, #tpu.memory_space<hbm>>
    tpu.enqueue_dma source(%dma_start3A_762 : memref<16x128xf32, #tpu.memory_space<hbm>>) target(%dma_start3A_760 : memref<16x128xf32, #tpu.memory_space<vmem_shared>>) target_semaphore(%arg17 : memref<!tpu.dma_semaphore, #tpu.memory_space<semaphore_mem>>)
    %mul3A_763 = arith.constant 136 : i32
    %mul3A_764 = arith.muli %arg1, %mul3A_763 : i32
    %add3A_765 = arith.constant 102272 : i32
    %add3A_766 = arith.addi %mul3A_764, %add3A_765 : i32
    %mul3A_767 = arith.constant 16 : i32
    %mul3A_768 = arith.muli %arg1, %mul3A_767 : i32
    %add3A_769 = arith.constant 1280 : i32
    %add3A_770 = arith.addi %mul3A_768, %add3A_769 : i32
    %dma_start3A_771 = arith.constant 0 : i32
    %dma_start3A_772 = tpu.memref_slice %arg9[%add3A_770, %dma_start3A_771] : memref<1792x128xf32, #tpu.memory_space<vmem_shared>> -> memref<16x128xf32, #tpu.memory_space<vmem_shared>>
    %dma_start3A_773 = arith.constant 0 : i32
    %dma_start3A_774 = tpu.memref_slice %arg2[%add3A_766, %dma_start3A_773] : memref<106624x128xf32, #tpu.memory_space<hbm>> -> memref<16x128xf32, #tpu.memory_space<hbm>>
    tpu.enqueue_dma source(%dma_start3A_774 : memref<16x128xf32, #tpu.memory_space<hbm>>) target(%dma_start3A_772 : memref<16x128xf32, #tpu.memory_space<vmem_shared>>) target_semaphore(%arg17 : memref<!tpu.dma_semaphore, #tpu.memory_space<semaphore_mem>>)
    %mul3A_775 = arith.constant 136 : i32
    %mul3A_776 = arith.muli %arg1, %mul3A_775 : i32
    %add3A_777 = arith.constant 104448 : i32
    %add3A_778 = arith.addi %mul3A_776, %add3A_777 : i32
    %mul3A_779 = arith.constant 16 : i32
    %mul3A_780 = arith.muli %arg1, %mul3A_779 : i32
    %add3A_781 = arith.constant 1536 : i32
    %add3A_782 = arith.addi %mul3A_780, %add3A_781 : i32
    %dma_start3A_783 = arith.constant 0 : i32
    %dma_start3A_784 = tpu.memref_slice %arg9[%add3A_782, %dma_start3A_783] : memref<1792x128xf32, #tpu.memory_space<vmem_shared>> -> memref<16x128xf32, #tpu.memory_space<vmem_shared>>
    %dma_start3A_785 = arith.constant 0 : i32
    %dma_start3A_786 = tpu.memref_slice %arg2[%add3A_778, %dma_start3A_785] : memref<106624x128xf32, #tpu.memory_space<hbm>> -> memref<16x128xf32, #tpu.memory_space<hbm>>
    tpu.enqueue_dma source(%dma_start3A_786 : memref<16x128xf32, #tpu.memory_space<hbm>>) target(%dma_start3A_784 : memref<16x128xf32, #tpu.memory_space<vmem_shared>>) target_semaphore(%arg17 : memref<!tpu.dma_semaphore, #tpu.memory_space<semaphore_mem>>)
    %lt3A_787 = arith.constant 30 : i32
    %lt3A_788 = arith.cmpi slt, %add3A, %lt3A_787 : i32
    %convert_element_type3A_789 = arith.extui %lt3A_788 : i1 to i32
    %cond3A_790 = arith.constant 0 : i32
    %cond3A_791 = arith.cmpi ne, %convert_element_type3A_789, %cond3A_790 : i32
    scf.if %cond3A_791 {
      %dma_start3A_826 = arith.constant 7168 : i32
      %dma_start3A_827 = tpu.memref_slice %arg5[%dma_start3A_826] : memref<9408xi32, #tpu.memory_space<vmem>> -> memref<224xi32, #tpu.memory_space<vmem>>
      %dma_start3A_828 = arith.constant 0 : i32
      %dma_start3A_829 = arith.constant 0 : i32
      %dma_start3A_830 = tpu.memref_slice %arg10[%dma_start3A_828, %dma_start3A_829] : memref<1792x128xf32, #tpu.memory_space<vmem_shared>> -> memref<1792x128xf32, #tpu.memory_space<vmem_shared>>
      tpu.enqueue_indirect_dma source(%dma_start3A_830 : memref<1792x128xf32, #tpu.memory_space<vmem_shared>>) target(%arg8 : memref<224x128xf32, #tpu.memory_space<vmem>>) offsets(%dma_start3A_827 : memref<224xi32, #tpu.memory_space<vmem>>) semaphore(%arg13 : memref<!tpu.dma_semaphore, #tpu.memory_space<semaphore_mem>>)
      %dma_wait3A_831 = arith.constant 6720 : i32
      %dma_wait3A_832 = tpu.memref_slice %arg5[%dma_wait3A_831] : memref<9408xi32, #tpu.memory_space<vmem>> -> memref<224xi32, #tpu.memory_space<vmem>>
      %dma_wait3A_833 = arith.constant 0 : i32
      %dma_wait3A_834 = arith.constant 0 : i32
      %dma_wait3A_835 = tpu.memref_slice %arg2[%dma_wait3A_833, %dma_wait3A_834] : memref<106624x128xf32, #tpu.memory_space<hbm>> -> memref<106624x128xf32, #tpu.memory_space<hbm>>
      tpu.wait_indirect_dma semaphore(%arg11 : memref<!tpu.dma_semaphore, #tpu.memory_space<semaphore_mem>>) src(%dma_wait3A_835 : memref<106624x128xf32, #tpu.memory_space<hbm>>) dst(%arg6 : memref<224x128xf32, #tpu.memory_space<vmem>>)
      %mul3A_836 = arith.constant 2 : i32
      %mul3A_837 = arith.muli %mul3A_836, %add3A : i32
      %add3A_838 = arith.constant 0 : i32
      %add3A_839 = arith.addi %mul3A_837, %add3A_838 : i32
      %mul3A_840 = arith.constant 224 : i32
      %mul3A_841 = arith.muli %add3A_839, %mul3A_840 : i32
      %add3A_842 = arith.constant 255360 : i32
      %add3A_843 = arith.addi %add3A_842, %mul3A_841 : i32
      %dma_start3A_844 = arith.constant 0 : i32
      %dma_start3A_845 = tpu.memref_slice %arg4[%add3A_843, %dma_start3A_844] : memref<282240x128xf32, #tpu.memory_space<hbm>> -> memref<224x128xf32, #tpu.memory_space<hbm>>
      %dma_start3A_846 = arith.constant 0 : i32
      %dma_start3A_847 = tpu.memref_slice %arg4[%add3A_843, %dma_start3A_846] : memref<282240x128xf32, #tpu.memory_space<hbm>> -> memref<224x128xf32, #tpu.memory_space<hbm>>
      tpu.enqueue_dma source(%arg6 : memref<224x128xf32, #tpu.memory_space<vmem>>) target(%dma_start3A_847 : memref<224x128xf32, #tpu.memory_space<hbm>>) target_semaphore(%arg14 : memref<!tpu.dma_semaphore, #tpu.memory_space<semaphore_mem>>)
      %dma_wait3A_848 = arith.constant 0 : i32
      %dma_wait3A_849 = tpu.memref_slice %arg4[%add3A_843, %dma_wait3A_848] : memref<282240x128xf32, #tpu.memory_space<hbm>> -> memref<224x128xf32, #tpu.memory_space<hbm>>
      %dma_wait3A_850 = arith.constant 0 : i32
      %dma_wait3A_851 = tpu.memref_slice %arg4[%add3A_843, %dma_wait3A_850] : memref<282240x128xf32, #tpu.memory_space<hbm>> -> memref<224x128xf32, #tpu.memory_space<hbm>>
      tpu.wait_dma2 semaphore(%arg14 : memref<!tpu.dma_semaphore, #tpu.memory_space<semaphore_mem>>) src(%arg6 : memref<224x128xf32, #tpu.memory_space<vmem>>) dst(%dma_wait3A_851 : memref<224x128xf32, #tpu.memory_space<hbm>>)
      %dma_start3A_852 = arith.constant 7392 : i32
      %dma_start3A_853 = tpu.memref_slice %arg5[%dma_start3A_852] : memref<9408xi32, #tpu.memory_space<vmem>> -> memref<224xi32, #tpu.memory_space<vmem>>
      %dma_start3A_854 = arith.constant 0 : i32
      %dma_start3A_855 = arith.constant 0 : i32
      %dma_start3A_856 = tpu.memref_slice %arg10[%dma_start3A_854, %dma_start3A_855] : memref<1792x128xf32, #tpu.memory_space<vmem_shared>> -> memref<1792x128xf32, #tpu.memory_space<vmem_shared>>
      tpu.enqueue_indirect_dma source(%dma_start3A_856 : memref<1792x128xf32, #tpu.memory_space<vmem_shared>>) target(%arg6 : memref<224x128xf32, #tpu.memory_space<vmem>>) offsets(%dma_start3A_853 : memref<224xi32, #tpu.memory_space<vmem>>) semaphore(%arg11 : memref<!tpu.dma_semaphore, #tpu.memory_space<semaphore_mem>>)
      %dma_wait3A_857 = arith.constant 6944 : i32
      %dma_wait3A_858 = tpu.memref_slice %arg5[%dma_wait3A_857] : memref<9408xi32, #tpu.memory_space<vmem>> -> memref<224xi32, #tpu.memory_space<vmem>>
      %dma_wait3A_859 = arith.constant 0 : i32
      %dma_wait3A_860 = arith.constant 0 : i32
      %dma_wait3A_861 = tpu.memref_slice %arg2[%dma_wait3A_859, %dma_wait3A_860] : memref<106624x128xf32, #tpu.memory_space<hbm>> -> memref<106624x128xf32, #tpu.memory_space<hbm>>
      tpu.wait_indirect_dma semaphore(%arg12 : memref<!tpu.dma_semaphore, #tpu.memory_space<semaphore_mem>>) src(%dma_wait3A_861 : memref<106624x128xf32, #tpu.memory_space<hbm>>) dst(%arg7 : memref<224x128xf32, #tpu.memory_space<vmem>>)
      %mul3A_862 = arith.constant 2 : i32
      %mul3A_863 = arith.muli %mul3A_862, %add3A : i32
      %add3A_864 = arith.constant 1 : i32
      %add3A_865 = arith.addi %mul3A_863, %add3A_864 : i32
      %mul3A_866 = arith.constant 224 : i32
      %mul3A_867 = arith.muli %add3A_865, %mul3A_866 : i32
      %add3A_868 = arith.constant 255360 : i32
      %add3A_869 = arith.addi %add3A_868, %mul3A_867 : i32
      %dma_start3A_870 = arith.constant 0 : i32
      %dma_start3A_871 = tpu.memref_slice %arg4[%add3A_869, %dma_start3A_870] : memref<282240x128xf32, #tpu.memory_space<hbm>> -> memref<224x128xf32, #tpu.memory_space<hbm>>
      %dma_start3A_872 = arith.constant 0 : i32
      %dma_start3A_873 = tpu.memref_slice %arg4[%add3A_869, %dma_start3A_872] : memref<282240x128xf32, #tpu.memory_space<hbm>> -> memref<224x128xf32, #tpu.memory_space<hbm>>
      tpu.enqueue_dma source(%arg7 : memref<224x128xf32, #tpu.memory_space<vmem>>) target(%dma_start3A_873 : memref<224x128xf32, #tpu.memory_space<hbm>>) target_semaphore(%arg15 : memref<!tpu.dma_semaphore, #tpu.memory_space<semaphore_mem>>)
      %dma_wait3A_874 = arith.constant 0 : i32
      %dma_wait3A_875 = tpu.memref_slice %arg4[%add3A_869, %dma_wait3A_874] : memref<282240x128xf32, #tpu.memory_space<hbm>> -> memref<224x128xf32, #tpu.memory_space<hbm>>
      %dma_wait3A_876 = arith.constant 0 : i32
      %dma_wait3A_877 = tpu.memref_slice %arg4[%add3A_869, %dma_wait3A_876] : memref<282240x128xf32, #tpu.memory_space<hbm>> -> memref<224x128xf32, #tpu.memory_space<hbm>>
      tpu.wait_dma2 semaphore(%arg15 : memref<!tpu.dma_semaphore, #tpu.memory_space<semaphore_mem>>) src(%arg7 : memref<224x128xf32, #tpu.memory_space<vmem>>) dst(%dma_wait3A_877 : memref<224x128xf32, #tpu.memory_space<hbm>>)
      %dma_start3A_878 = arith.constant 7616 : i32
      %dma_start3A_879 = tpu.memref_slice %arg5[%dma_start3A_878] : memref<9408xi32, #tpu.memory_space<vmem>> -> memref<224xi32, #tpu.memory_space<vmem>>
      %dma_start3A_880 = arith.constant 0 : i32
      %dma_start3A_881 = arith.constant 0 : i32
      %dma_start3A_882 = tpu.memref_slice %arg10[%dma_start3A_880, %dma_start3A_881] : memref<1792x128xf32, #tpu.memory_space<vmem_shared>> -> memref<1792x128xf32, #tpu.memory_space<vmem_shared>>
      tpu.enqueue_indirect_dma source(%dma_start3A_882 : memref<1792x128xf32, #tpu.memory_space<vmem_shared>>) target(%arg7 : memref<224x128xf32, #tpu.memory_space<vmem>>) offsets(%dma_start3A_879 : memref<224xi32, #tpu.memory_space<vmem>>) semaphore(%arg12 : memref<!tpu.dma_semaphore, #tpu.memory_space<semaphore_mem>>)
      %dma_wait3A_883 = arith.constant 7168 : i32
      %dma_wait3A_884 = tpu.memref_slice %arg5[%dma_wait3A_883] : memref<9408xi32, #tpu.memory_space<vmem>> -> memref<224xi32, #tpu.memory_space<vmem>>
      %dma_wait3A_885 = arith.constant 0 : i32
      %dma_wait3A_886 = arith.constant 0 : i32
      %dma_wait3A_887 = tpu.memref_slice %arg10[%dma_wait3A_885, %dma_wait3A_886] : memref<1792x128xf32, #tpu.memory_space<vmem_shared>> -> memref<1792x128xf32, #tpu.memory_space<vmem_shared>>
      tpu.wait_indirect_dma semaphore(%arg13 : memref<!tpu.dma_semaphore, #tpu.memory_space<semaphore_mem>>) src(%dma_wait3A_887 : memref<1792x128xf32, #tpu.memory_space<vmem_shared>>) dst(%arg8 : memref<224x128xf32, #tpu.memory_space<vmem>>)
      %mul3A_888 = arith.constant 2 : i32
      %mul3A_889 = arith.muli %mul3A_888, %add3A : i32
      %add3A_890 = arith.constant 0 : i32
      %add3A_891 = arith.addi %mul3A_889, %add3A_890 : i32
      %mul3A_892 = arith.constant 224 : i32
      %mul3A_893 = arith.muli %add3A_891, %mul3A_892 : i32
      %add3A_894 = arith.constant 67200 : i32
      %add3A_895 = arith.addi %add3A_894, %mul3A_893 : i32
      %dma_start3A_896 = arith.constant 0 : i32
      %dma_start3A_897 = tpu.memref_slice %arg4[%add3A_895, %dma_start3A_896] : memref<282240x128xf32, #tpu.memory_space<hbm>> -> memref<224x128xf32, #tpu.memory_space<hbm>>
      %dma_start3A_898 = arith.constant 0 : i32
      %dma_start3A_899 = tpu.memref_slice %arg4[%add3A_895, %dma_start3A_898] : memref<282240x128xf32, #tpu.memory_space<hbm>> -> memref<224x128xf32, #tpu.memory_space<hbm>>
      tpu.enqueue_dma source(%arg8 : memref<224x128xf32, #tpu.memory_space<vmem>>) target(%dma_start3A_899 : memref<224x128xf32, #tpu.memory_space<hbm>>) target_semaphore(%arg16 : memref<!tpu.dma_semaphore, #tpu.memory_space<semaphore_mem>>)
      %dma_wait3A_900 = arith.constant 0 : i32
      %dma_wait3A_901 = tpu.memref_slice %arg4[%add3A_895, %dma_wait3A_900] : memref<282240x128xf32, #tpu.memory_space<hbm>> -> memref<224x128xf32, #tpu.memory_space<hbm>>
      %dma_wait3A_902 = arith.constant 0 : i32
      %dma_wait3A_903 = tpu.memref_slice %arg4[%add3A_895, %dma_wait3A_902] : memref<282240x128xf32, #tpu.memory_space<hbm>> -> memref<224x128xf32, #tpu.memory_space<hbm>>
      tpu.wait_dma2 semaphore(%arg16 : memref<!tpu.dma_semaphore, #tpu.memory_space<semaphore_mem>>) src(%arg8 : memref<224x128xf32, #tpu.memory_space<vmem>>) dst(%dma_wait3A_903 : memref<224x128xf32, #tpu.memory_space<hbm>>)
      %dma_start3A_904 = arith.constant 7840 : i32
      %dma_start3A_905 = tpu.memref_slice %arg5[%dma_start3A_904] : memref<9408xi32, #tpu.memory_space<vmem>> -> memref<224xi32, #tpu.memory_space<vmem>>
      %dma_start3A_906 = arith.constant 0 : i32
      %dma_start3A_907 = arith.constant 0 : i32
      %dma_start3A_908 = tpu.memref_slice %arg10[%dma_start3A_906, %dma_start3A_907] : memref<1792x128xf32, #tpu.memory_space<vmem_shared>> -> memref<1792x128xf32, #tpu.memory_space<vmem_shared>>
      tpu.enqueue_indirect_dma source(%dma_start3A_908 : memref<1792x128xf32, #tpu.memory_space<vmem_shared>>) target(%arg8 : memref<224x128xf32, #tpu.memory_space<vmem>>) offsets(%dma_start3A_905 : memref<224xi32, #tpu.memory_space<vmem>>) semaphore(%arg13 : memref<!tpu.dma_semaphore, #tpu.memory_space<semaphore_mem>>)
      %dma_wait3A_909 = arith.constant 7392 : i32
      %dma_wait3A_910 = tpu.memref_slice %arg5[%dma_wait3A_909] : memref<9408xi32, #tpu.memory_space<vmem>> -> memref<224xi32, #tpu.memory_space<vmem>>
      %dma_wait3A_911 = arith.constant 0 : i32
      %dma_wait3A_912 = arith.constant 0 : i32
      %dma_wait3A_913 = tpu.memref_slice %arg10[%dma_wait3A_911, %dma_wait3A_912] : memref<1792x128xf32, #tpu.memory_space<vmem_shared>> -> memref<1792x128xf32, #tpu.memory_space<vmem_shared>>
      tpu.wait_indirect_dma semaphore(%arg11 : memref<!tpu.dma_semaphore, #tpu.memory_space<semaphore_mem>>) src(%dma_wait3A_913 : memref<1792x128xf32, #tpu.memory_space<vmem_shared>>) dst(%arg6 : memref<224x128xf32, #tpu.memory_space<vmem>>)
      %mul3A_914 = arith.constant 2 : i32
      %mul3A_915 = arith.muli %mul3A_914, %add3A : i32
      %add3A_916 = arith.constant 1 : i32
      %add3A_917 = arith.addi %mul3A_915, %add3A_916 : i32
      %mul3A_918 = arith.constant 224 : i32
      %mul3A_919 = arith.muli %add3A_917, %mul3A_918 : i32
      %add3A_920 = arith.constant 67200 : i32
      %add3A_921 = arith.addi %add3A_920, %mul3A_919 : i32
      %dma_start3A_922 = arith.constant 0 : i32
      %dma_start3A_923 = tpu.memref_slice %arg4[%add3A_921, %dma_start3A_922] : memref<282240x128xf32, #tpu.memory_space<hbm>> -> memref<224x128xf32, #tpu.memory_space<hbm>>
      %dma_start3A_924 = arith.constant 0 : i32
      %dma_start3A_925 = tpu.memref_slice %arg4[%add3A_921, %dma_start3A_924] : memref<282240x128xf32, #tpu.memory_space<hbm>> -> memref<224x128xf32, #tpu.memory_space<hbm>>
      tpu.enqueue_dma source(%arg6 : memref<224x128xf32, #tpu.memory_space<vmem>>) target(%dma_start3A_925 : memref<224x128xf32, #tpu.memory_space<hbm>>) target_semaphore(%arg14 : memref<!tpu.dma_semaphore, #tpu.memory_space<semaphore_mem>>)
      %dma_wait3A_926 = arith.constant 0 : i32
      %dma_wait3A_927 = tpu.memref_slice %arg4[%add3A_921, %dma_wait3A_926] : memref<282240x128xf32, #tpu.memory_space<hbm>> -> memref<224x128xf32, #tpu.memory_space<hbm>>
      %dma_wait3A_928 = arith.constant 0 : i32
      %dma_wait3A_929 = tpu.memref_slice %arg4[%add3A_921, %dma_wait3A_928] : memref<282240x128xf32, #tpu.memory_space<hbm>> -> memref<224x128xf32, #tpu.memory_space<hbm>>
      tpu.wait_dma2 semaphore(%arg14 : memref<!tpu.dma_semaphore, #tpu.memory_space<semaphore_mem>>) src(%arg6 : memref<224x128xf32, #tpu.memory_space<vmem>>) dst(%dma_wait3A_929 : memref<224x128xf32, #tpu.memory_space<hbm>>)
      %dma_start3A_930 = arith.constant 8064 : i32
      %dma_start3A_931 = tpu.memref_slice %arg5[%dma_start3A_930] : memref<9408xi32, #tpu.memory_space<vmem>> -> memref<224xi32, #tpu.memory_space<vmem>>
      %dma_start3A_932 = arith.constant 0 : i32
      %dma_start3A_933 = arith.constant 0 : i32
      %dma_start3A_934 = tpu.memref_slice %arg2[%dma_start3A_932, %dma_start3A_933] : memref<106624x128xf32, #tpu.memory_space<hbm>> -> memref<106624x128xf32, #tpu.memory_space<hbm>>
      tpu.enqueue_indirect_dma source(%dma_start3A_934 : memref<106624x128xf32, #tpu.memory_space<hbm>>) target(%arg6 : memref<224x128xf32, #tpu.memory_space<vmem>>) offsets(%dma_start3A_931 : memref<224xi32, #tpu.memory_space<vmem>>) semaphore(%arg11 : memref<!tpu.dma_semaphore, #tpu.memory_space<semaphore_mem>>)
      %dma_wait3A_935 = arith.constant 7616 : i32
      %dma_wait3A_936 = tpu.memref_slice %arg5[%dma_wait3A_935] : memref<9408xi32, #tpu.memory_space<vmem>> -> memref<224xi32, #tpu.memory_space<vmem>>
      %dma_wait3A_937 = arith.constant 0 : i32
      %dma_wait3A_938 = arith.constant 0 : i32
      %dma_wait3A_939 = tpu.memref_slice %arg10[%dma_wait3A_937, %dma_wait3A_938] : memref<1792x128xf32, #tpu.memory_space<vmem_shared>> -> memref<1792x128xf32, #tpu.memory_space<vmem_shared>>
      tpu.wait_indirect_dma semaphore(%arg12 : memref<!tpu.dma_semaphore, #tpu.memory_space<semaphore_mem>>) src(%dma_wait3A_939 : memref<1792x128xf32, #tpu.memory_space<vmem_shared>>) dst(%arg7 : memref<224x128xf32, #tpu.memory_space<vmem>>)
      %mul3A_940 = arith.constant 2 : i32
      %mul3A_941 = arith.muli %mul3A_940, %add3A : i32
      %add3A_942 = arith.constant 0 : i32
      %add3A_943 = arith.addi %mul3A_941, %add3A_942 : i32
      %mul3A_944 = arith.constant 224 : i32
      %mul3A_945 = arith.muli %add3A_943, %mul3A_944 : i32
      %add3A_946 = arith.constant 161280 : i32
      %add3A_947 = arith.addi %add3A_946, %mul3A_945 : i32
      %dma_start3A_948 = arith.constant 0 : i32
      %dma_start3A_949 = tpu.memref_slice %arg4[%add3A_947, %dma_start3A_948] : memref<282240x128xf32, #tpu.memory_space<hbm>> -> memref<224x128xf32, #tpu.memory_space<hbm>>
      %dma_start3A_950 = arith.constant 0 : i32
      %dma_start3A_951 = tpu.memref_slice %arg4[%add3A_947, %dma_start3A_950] : memref<282240x128xf32, #tpu.memory_space<hbm>> -> memref<224x128xf32, #tpu.memory_space<hbm>>
      tpu.enqueue_dma source(%arg7 : memref<224x128xf32, #tpu.memory_space<vmem>>) target(%dma_start3A_951 : memref<224x128xf32, #tpu.memory_space<hbm>>) target_semaphore(%arg15 : memref<!tpu.dma_semaphore, #tpu.memory_space<semaphore_mem>>)
      %dma_wait3A_952 = arith.constant 0 : i32
      %dma_wait3A_953 = tpu.memref_slice %arg4[%add3A_947, %dma_wait3A_952] : memref<282240x128xf32, #tpu.memory_space<hbm>> -> memref<224x128xf32, #tpu.memory_space<hbm>>
      %dma_wait3A_954 = arith.constant 0 : i32
      %dma_wait3A_955 = tpu.memref_slice %arg4[%add3A_947, %dma_wait3A_954] : memref<282240x128xf32, #tpu.memory_space<hbm>> -> memref<224x128xf32, #tpu.memory_space<hbm>>
      tpu.wait_dma2 semaphore(%arg15 : memref<!tpu.dma_semaphore, #tpu.memory_space<semaphore_mem>>) src(%arg7 : memref<224x128xf32, #tpu.memory_space<vmem>>) dst(%dma_wait3A_955 : memref<224x128xf32, #tpu.memory_space<hbm>>)
      %dma_start3A_956 = arith.constant 8288 : i32
      %dma_start3A_957 = tpu.memref_slice %arg5[%dma_start3A_956] : memref<9408xi32, #tpu.memory_space<vmem>> -> memref<224xi32, #tpu.memory_space<vmem>>
      %dma_start3A_958 = arith.constant 0 : i32
      %dma_start3A_959 = arith.constant 0 : i32
      %dma_start3A_960 = tpu.memref_slice %arg2[%dma_start3A_958, %dma_start3A_959] : memref<106624x128xf32, #tpu.memory_space<hbm>> -> memref<106624x128xf32, #tpu.memory_space<hbm>>
      tpu.enqueue_indirect_dma source(%dma_start3A_960 : memref<106624x128xf32, #tpu.memory_space<hbm>>) target(%arg7 : memref<224x128xf32, #tpu.memory_space<vmem>>) offsets(%dma_start3A_957 : memref<224xi32, #tpu.memory_space<vmem>>) semaphore(%arg12 : memref<!tpu.dma_semaphore, #tpu.memory_space<semaphore_mem>>)
      %dma_wait3A_961 = arith.constant 7840 : i32
      %dma_wait3A_962 = tpu.memref_slice %arg5[%dma_wait3A_961] : memref<9408xi32, #tpu.memory_space<vmem>> -> memref<224xi32, #tpu.memory_space<vmem>>
      %dma_wait3A_963 = arith.constant 0 : i32
      %dma_wait3A_964 = arith.constant 0 : i32
      %dma_wait3A_965 = tpu.memref_slice %arg10[%dma_wait3A_963, %dma_wait3A_964] : memref<1792x128xf32, #tpu.memory_space<vmem_shared>> -> memref<1792x128xf32, #tpu.memory_space<vmem_shared>>
      tpu.wait_indirect_dma semaphore(%arg13 : memref<!tpu.dma_semaphore, #tpu.memory_space<semaphore_mem>>) src(%dma_wait3A_965 : memref<1792x128xf32, #tpu.memory_space<vmem_shared>>) dst(%arg8 : memref<224x128xf32, #tpu.memory_space<vmem>>)
      %mul3A_966 = arith.constant 2 : i32
      %mul3A_967 = arith.muli %mul3A_966, %add3A : i32
      %add3A_968 = arith.constant 1 : i32
      %add3A_969 = arith.addi %mul3A_967, %add3A_968 : i32
      %mul3A_970 = arith.constant 224 : i32
      %mul3A_971 = arith.muli %add3A_969, %mul3A_970 : i32
      %add3A_972 = arith.constant 161280 : i32
      %add3A_973 = arith.addi %add3A_972, %mul3A_971 : i32
      %dma_start3A_974 = arith.constant 0 : i32
      %dma_start3A_975 = tpu.memref_slice %arg4[%add3A_973, %dma_start3A_974] : memref<282240x128xf32, #tpu.memory_space<hbm>> -> memref<224x128xf32, #tpu.memory_space<hbm>>
      %dma_start3A_976 = arith.constant 0 : i32
      %dma_start3A_977 = tpu.memref_slice %arg4[%add3A_973, %dma_start3A_976] : memref<282240x128xf32, #tpu.memory_space<hbm>> -> memref<224x128xf32, #tpu.memory_space<hbm>>
      tpu.enqueue_dma source(%arg8 : memref<224x128xf32, #tpu.memory_space<vmem>>) target(%dma_start3A_977 : memref<224x128xf32, #tpu.memory_space<hbm>>) target_semaphore(%arg16 : memref<!tpu.dma_semaphore, #tpu.memory_space<semaphore_mem>>)
      %dma_wait3A_978 = arith.constant 0 : i32
      %dma_wait3A_979 = tpu.memref_slice %arg4[%add3A_973, %dma_wait3A_978] : memref<282240x128xf32, #tpu.memory_space<hbm>> -> memref<224x128xf32, #tpu.memory_space<hbm>>
      %dma_wait3A_980 = arith.constant 0 : i32
      %dma_wait3A_981 = tpu.memref_slice %arg4[%add3A_973, %dma_wait3A_980] : memref<282240x128xf32, #tpu.memory_space<hbm>> -> memref<224x128xf32, #tpu.memory_space<hbm>>
      tpu.wait_dma2 semaphore(%arg16 : memref<!tpu.dma_semaphore, #tpu.memory_space<semaphore_mem>>) src(%arg8 : memref<224x128xf32, #tpu.memory_space<vmem>>) dst(%dma_wait3A_981 : memref<224x128xf32, #tpu.memory_space<hbm>>)
    } else {
    }
    %dma_wait3A_792 = arith.constant 0 : i32
    %dma_wait3A_793 = tpu.memref_slice %arg9[%add3A_710, %dma_wait3A_792] : memref<1792x128xf32, #tpu.memory_space<vmem_shared>> -> memref<16x128xf32, #tpu.memory_space<vmem_shared>>
    %dma_wait3A_794 = arith.constant 0 : i32
    %dma_wait3A_795 = tpu.memref_slice %arg2[%add3A_706, %dma_wait3A_794] : memref<106624x128xf32, #tpu.memory_space<hbm>> -> memref<16x128xf32, #tpu.memory_space<hbm>>
    tpu.wait_dma2 semaphore(%arg17 : memref<!tpu.dma_semaphore, #tpu.memory_space<semaphore_mem>>) src(%dma_wait3A_795 : memref<16x128xf32, #tpu.memory_space<hbm>>) dst(%dma_wait3A_793 : memref<16x128xf32, #tpu.memory_space<vmem_shared>>)
    %dma_wait3A_796 = arith.constant 0 : i32
    %dma_wait3A_797 = tpu.memref_slice %arg9[%add3A_722, %dma_wait3A_796] : memref<1792x128xf32, #tpu.memory_space<vmem_shared>> -> memref<16x128xf32, #tpu.memory_space<vmem_shared>>
    %dma_wait3A_798 = arith.constant 0 : i32
    %dma_wait3A_799 = tpu.memref_slice %arg2[%add3A_718, %dma_wait3A_798] : memref<106624x128xf32, #tpu.memory_space<hbm>> -> memref<16x128xf32, #tpu.memory_space<hbm>>
    tpu.wait_dma2 semaphore(%arg17 : memref<!tpu.dma_semaphore, #tpu.memory_space<semaphore_mem>>) src(%dma_wait3A_799 : memref<16x128xf32, #tpu.memory_space<hbm>>) dst(%dma_wait3A_797 : memref<16x128xf32, #tpu.memory_space<vmem_shared>>)
    %dma_wait3A_800 = arith.constant 0 : i32
    %dma_wait3A_801 = tpu.memref_slice %arg9[%add3A_734, %dma_wait3A_800] : memref<1792x128xf32, #tpu.memory_space<vmem_shared>> -> memref<16x128xf32, #tpu.memory_space<vmem_shared>>
    %dma_wait3A_802 = arith.constant 0 : i32
    %dma_wait3A_803 = tpu.memref_slice %arg2[%add3A_730, %dma_wait3A_802] : memref<106624x128xf32, #tpu.memory_space<hbm>> -> memref<16x128xf32, #tpu.memory_space<hbm>>
    tpu.wait_dma2 semaphore(%arg17 : memref<!tpu.dma_semaphore, #tpu.memory_space<semaphore_mem>>) src(%dma_wait3A_803 : memref<16x128xf32, #tpu.memory_space<hbm>>) dst(%dma_wait3A_801 : memref<16x128xf32, #tpu.memory_space<vmem_shared>>)
    %dma_wait3A_804 = arith.constant 0 : i32
    %dma_wait3A_805 = tpu.memref_slice %arg9[%add3A_746, %dma_wait3A_804] : memref<1792x128xf32, #tpu.memory_space<vmem_shared>> -> memref<16x128xf32, #tpu.memory_space<vmem_shared>>
    %dma_wait3A_806 = arith.constant 0 : i32
    %dma_wait3A_807 = tpu.memref_slice %arg2[%add3A_742, %dma_wait3A_806] : memref<106624x128xf32, #tpu.memory_space<hbm>> -> memref<16x128xf32, #tpu.memory_space<hbm>>
    tpu.wait_dma2 semaphore(%arg17 : memref<!tpu.dma_semaphore, #tpu.memory_space<semaphore_mem>>) src(%dma_wait3A_807 : memref<16x128xf32, #tpu.memory_space<hbm>>) dst(%dma_wait3A_805 : memref<16x128xf32, #tpu.memory_space<vmem_shared>>)
    %dma_wait3A_808 = arith.constant 0 : i32
    %dma_wait3A_809 = tpu.memref_slice %arg9[%add3A_758, %dma_wait3A_808] : memref<1792x128xf32, #tpu.memory_space<vmem_shared>> -> memref<16x128xf32, #tpu.memory_space<vmem_shared>>
    %dma_wait3A_810 = arith.constant 0 : i32
    %dma_wait3A_811 = tpu.memref_slice %arg2[%add3A_754, %dma_wait3A_810] : memref<106624x128xf32, #tpu.memory_space<hbm>> -> memref<16x128xf32, #tpu.memory_space<hbm>>
    tpu.wait_dma2 semaphore(%arg17 : memref<!tpu.dma_semaphore, #tpu.memory_space<semaphore_mem>>) src(%dma_wait3A_811 : memref<16x128xf32, #tpu.memory_space<hbm>>) dst(%dma_wait3A_809 : memref<16x128xf32, #tpu.memory_space<vmem_shared>>)
    %dma_wait3A_812 = arith.constant 0 : i32
    %dma_wait3A_813 = tpu.memref_slice %arg9[%add3A_770, %dma_wait3A_812] : memref<1792x128xf32, #tpu.memory_space<vmem_shared>> -> memref<16x128xf32, #tpu.memory_space<vmem_shared>>
    %dma_wait3A_814 = arith.constant 0 : i32
    %dma_wait3A_815 = tpu.memref_slice %arg2[%add3A_766, %dma_wait3A_814] : memref<106624x128xf32, #tpu.memory_space<hbm>> -> memref<16x128xf32, #tpu.memory_space<hbm>>
    tpu.wait_dma2 semaphore(%arg17 : memref<!tpu.dma_semaphore, #tpu.memory_space<semaphore_mem>>) src(%dma_wait3A_815 : memref<16x128xf32, #tpu.memory_space<hbm>>) dst(%dma_wait3A_813 : memref<16x128xf32, #tpu.memory_space<vmem_shared>>)
    %dma_wait3A_816 = arith.constant 0 : i32
    %dma_wait3A_817 = tpu.memref_slice %arg9[%add3A_782, %dma_wait3A_816] : memref<1792x128xf32, #tpu.memory_space<vmem_shared>> -> memref<16x128xf32, #tpu.memory_space<vmem_shared>>
    %dma_wait3A_818 = arith.constant 0 : i32
    %dma_wait3A_819 = tpu.memref_slice %arg2[%add3A_778, %dma_wait3A_818] : memref<106624x128xf32, #tpu.memory_space<hbm>> -> memref<16x128xf32, #tpu.memory_space<hbm>>
    tpu.wait_dma2 semaphore(%arg17 : memref<!tpu.dma_semaphore, #tpu.memory_space<semaphore_mem>>) src(%dma_wait3A_819 : memref<16x128xf32, #tpu.memory_space<hbm>>) dst(%dma_wait3A_817 : memref<16x128xf32, #tpu.memory_space<vmem_shared>>)
    %barrier3A_820 = arith.constant 0 : index
    tpu.barrier barrier_id(%barrier3A_820)
    %lt3A_821 = arith.constant 30 : i32
    %lt3A_822 = arith.cmpi slt, %add3A, %lt3A_821 : i32
    %convert_element_type3A_823 = arith.extui %lt3A_822 : i1 to i32
    %cond3A_824 = arith.constant 0 : i32
    %cond3A_825 = arith.cmpi ne, %convert_element_type3A_823, %cond3A_824 : i32
    scf.if %cond3A_825 {
      %dma_start3A_826 = arith.constant 8512 : i32
      %dma_start3A_827 = tpu.memref_slice %arg5[%dma_start3A_826] : memref<9408xi32, #tpu.memory_space<vmem>> -> memref<224xi32, #tpu.memory_space<vmem>>
      %dma_start3A_828 = arith.constant 0 : i32
      %dma_start3A_829 = arith.constant 0 : i32
      %dma_start3A_830 = tpu.memref_slice %arg9[%dma_start3A_828, %dma_start3A_829] : memref<1792x128xf32, #tpu.memory_space<vmem_shared>> -> memref<1792x128xf32, #tpu.memory_space<vmem_shared>>
      tpu.enqueue_indirect_dma source(%dma_start3A_830 : memref<1792x128xf32, #tpu.memory_space<vmem_shared>>) target(%arg8 : memref<224x128xf32, #tpu.memory_space<vmem>>) offsets(%dma_start3A_827 : memref<224xi32, #tpu.memory_space<vmem>>) semaphore(%arg13 : memref<!tpu.dma_semaphore, #tpu.memory_space<semaphore_mem>>)
      %dma_wait3A_831 = arith.constant 8064 : i32
      %dma_wait3A_832 = tpu.memref_slice %arg5[%dma_wait3A_831] : memref<9408xi32, #tpu.memory_space<vmem>> -> memref<224xi32, #tpu.memory_space<vmem>>
      %dma_wait3A_833 = arith.constant 0 : i32
      %dma_wait3A_834 = arith.constant 0 : i32
      %dma_wait3A_835 = tpu.memref_slice %arg2[%dma_wait3A_833, %dma_wait3A_834] : memref<106624x128xf32, #tpu.memory_space<hbm>> -> memref<106624x128xf32, #tpu.memory_space<hbm>>
      tpu.wait_indirect_dma semaphore(%arg11 : memref<!tpu.dma_semaphore, #tpu.memory_space<semaphore_mem>>) src(%dma_wait3A_835 : memref<106624x128xf32, #tpu.memory_space<hbm>>) dst(%arg6 : memref<224x128xf32, #tpu.memory_space<vmem>>)
      %mul3A_836 = arith.constant 2 : i32
      %mul3A_837 = arith.muli %mul3A_836, %add3A : i32
      %add3A_838 = arith.constant 0 : i32
      %add3A_839 = arith.addi %mul3A_837, %add3A_838 : i32
      %mul3A_840 = arith.constant 224 : i32
      %mul3A_841 = arith.muli %add3A_839, %mul3A_840 : i32
      %add3A_842 = arith.constant 268800 : i32
      %add3A_843 = arith.addi %add3A_842, %mul3A_841 : i32
      %dma_start3A_844 = arith.constant 0 : i32
      %dma_start3A_845 = tpu.memref_slice %arg4[%add3A_843, %dma_start3A_844] : memref<282240x128xf32, #tpu.memory_space<hbm>> -> memref<224x128xf32, #tpu.memory_space<hbm>>
      %dma_start3A_846 = arith.constant 0 : i32
      %dma_start3A_847 = tpu.memref_slice %arg4[%add3A_843, %dma_start3A_846] : memref<282240x128xf32, #tpu.memory_space<hbm>> -> memref<224x128xf32, #tpu.memory_space<hbm>>
      tpu.enqueue_dma source(%arg6 : memref<224x128xf32, #tpu.memory_space<vmem>>) target(%dma_start3A_847 : memref<224x128xf32, #tpu.memory_space<hbm>>) target_semaphore(%arg14 : memref<!tpu.dma_semaphore, #tpu.memory_space<semaphore_mem>>)
      %dma_wait3A_848 = arith.constant 0 : i32
      %dma_wait3A_849 = tpu.memref_slice %arg4[%add3A_843, %dma_wait3A_848] : memref<282240x128xf32, #tpu.memory_space<hbm>> -> memref<224x128xf32, #tpu.memory_space<hbm>>
      %dma_wait3A_850 = arith.constant 0 : i32
      %dma_wait3A_851 = tpu.memref_slice %arg4[%add3A_843, %dma_wait3A_850] : memref<282240x128xf32, #tpu.memory_space<hbm>> -> memref<224x128xf32, #tpu.memory_space<hbm>>
      tpu.wait_dma2 semaphore(%arg14 : memref<!tpu.dma_semaphore, #tpu.memory_space<semaphore_mem>>) src(%arg6 : memref<224x128xf32, #tpu.memory_space<vmem>>) dst(%dma_wait3A_851 : memref<224x128xf32, #tpu.memory_space<hbm>>)
      %dma_start3A_852 = arith.constant 8736 : i32
      %dma_start3A_853 = tpu.memref_slice %arg5[%dma_start3A_852] : memref<9408xi32, #tpu.memory_space<vmem>> -> memref<224xi32, #tpu.memory_space<vmem>>
      %dma_start3A_854 = arith.constant 0 : i32
      %dma_start3A_855 = arith.constant 0 : i32
      %dma_start3A_856 = tpu.memref_slice %arg9[%dma_start3A_854, %dma_start3A_855] : memref<1792x128xf32, #tpu.memory_space<vmem_shared>> -> memref<1792x128xf32, #tpu.memory_space<vmem_shared>>
      tpu.enqueue_indirect_dma source(%dma_start3A_856 : memref<1792x128xf32, #tpu.memory_space<vmem_shared>>) target(%arg6 : memref<224x128xf32, #tpu.memory_space<vmem>>) offsets(%dma_start3A_853 : memref<224xi32, #tpu.memory_space<vmem>>) semaphore(%arg11 : memref<!tpu.dma_semaphore, #tpu.memory_space<semaphore_mem>>)
      %dma_wait3A_857 = arith.constant 8288 : i32
      %dma_wait3A_858 = tpu.memref_slice %arg5[%dma_wait3A_857] : memref<9408xi32, #tpu.memory_space<vmem>> -> memref<224xi32, #tpu.memory_space<vmem>>
      %dma_wait3A_859 = arith.constant 0 : i32
      %dma_wait3A_860 = arith.constant 0 : i32
      %dma_wait3A_861 = tpu.memref_slice %arg2[%dma_wait3A_859, %dma_wait3A_860] : memref<106624x128xf32, #tpu.memory_space<hbm>> -> memref<106624x128xf32, #tpu.memory_space<hbm>>
      tpu.wait_indirect_dma semaphore(%arg12 : memref<!tpu.dma_semaphore, #tpu.memory_space<semaphore_mem>>) src(%dma_wait3A_861 : memref<106624x128xf32, #tpu.memory_space<hbm>>) dst(%arg7 : memref<224x128xf32, #tpu.memory_space<vmem>>)
      %mul3A_862 = arith.constant 2 : i32
      %mul3A_863 = arith.muli %mul3A_862, %add3A : i32
      %add3A_864 = arith.constant 1 : i32
      %add3A_865 = arith.addi %mul3A_863, %add3A_864 : i32
      %mul3A_866 = arith.constant 224 : i32
      %mul3A_867 = arith.muli %add3A_865, %mul3A_866 : i32
      %add3A_868 = arith.constant 268800 : i32
      %add3A_869 = arith.addi %add3A_868, %mul3A_867 : i32
      %dma_start3A_870 = arith.constant 0 : i32
      %dma_start3A_871 = tpu.memref_slice %arg4[%add3A_869, %dma_start3A_870] : memref<282240x128xf32, #tpu.memory_space<hbm>> -> memref<224x128xf32, #tpu.memory_space<hbm>>
      %dma_start3A_872 = arith.constant 0 : i32
      %dma_start3A_873 = tpu.memref_slice %arg4[%add3A_869, %dma_start3A_872] : memref<282240x128xf32, #tpu.memory_space<hbm>> -> memref<224x128xf32, #tpu.memory_space<hbm>>
      tpu.enqueue_dma source(%arg7 : memref<224x128xf32, #tpu.memory_space<vmem>>) target(%dma_start3A_873 : memref<224x128xf32, #tpu.memory_space<hbm>>) target_semaphore(%arg15 : memref<!tpu.dma_semaphore, #tpu.memory_space<semaphore_mem>>)
      %dma_wait3A_874 = arith.constant 0 : i32
      %dma_wait3A_875 = tpu.memref_slice %arg4[%add3A_869, %dma_wait3A_874] : memref<282240x128xf32, #tpu.memory_space<hbm>> -> memref<224x128xf32, #tpu.memory_space<hbm>>
      %dma_wait3A_876 = arith.constant 0 : i32
      %dma_wait3A_877 = tpu.memref_slice %arg4[%add3A_869, %dma_wait3A_876] : memref<282240x128xf32, #tpu.memory_space<hbm>> -> memref<224x128xf32, #tpu.memory_space<hbm>>
      tpu.wait_dma2 semaphore(%arg15 : memref<!tpu.dma_semaphore, #tpu.memory_space<semaphore_mem>>) src(%arg7 : memref<224x128xf32, #tpu.memory_space<vmem>>) dst(%dma_wait3A_877 : memref<224x128xf32, #tpu.memory_space<hbm>>)
      %dma_start3A_878 = arith.constant 8960 : i32
      %dma_start3A_879 = tpu.memref_slice %arg5[%dma_start3A_878] : memref<9408xi32, #tpu.memory_space<vmem>> -> memref<224xi32, #tpu.memory_space<vmem>>
      %dma_start3A_880 = arith.constant 0 : i32
      %dma_start3A_881 = arith.constant 0 : i32
      %dma_start3A_882 = tpu.memref_slice %arg9[%dma_start3A_880, %dma_start3A_881] : memref<1792x128xf32, #tpu.memory_space<vmem_shared>> -> memref<1792x128xf32, #tpu.memory_space<vmem_shared>>
      tpu.enqueue_indirect_dma source(%dma_start3A_882 : memref<1792x128xf32, #tpu.memory_space<vmem_shared>>) target(%arg7 : memref<224x128xf32, #tpu.memory_space<vmem>>) offsets(%dma_start3A_879 : memref<224xi32, #tpu.memory_space<vmem>>) semaphore(%arg12 : memref<!tpu.dma_semaphore, #tpu.memory_space<semaphore_mem>>)
      %dma_wait3A_883 = arith.constant 8512 : i32
      %dma_wait3A_884 = tpu.memref_slice %arg5[%dma_wait3A_883] : memref<9408xi32, #tpu.memory_space<vmem>> -> memref<224xi32, #tpu.memory_space<vmem>>
      %dma_wait3A_885 = arith.constant 0 : i32
      %dma_wait3A_886 = arith.constant 0 : i32
      %dma_wait3A_887 = tpu.memref_slice %arg9[%dma_wait3A_885, %dma_wait3A_886] : memref<1792x128xf32, #tpu.memory_space<vmem_shared>> -> memref<1792x128xf32, #tpu.memory_space<vmem_shared>>
      tpu.wait_indirect_dma semaphore(%arg13 : memref<!tpu.dma_semaphore, #tpu.memory_space<semaphore_mem>>) src(%dma_wait3A_887 : memref<1792x128xf32, #tpu.memory_space<vmem_shared>>) dst(%arg8 : memref<224x128xf32, #tpu.memory_space<vmem>>)
      %mul3A_888 = arith.constant 2 : i32
      %mul3A_889 = arith.muli %mul3A_888, %add3A : i32
      %add3A_890 = arith.constant 0 : i32
      %add3A_891 = arith.addi %mul3A_889, %add3A_890 : i32
      %mul3A_892 = arith.constant 224 : i32
      %mul3A_893 = arith.muli %add3A_891, %mul3A_892 : i32
      %add3A_894 = arith.constant 80640 : i32
      %add3A_895 = arith.addi %add3A_894, %mul3A_893 : i32
      %dma_start3A_896 = arith.constant 0 : i32
      %dma_start3A_897 = tpu.memref_slice %arg4[%add3A_895, %dma_start3A_896] : memref<282240x128xf32, #tpu.memory_space<hbm>> -> memref<224x128xf32, #tpu.memory_space<hbm>>
      %dma_start3A_898 = arith.constant 0 : i32
      %dma_start3A_899 = tpu.memref_slice %arg4[%add3A_895, %dma_start3A_898] : memref<282240x128xf32, #tpu.memory_space<hbm>> -> memref<224x128xf32, #tpu.memory_space<hbm>>
      tpu.enqueue_dma source(%arg8 : memref<224x128xf32, #tpu.memory_space<vmem>>) target(%dma_start3A_899 : memref<224x128xf32, #tpu.memory_space<hbm>>) target_semaphore(%arg16 : memref<!tpu.dma_semaphore, #tpu.memory_space<semaphore_mem>>)
      %dma_wait3A_900 = arith.constant 0 : i32
      %dma_wait3A_901 = tpu.memref_slice %arg4[%add3A_895, %dma_wait3A_900] : memref<282240x128xf32, #tpu.memory_space<hbm>> -> memref<224x128xf32, #tpu.memory_space<hbm>>
      %dma_wait3A_902 = arith.constant 0 : i32
      %dma_wait3A_903 = tpu.memref_slice %arg4[%add3A_895, %dma_wait3A_902] : memref<282240x128xf32, #tpu.memory_space<hbm>> -> memref<224x128xf32, #tpu.memory_space<hbm>>
      tpu.wait_dma2 semaphore(%arg16 : memref<!tpu.dma_semaphore, #tpu.memory_space<semaphore_mem>>) src(%arg8 : memref<224x128xf32, #tpu.memory_space<vmem>>) dst(%dma_wait3A_903 : memref<224x128xf32, #tpu.memory_space<hbm>>)
      %dma_start3A_904 = arith.constant 9184 : i32
      %dma_start3A_905 = tpu.memref_slice %arg5[%dma_start3A_904] : memref<9408xi32, #tpu.memory_space<vmem>> -> memref<224xi32, #tpu.memory_space<vmem>>
      %dma_start3A_906 = arith.constant 0 : i32
      %dma_start3A_907 = arith.constant 0 : i32
      %dma_start3A_908 = tpu.memref_slice %arg9[%dma_start3A_906, %dma_start3A_907] : memref<1792x128xf32, #tpu.memory_space<vmem_shared>> -> memref<1792x128xf32, #tpu.memory_space<vmem_shared>>
      tpu.enqueue_indirect_dma source(%dma_start3A_908 : memref<1792x128xf32, #tpu.memory_space<vmem_shared>>) target(%arg8 : memref<224x128xf32, #tpu.memory_space<vmem>>) offsets(%dma_start3A_905 : memref<224xi32, #tpu.memory_space<vmem>>) semaphore(%arg13 : memref<!tpu.dma_semaphore, #tpu.memory_space<semaphore_mem>>)
      %dma_wait3A_909 = arith.constant 8736 : i32
      %dma_wait3A_910 = tpu.memref_slice %arg5[%dma_wait3A_909] : memref<9408xi32, #tpu.memory_space<vmem>> -> memref<224xi32, #tpu.memory_space<vmem>>
      %dma_wait3A_911 = arith.constant 0 : i32
      %dma_wait3A_912 = arith.constant 0 : i32
      %dma_wait3A_913 = tpu.memref_slice %arg9[%dma_wait3A_911, %dma_wait3A_912] : memref<1792x128xf32, #tpu.memory_space<vmem_shared>> -> memref<1792x128xf32, #tpu.memory_space<vmem_shared>>
      tpu.wait_indirect_dma semaphore(%arg11 : memref<!tpu.dma_semaphore, #tpu.memory_space<semaphore_mem>>) src(%dma_wait3A_913 : memref<1792x128xf32, #tpu.memory_space<vmem_shared>>) dst(%arg6 : memref<224x128xf32, #tpu.memory_space<vmem>>)
      %mul3A_914 = arith.constant 2 : i32
      %mul3A_915 = arith.muli %mul3A_914, %add3A : i32
      %add3A_916 = arith.constant 1 : i32
      %add3A_917 = arith.addi %mul3A_915, %add3A_916 : i32
      %mul3A_918 = arith.constant 224 : i32
      %mul3A_919 = arith.muli %add3A_917, %mul3A_918 : i32
      %add3A_920 = arith.constant 80640 : i32
      %add3A_921 = arith.addi %add3A_920, %mul3A_919 : i32
      %dma_start3A_922 = arith.constant 0 : i32
      %dma_start3A_923 = tpu.memref_slice %arg4[%add3A_921, %dma_start3A_922] : memref<282240x128xf32, #tpu.memory_space<hbm>> -> memref<224x128xf32, #tpu.memory_space<hbm>>
      %dma_start3A_924 = arith.constant 0 : i32
      %dma_start3A_925 = tpu.memref_slice %arg4[%add3A_921, %dma_start3A_924] : memref<282240x128xf32, #tpu.memory_space<hbm>> -> memref<224x128xf32, #tpu.memory_space<hbm>>
      tpu.enqueue_dma source(%arg6 : memref<224x128xf32, #tpu.memory_space<vmem>>) target(%dma_start3A_925 : memref<224x128xf32, #tpu.memory_space<hbm>>) target_semaphore(%arg14 : memref<!tpu.dma_semaphore, #tpu.memory_space<semaphore_mem>>)
      %dma_wait3A_926 = arith.constant 8960 : i32
      %dma_wait3A_927 = tpu.memref_slice %arg5[%dma_wait3A_926] : memref<9408xi32, #tpu.memory_space<vmem>> -> memref<224xi32, #tpu.memory_space<vmem>>
      %dma_wait3A_928 = arith.constant 0 : i32
      %dma_wait3A_929 = arith.constant 0 : i32
      %dma_wait3A_930 = tpu.memref_slice %arg9[%dma_wait3A_928, %dma_wait3A_929] : memref<1792x128xf32, #tpu.memory_space<vmem_shared>> -> memref<1792x128xf32, #tpu.memory_space<vmem_shared>>
      tpu.wait_indirect_dma semaphore(%arg12 : memref<!tpu.dma_semaphore, #tpu.memory_space<semaphore_mem>>) src(%dma_wait3A_930 : memref<1792x128xf32, #tpu.memory_space<vmem_shared>>) dst(%arg7 : memref<224x128xf32, #tpu.memory_space<vmem>>)
      %mul3A_931 = arith.constant 2 : i32
      %mul3A_932 = arith.muli %mul3A_931, %add3A : i32
      %add3A_933 = arith.constant 0 : i32
      %add3A_934 = arith.addi %mul3A_932, %add3A_933 : i32
      %mul3A_935 = arith.constant 224 : i32
      %mul3A_936 = arith.muli %add3A_934, %mul3A_935 : i32
      %add3A_937 = arith.constant 174720 : i32
      %add3A_938 = arith.addi %add3A_937, %mul3A_936 : i32
      %dma_start3A_939 = arith.constant 0 : i32
      %dma_start3A_940 = tpu.memref_slice %arg4[%add3A_938, %dma_start3A_939] : memref<282240x128xf32, #tpu.memory_space<hbm>> -> memref<224x128xf32, #tpu.memory_space<hbm>>
      %dma_start3A_941 = arith.constant 0 : i32
      %dma_start3A_942 = tpu.memref_slice %arg4[%add3A_938, %dma_start3A_941] : memref<282240x128xf32, #tpu.memory_space<hbm>> -> memref<224x128xf32, #tpu.memory_space<hbm>>
      tpu.enqueue_dma source(%arg7 : memref<224x128xf32, #tpu.memory_space<vmem>>) target(%dma_start3A_942 : memref<224x128xf32, #tpu.memory_space<hbm>>) target_semaphore(%arg15 : memref<!tpu.dma_semaphore, #tpu.memory_space<semaphore_mem>>)
      %dma_wait3A_943 = arith.constant 9184 : i32
      %dma_wait3A_944 = tpu.memref_slice %arg5[%dma_wait3A_943] : memref<9408xi32, #tpu.memory_space<vmem>> -> memref<224xi32, #tpu.memory_space<vmem>>
      %dma_wait3A_945 = arith.constant 0 : i32
      %dma_wait3A_946 = arith.constant 0 : i32
      %dma_wait3A_947 = tpu.memref_slice %arg9[%dma_wait3A_945, %dma_wait3A_946] : memref<1792x128xf32, #tpu.memory_space<vmem_shared>> -> memref<1792x128xf32, #tpu.memory_space<vmem_shared>>
      tpu.wait_indirect_dma semaphore(%arg13 : memref<!tpu.dma_semaphore, #tpu.memory_space<semaphore_mem>>) src(%dma_wait3A_947 : memref<1792x128xf32, #tpu.memory_space<vmem_shared>>) dst(%arg8 : memref<224x128xf32, #tpu.memory_space<vmem>>)
      %mul3A_948 = arith.constant 2 : i32
      %mul3A_949 = arith.muli %mul3A_948, %add3A : i32
      %add3A_950 = arith.constant 1 : i32
      %add3A_951 = arith.addi %mul3A_949, %add3A_950 : i32
      %mul3A_952 = arith.constant 224 : i32
      %mul3A_953 = arith.muli %add3A_951, %mul3A_952 : i32
      %add3A_954 = arith.constant 174720 : i32
      %add3A_955 = arith.addi %add3A_954, %mul3A_953 : i32
      %dma_start3A_956 = arith.constant 0 : i32
      %dma_start3A_957 = tpu.memref_slice %arg4[%add3A_955, %dma_start3A_956] : memref<282240x128xf32, #tpu.memory_space<hbm>> -> memref<224x128xf32, #tpu.memory_space<hbm>>
      %dma_start3A_958 = arith.constant 0 : i32
      %dma_start3A_959 = tpu.memref_slice %arg4[%add3A_955, %dma_start3A_958] : memref<282240x128xf32, #tpu.memory_space<hbm>> -> memref<224x128xf32, #tpu.memory_space<hbm>>
      tpu.enqueue_dma source(%arg8 : memref<224x128xf32, #tpu.memory_space<vmem>>) target(%dma_start3A_959 : memref<224x128xf32, #tpu.memory_space<hbm>>) target_semaphore(%arg16 : memref<!tpu.dma_semaphore, #tpu.memory_space<semaphore_mem>>)
      %dma_wait3A_960 = arith.constant 0 : i32
      %dma_wait3A_961 = tpu.memref_slice %arg4[%add3A_921, %dma_wait3A_960] : memref<282240x128xf32, #tpu.memory_space<hbm>> -> memref<224x128xf32, #tpu.memory_space<hbm>>
      %dma_wait3A_962 = arith.constant 0 : i32
      %dma_wait3A_963 = tpu.memref_slice %arg4[%add3A_921, %dma_wait3A_962] : memref<282240x128xf32, #tpu.memory_space<hbm>> -> memref<224x128xf32, #tpu.memory_space<hbm>>
      tpu.wait_dma2 semaphore(%arg14 : memref<!tpu.dma_semaphore, #tpu.memory_space<semaphore_mem>>) src(%arg6 : memref<224x128xf32, #tpu.memory_space<vmem>>) dst(%dma_wait3A_963 : memref<224x128xf32, #tpu.memory_space<hbm>>)
      %dma_wait3A_964 = arith.constant 0 : i32
      %dma_wait3A_965 = tpu.memref_slice %arg4[%add3A_938, %dma_wait3A_964] : memref<282240x128xf32, #tpu.memory_space<hbm>> -> memref<224x128xf32, #tpu.memory_space<hbm>>
      %dma_wait3A_966 = arith.constant 0 : i32
      %dma_wait3A_967 = tpu.memref_slice %arg4[%add3A_938, %dma_wait3A_966] : memref<282240x128xf32, #tpu.memory_space<hbm>> -> memref<224x128xf32, #tpu.memory_space<hbm>>
      tpu.wait_dma2 semaphore(%arg15 : memref<!tpu.dma_semaphore, #tpu.memory_space<semaphore_mem>>) src(%arg7 : memref<224x128xf32, #tpu.memory_space<vmem>>) dst(%dma_wait3A_967 : memref<224x128xf32, #tpu.memory_space<hbm>>)
      %dma_wait3A_968 = arith.constant 0 : i32
      %dma_wait3A_969 = tpu.memref_slice %arg4[%add3A_955, %dma_wait3A_968] : memref<282240x128xf32, #tpu.memory_space<hbm>> -> memref<224x128xf32, #tpu.memory_space<hbm>>
      %dma_wait3A_970 = arith.constant 0 : i32
      %dma_wait3A_971 = tpu.memref_slice %arg4[%add3A_955, %dma_wait3A_970] : memref<282240x128xf32, #tpu.memory_space<hbm>> -> memref<224x128xf32, #tpu.memory_space<hbm>>
      tpu.wait_dma2 semaphore(%arg16 : memref<!tpu.dma_semaphore, #tpu.memory_space<semaphore_mem>>) src(%arg8 : memref<224x128xf32, #tpu.memory_space<vmem>>) dst(%dma_wait3A_971 : memref<224x128xf32, #tpu.memory_space<hbm>>)
    } else {
    }
    return
  }
}

</mosaic_0001>

<sc_bundles>
// kernel: kernel.3.cloned.1.call-start
scs
__scs_entry_jumppad:
0x0: {  	(pc) =	sbr.rel $0x88, $3  }
0x1: {  	(tag) =	ssettag $0x0;
	lr =	simm.s32 $0x1  }
0x2: {  	[smem:$0x3FA0] =	sst lr;
	_ =	strace $0xD0000000  }
0x3: {  	_ = 	snop  }
0x4: {  	_ = 	snop  }
0x5: {  	_ = 	snop  }
0x6: {  	_ = 	snop  }
0x7: {  	_ = 	snop  }
__scs_overlays_trampoline_lowered:
0x8: {  	[smem:$0x3FAF] =	sst s0  }
0x9: {  	[smem:$0x3FB0] =	sst s1  }
0xa: {  	[smem:$0x3FB1] =	sst s2  }
0xb: {  	[smem:$0x3FB2] =	sst s3  }
0xc: {  	[smem:$0x3FB3] =	sst s4  }
0xd: {  	[smem:$0x3FB4] =	sst s5  }
0xe: {  	[smem:$0x3FB5] =	sst s6  }
0xf: {  	[smem:$0x3FB6] =	sst s7  }
0x10: {  	[smem:$0x3FB7] =	sst s8  }
0x11: {  	[smem:$0x3FB8] =	sst s9;
	s0 =	simm.s32 @!p0 $0x0  }
0x12: {  	s1 =	sld [smem:$0x3F9E];
	s0 =	simm.s32 @p0 $0x1  }
0x13: {  	[smem:$0x3FB9] =	sst s0;
	s0 =	simm.s32 @!p1 $0x0  }
0x14: {  	s2 =	sld [smem:$0x3F9D];
	s0 =	simm.s32 @p1 $0x1  }
0x15: {  	[smem:$0x3FBA] =	sst s0;
	s0 =	simm.s32 @!p2 $0x0  }
0x16: {  	s3 =	sld [smem:$0x3FDB];
	s0 =	simm.s32 @p2 $0x1  }
0x17: {  	s4 =	simm.s32 $0x1BF5;
	[smem:$0x3FBC] =	sst s0  }
0x18: {  	s0 =	sld [smem:$0x3F9F];
	_ =	swait.ge [sflag:s4], $0x0  }
0x19: {  	s7 =	sld [smem:$0x3FA0]  }
0x1a: {  	s8 =	sadd.s32 $0xFFFFE003, lr  }
0x1b: {  	s9 =	sadd.s32 $0xFFFFFEF7, lr;
	s5 =	simm.s32 $0xFFFFFFFF;
	p2 =	slt.u32 s8, $0xFFFFF086  }
0x1c: {  	p1 =	slt.u32 s9, $0xF7A;
	s5 =	simm.s32 @!p2 $0x0  }
0x1d: {  	s5 =	simm.s32 @p1 $0x1;
	p0 =	seq.s32 s7, s2  }
0x1e: {  	s7 =	smul.u32 @!p0 $0xF7A, s2;
	p2 =	seq.s32 @!p0 s5, $0x0  }
0x1f: {  	s9 =	smul.u32 $0xF7A, s1;
	s8 =	simm.s32 @!p0 $0x1BF5;
	p2 =	por !p2, p0  }
0x20: {  	[sflag:s8] =	ssyncset.s32 @!p0 $0xFFFFF086;
	s6 =	sadd.s32 @!p0 s3, s7;
	s7 =	simm.s32 @!p0 $0x108  }
0x21: {  	s3 =	sadd.s32 s3, s9;
	s6 =	sadd.s32 @!p0 $0x88, s6;
	s7 =	simm.s32 @p2 $0x1082  }
0x22: {  	[simem:s7], [sflag:s8] =	dma.local @!p0 [hbm:s6], $0xF7A  }
0x23: {  	s9 =	sor.u32 $0xD0000000, s2;
	s6 =	simm.s32 $0x108;
	_ =	swait.ge @!p0 [sflag:s8], $0x0  }
0x24: {  	s3 =	sadd.s32 $0x88, s3;
	s6 =	simm.s32 @!p1 $0x1082;
	[sflag:s4] =	ssyncset.s32 $0xFFFFF086  }
0x25: {  	[simem:s6], [sflag:s4] =	dma.local [hbm:s3], $0xF7A  }
0x26: {  	[smem:$0x3FA0] =	sst s1;
	(tag) =	ssettag s2;
	_ =	strace s9  }
0x27: {  	s1 =	sld [smem:$0x3FB0]  }
0x28: {  	s2 =	sld [smem:$0x3FB1]  }
0x29: {  	s4 =	sld [smem:$0x3FB3]  }
0x2a: {  	p0 =	seq.s32 s5, $0x0;
	s5 =	sld [smem:$0x3FB4]  }
0x2b: {  	s6 =	sld [smem:$0x3FB5]  }
0x2c: {  	s7 =	sld [smem:$0x3FB6]  }
0x2d: {  	s3 =	simm.s32 $0x108;
	s8 =	sld [smem:$0x3FB7]  }
0x2e: {  	s3 =	simm.s32 @!p0 $0x1082;
	s9 =	sld [smem:$0x3FB8]  }
0x2f: {  	lr =	sadd.s32 s0, s3;
	s0 =	sld [smem:$0x3FAF]  }
0x30: {  	s3 =	sld [smem:$0x3FB2]  }
0x31: {  	[smem:$0x3FBB] =	sst s10  }
0x32: {  	s10 =	sld [smem:$0x3FB9];
	_ =	sdelay $0x3  }
0x33: {  	p0 =	seq.s32 s10, $0x1;
	s10 =	sld [smem:$0x3FBB];
	_ =	sdelay $0x3  }
0x34: {  	[smem:$0x3FBB] =	sst s10  }
0x35: {  	s10 =	sld [smem:$0x3FBA];
	_ =	sdelay $0x3  }
0x36: {  	p1 =	seq.s32 s10, $0x1;
	s10 =	sld [smem:$0x3FBB];
	_ =	sdelay $0x3  }
0x37: {  	[smem:$0x3FBB] =	sst s10  }
0x38: {  	s10 =	sld [smem:$0x3FBC]  }
0x39: {  	_ = 	snop;
	(pc) =	sbr.ind lr, $3  }
0x3a: {  	_ = 	snop  }
0x3b: {  	_ = 	snop  }
0x3c: {  	p2 =	seq.s32 s10, $0x1;
	s10 =	sld [smem:$0x3FBB]  }
0x3d: {  	_ =	shalt  }
0x3e: {  	_ =	shalt  }
0x3f: {  	_ =	shalt  }
0x40: {  	_ =	shalt  }
0x41: {  	_ =	shalt  }
0x42: {  	_ =	shalt  }
0x43: {  	_ =	shalt  }
0x44: {  	_ =	shalt  }
0x45: {  	_ =	shalt  }
0x46: {  	_ =	shalt  }
0x47: {  	_ =	shalt  }
0x48: {  	_ =	shalt  }
0x49: {  	_ =	shalt  }
0x4a: {  	_ =	shalt  }
0x4b: {  	_ =	shalt  }
0x4c: {  	_ =	shalt  }
0x4d: {  	_ =	shalt  }
0x4e: {  	_ =	shalt  }
0x4f: {  	_ =	shalt  }
0x50: {  	_ =	shalt  }
0x51: {  	_ =	shalt  }
0x52: {  	_ =	shalt  }
0x53: {  	_ =	shalt  }
0x54: {  	_ =	shalt  }
0x55: {  	_ =	shalt  }
0x56: {  	_ =	shalt  }
0x57: {  	_ =	shalt  }
0x58: {  	_ =	shalt  }
0x59: {  	_ =	shalt  }
0x5a: {  	_ =	shalt  }
0x5b: {  	_ =	shalt  }
0x5c: {  	_ =	shalt  }
0x5d: {  	_ =	shalt  }
0x5e: {  	_ =	shalt  }
0x5f: {  	_ =	shalt  }
0x60: {  	_ =	shalt  }
0x61: {  	_ =	shalt  }
0x62: {  	_ =	shalt  }
0x63: {  	_ =	shalt  }
0x64: {  	_ =	shalt  }
0x65: {  	_ =	shalt  }
0x66: {  	_ =	shalt  }
0x67: {  	_ =	shalt  }
0x68: {  	_ =	shalt  }
0x69: {  	_ =	shalt  }
0x6a: {  	_ =	shalt  }
0x6b: {  	_ =	shalt  }
0x6c: {  	_ =	shalt  }
0x6d: {  	_ =	shalt  }
0x6e: {  	_ =	shalt  }
0x6f: {  	_ =	shalt  }
0x70: {  	_ =	shalt  }
0x71: {  	_ =	shalt  }
0x72: {  	_ =	shalt  }
0x73: {  	_ =	shalt  }
0x74: {  	_ =	shalt  }
0x75: {  	_ =	shalt  }
0x76: {  	_ =	shalt  }
0x77: {  	_ =	shalt  }
0x78: {  	_ =	shalt  }
0x79: {  	_ =	shalt  }
0x7a: {  	_ =	shalt  }
0x7b: {  	_ =	shalt  }
0x7c: {  	_ =	shalt  }
0x7d: {  	_ =	shalt  }
0x7e: {  	_ =	shalt  }
0x7f: {  	_ =	shalt  }
0x80: {  	_ =	shalt  }
0x81: {  	_ =	shalt  }
0x82: {  	_ =	shalt  }
0x83: {  	_ =	shalt  }
0x84: {  	_ =	shalt  }
0x85: {  	_ =	shalt  }
0x86: {  	_ =	shalt  }
0x87: {  	_ =	shalt  }
.Lfunc_end0:
.L_simem_size_0:
called_computation_lowered:
.L_overlay_start_0:
0x88: {  	s2 =	sld [smem:$0x3FD9]  }
0x89: {  	s3 =	sld [smem:$0x3FFE];
	_ =	sdelay $0x1  }
0x8a: {  	s1 =	srdreg.scid  }
0x8b: {  	s0 =	sand.u32 $0x1, s1  }
0x8c: {  	s14 =	sshll.u32 s0, $0xA;
	s2 =	sadd.s32 s3, s2  }
0x8d: {  	s2 =	sadd.s32 s2, s14  }
0x8e: {  	[smem:$0x3FC7] =	sst s2  }
0x8f: {  	_ = 	snop  }
0x90: {  	s2 =	sld [smem:$0x3FD0];
	_ =	sdelay $0x2  }
0x91: {  	s4 =	simm.s32 $0xA;
	s5 =	simm.s32 $0x10;
	s15 =	sld [smem:$0x3FC9]  }
0x92: {  	[smem:s5], [sflag:s4] =	dma.local [hbm:s2], $0x1  }
0x93: {  	_ =	swait.eq [sflag:s4], $0x1  }
0x94: {  	[sflag:s4] =	ssyncset.done $0x0  }
0x95: {  	[sflag:s4] =	ssyncadd.s32 $0xFFFFFFFF  }
0x96: {  	s16 =	sld [smem:$0x10];
	(tm) =	ssettm $0x1  }
0x97: {  	s17 =	sld [smem:$0x3FFB];
	_ =	sdelay $0x3  }
0x98: {  	_ =	strace s17  }
0x99: {  	s4 =	sld [smem:$0x3FFC];
	_ =	sdelay $0x3  }
0x9a: {  	_ =	strace s4  }
0x9b: {  	s4 =	sld [smem:$0x3FFD];
	_ =	sdelay $0x3  }
0x9c: {  	_ =	strace s4  }
0x9d: {  	_ =	strace $0x8FFFFFFF  }
0x9e: {  	s18 =	sld [smem:$0x3FDB];
	_ =	sdelay $0x1  }
0x9f: {  	s19 =	simm.s32 $_scs_section_size  }
0xa0: {  	s6 =	simm.s32 $_size__tile_overlayer_lowered;
	s7 =	simm.s32 $_tile_overlayer_lowered  }
0xa1: {  	s22 =	simm.s32 $0x1BFF;
	s21 =	sshll.u32 s7, $0x1;
	s4 =	sadd.s32 s19, s18  }
0xa2: {  	s8 =	simm.s32 $0x0;
	s20 =	sshll.u32 s6, $0x1;
	s6 =	sadd.s32 s21, s4  }
0xa3: {  	[timem:s8], [sflag:s22] =	dma.local [hbm:s6], s20  }
0xa4: {  	_ =	swait.ge [sflag:s22], s20  }
0xa5: {  	s5 =	ssub.s32 $0x0, s20;
	[sflag:s22] =	ssyncset.done $0x0  }
0xa6: {  	[sflag:s22] =	ssyncadd.s32 s5;
	_ =	sdelay $0x1  }
0xa7: {  	s23 =	simm.s32 $0x1B8B  }
0xa8: {  	_ =	swait.ge [sflag:s23], $0x1  }
0xa9: {  	[sflag:s23] =	ssyncset.done $0x0  }
0xaa: {  	s25 =	simm.s32 $0x1B8E;
	s24 =	sld [smem:$0x3FFE];
	[sflag:s23] =	ssyncadd.s32 $0xFFFFFFFF  }
0xab: {  	s26 =	simm.s32 $execute0_lowered;
	[smem:$0x3FD2] =	sst s25  }
0xac: {  	s6 =	sshll.u32 s26, $0x1;
	_ =	strace $0x80000046;
	[dreg:$0x1] =	wrdreg $0xFFFFFFFF  }
0xad: {  	s28 =	simm.s32 $_size_execute0_lowered;
	s4 =	sadd.s32 s4, s6;
	[dreg:$0x0] =	wrdreg $0x0  }
0xae: {  	s6 =	sshll.u32 s28, $0x1;
	[dreg:$0x2] =	wrdreg s4  }
0xaf: {  	[dreg:$0x3] =	wrdreg s6  }
0xb0: {  	[dreg:$0x4] =	wrdreg $0xC0  }
0xb1: {  	_ =	task [dreg:s8], $0x5FFFF  }
0xb2: {  	[dreg:$0x1] =	wrdreg $0xFFFFFFFF  }
0xb3: {  	[dreg:$0x0] =	wrdreg $0x60  }
0xb4: {  	[dreg:$0x2] =	wrdreg s15  }
0xb5: {  	[dreg:$0x3] =	wrdreg s24  }
0xb6: {  	[dreg:$0x4] =	wrdreg s16  }
0xb7: {  	[dreg:$0x5] =	wrdreg $0x175000  }
0xb8: {  	[dreg:$0x6] =	wrdreg $0x1AD000  }
0xb9: {  	[dreg:$0x7] =	wrdreg $0x9  }
0xba: {  	_ =	task.clear_ibuf [dreg:s8], $0x8FFFF;
	_ =	strace $0x90000046  }
0xbb: {  	s29 =	simm.s32 $0x9;
	_ =	strace $0x80000048  }
0xbc: {  	_ =	swait.ge [sflag:s29], $0x1  }
0xbd: {  	[sflag:s29] =	ssyncadd.s32 $0xFFFFFFFF  }
0xbe: {  	_ =	strace $0x90000048  }
0xbf: {  	_ =	sfence  }
0xc0: {  	s30 =	sld [smem:$0x0];
	_ =	sdelay $0x2  }
0xc1: {  	s31 =	sshll.u32 s1, $0xD;
	s1 =	sshrl.u32 s1, $0x2  }
0xc2: {  	s3 =	sand.u32 $0x4000, s31;
	s1 =	sadd.s32 s1, s30  }
0xc3: {  	s0 =	sor.u32 s3, s0;
	s1 =	sshll.u32 s1, $0x11  }
0xc4: {  	s0 =	sor.u32 s1, s0  }
0xc5: {  	s0 =	sadd.s32 $0x8F2B, s0  }
0xc6: {  	[sflag:s0] =	ssyncadd.remote.s32 $0x1  }
0xc7: {  	_ =	sfence.sel $0xFFFF  }
0xc8: {  	[dreg:$0x0] =	wrdreg $0xFFFFFFFF;
	(pc) =	sbr.abs _section_cstart, $3  }
0xc9: {  	[dreg:$0x1] =	wrdreg $0xFFFFFFFF  }
0xca: {  	_ =	task.clear_ibuf [dreg:s8], $0x2FFFF;
	_ =	strace $0x9FFFFFFF  }
0xcb: {  	(tm) =	ssettm $0x7FFFFFFF  }
tec
execute0_lowered:
.L_overlay_start_1:
0x0: {  	(tag) =	ssettag $0x1  }
0x1: {  	s1 =	rddreg [dreg:$0x0];
	s0 =	srdreg.scid  }
0x2: {  	s15 =	stileid.u32;
	s2 =	rddreg [dreg:$0x1]  }
0x3: {  	s6 =	rddreg [dreg:$0x2];
	s0 =	sand.u32 $0x1, s0;
	s3 =	sshll.u32 s15, $0x1  }
0x4: {  	s4 =	sshrl.u32 s15, $0x2;
	s25 =	smul.u32 $0x4400, s15;
	s11 =	sshll.u32 s15, $0xB  }
0x5: {  	s7 =	sor.u32 s0, s3;
	s3 =	rddreg [dreg:$0x3];
	s8 =	smul.u32 $0x12800, s4  }
0x6: {  	s4 =	rddreg [dreg:$0x4];
	s5 =	sshll.u32 s7, $0x7;
	s10 =	sshrl.u32 s25, $0x3  }
0x7: {  	s12 =	sadd.s32 s11, s3;
	s9 =	sand.u32 $0x380, s5;
	s5 =	simm.s32 $0x0  }
0x8: {  	s8 =	sor.u32 s8, s9;
	[smem:$0x7FF] =	sst s5;
	s9 =	sadd.s32 s10, s1  }
0x9: {  	_ =	strace $0x80000047;
	[dreg:$0x7] =	wrdreg s12;
	s14 =	sadd.s32 $0x8800, s9  }
0xa: {  	s16 =	sadd.s32 $0x11000, s9;
	[dreg:$0xa] =	wrdreg s14  }
0xb: {  	s19 =	sadd.s32 $0x33000, s9;
	[dreg:$0xb] =	wrdreg s16  }
0xc: {  	s20 =	sadd.s32 $0x3B800, s9;
	[dreg:$0x10] =	wrdreg s19  }
0xd: {  	s21 =	sadd.s32 $0x44000, s9;
	[dreg:$0x11] =	wrdreg s20  }
0xe: {  	s0 =	ssub.s32 $0x2, s0;
	s22 =	sadd.s32 $0x4C800, s9;
	[dreg:$0x12] =	wrdreg s21  }
0xf: {  	s24 =	sshrl.u32 s0, $0x1;
	s23 =	sadd.s32 $0x55000, s9;
	[dreg:$0x13] =	wrdreg s22  }
0x10: {  	s0 =	ssub.s32 s0, s24;
	s24 =	sadd.s32 $0x5D800, s9;
	[dreg:$0x14] =	wrdreg s23  }
0x11: {  	s12 =	sor.u32 $0x8000, s11;
	s25 =	sadd.s32 $0x66000, s9;
	[dreg:$0x15] =	wrdreg s24  }
0x12: {  	s8 =	sshrl.u32 s8, $0x3;
	s13 =	sadd.s32 s12, s3;
	[dreg:$0x16] =	wrdreg s25  }
0x13: {  	s2 =	sadd.s32 s8, s2;
	s8 =	sadd.s32 $0x19800, s9;
	[dreg:$0x9] =	wrdreg s13  }
0x14: {  	s14 =	sadd.s32 $0x22000, s9;
	[dreg:$0xc] =	wrdreg s8  }
0x15: {  	s16 =	sadd.s32 $0x2A800, s9;
	[dreg:$0xd] =	wrdreg s14  }
0x16: {  	s30 =	sadd.s32 s12, s4;
	s12 =	sadd.s32 $0x77000, s9;
	[dreg:$0xe] =	wrdreg s16  }
0x17: {  	s19 =	sadd.s32 $0x99000, s9;
	[dreg:$0x18] =	wrdreg s12  }
0x18: {  	s20 =	sadd.s32 $0xA1800, s9;
	[dreg:$0x1c] =	wrdreg s19  }
0x19: {  	s21 =	sadd.s32 $0xAA000, s9;
	[dreg:$0x1d] =	wrdreg s20  }
0x1a: {  	s22 =	sadd.s32 $0xB2800, s9;
	[dreg:$0x1e] =	wrdreg s21  }
0x1b: {  	s23 =	sadd.s32 $0xBB000, s9;
	[dreg:$0x1f] =	wrdreg s22  }
0x1c: {  	s24 =	sadd.s32 $0xC3800, s9;
	[smem:$0x7B0] =	sst s23  }
0x1d: {  	s25 =	sadd.s32 $0xCC000, s9;
	[smem:$0x7B1] =	sst s24  }
0x1e: {  	s18 =	smul.u32 $0x1C00, s7;
	s2 =	sadd.s32 $0x600, s2;
	[smem:$0x7B2] =	sst s25  }
0x1f: {  	s16 =	sadd.s32 $0x7F800, s9;
	[dreg:$0x6] =	wrdreg s2  }
0x20: {  	s14 =	sadd.s32 s6, s18;
	s18 =	sadd.s32 $0x90800, s9;
	[dreg:$0x19] =	wrdreg s16  }
0x21: {  	s12 =	sadd.s32 $0xDD000, s9;
	[dreg:$0x1b] =	wrdreg s18  }
0x22: {  	s19 =	sadd.s32 $0xFF000, s9;
	[smem:$0x7B4] =	sst s12  }
0x23: {  	s20 =	sadd.s32 $0x107800, s9;
	[smem:$0x7B8] =	sst s19  }
0x24: {  	s21 =	sadd.s32 $0x110000, s9;
	[smem:$0x7B9] =	sst s20  }
0x25: {  	s22 =	sadd.s32 $0x118800, s9;
	[smem:$0x7BA] =	sst s21  }
0x26: {  	s23 =	sadd.s32 $0x121000, s9;
	[smem:$0x7BB] =	sst s22  }
0x27: {  	s26 =	smul.u32 $0x880, s15;
	s25 =	sadd.s32 $0x129800, s9;
	[smem:$0x7BC] =	sst s23  }
0x28: {  	[smem:$0x7BE] =	sst s25  }
0x29: {  	s2 =	sadd.s32 s1, s26;
	[dreg:$0xf] =	wrdreg s14  }
0x2a: {  	s26 =	sadd.s32 $0x6E800, s9;
	[dreg:$0x8] =	wrdreg s2  }
0x2b: {  	s16 =	sadd.s32 $0xE5800, s9;
	[dreg:$0x17] =	wrdreg s26  }
0x2c: {  	s13 =	sor.u32 $0x10000, s11;
	s18 =	sadd.s32 $0xF6800, s9;
	[smem:$0x7B5] =	sst s16  }
0x2d: {  	s24 =	sadd.s32 s13, s3;
	[smem:$0x7B7] =	sst s18  }
0x2e: {  	s12 =	sadd.s32 $0x132000, s9;
	[smem:$0x7BD] =	sst s24  }
0x2f: {  	s19 =	sadd.s32 $0x15C800, s9;
	[smem:$0x7C0] =	sst s12  }
0x30: {  	s20 =	sadd.s32 $0x165000, s9;
	[smem:$0x7C4] =	sst s19  }
0x31: {  	s21 =	sadd.s32 s13, s4;
	[smem:$0x7C5] =	sst s20  }
0x32: {  	s22 =	sadd.s32 $0x16D800, s9;
	[smem:$0x7C6] =	sst s21  }
0x33: {  	s17 =	smul.u32 $0xE000, s7;
	s23 =	sadd.s32 $0x17E800, s9;
	[smem:$0x7C7] =	sst s22  }
0x34: {  	s10 =	sor.u32 $0x18000, s11;
	s25 =	sadd.s32 $0x187000, s9;
	[smem:$0x7C8] =	sst s23  }
0x35: {  	s13 =	sadd.s32 s10, s3;
	[smem:$0x7CA] =	sst s25  }
0x36: {  	s2 =	sshrl.u32 s17, $0x3;
	s17 =	sadd.s32 $0x88000, s9;
	[smem:$0x7CF] =	sst s13  }
0x37: {  	s26 =	sadd.s32 $0xD4800, s9;
	[dreg:$0x1a] =	wrdreg s17  }
0x38: {  	s16 =	sadd.s32 $0x143000, s9;
	[smem:$0x7B3] =	sst s26  }
0x39: {  	s18 =	sadd.s32 $0x154000, s9;
	[smem:$0x7C1] =	sst s16  }
0x3a: {  	s24 =	sadd.s32 $0x176000, s9;
	[smem:$0x7C3] =	sst s18  }
0x3b: {  	s17 =	sadd.s32 $0xEE000, s9;
	[smem:$0x7C9] =	sst s24  }
0x3c: {  	s26 =	sadd.s32 $0x13A800, s9;
	[smem:$0x7B6] =	sst s17  }
0x3d: {  	s8 =	sor.u32 $0x20000, s11;
	s18 =	sadd.s32 s10, s4;
	[smem:$0x7BF] =	sst s26  }
0x3e: {  	s24 =	sadd.s32 s8, s3;
	[smem:$0x7D2] =	sst s18  }
0x3f: {  	s8 =	sadd.s32 s8, s4;
	[smem:$0x7D8] =	sst s24  }
0x40: {  	s7 =	sor.u32 $0x28000, s11;
	s17 =	sadd.s32 $0x14B800, s9;
	[smem:$0x7DE] =	sst s8  }
0x41: {  	s28 =	sadd.s32 s11, s4;
	s26 =	sadd.s32 $0x18F800, s9;
	[smem:$0x7C2] =	sst s17  }
0x42: {  	s2 =	sadd.s32 s6, s2;
	s9 =	sadd.s32 $0x198000, s9;
	[smem:$0x7CB] =	sst s26  }
0x43: {  	s6 =	sor.u32 $0x30000, s11;
	s11 =	sadd.s32 $0x2DF000, s2;
	[smem:$0x7CC] =	sst s9  }
0x44: {  	s12 =	sadd.s32 $0x2DFE00, s2;
	[smem:$0x7CD] =	sst s11  }
0x45: {  	s16 =	sadd.s32 $0x16F800, s2;
	[smem:$0x7CE] =	sst s12  }
0x46: {  	s19 =	sadd.s32 $0x313800, s2;
	[smem:$0x7D0] =	sst s16  }
0x47: {  	s20 =	sadd.s32 $0x314600, s2;
	[smem:$0x7D3] =	sst s19  }
0x48: {  	s21 =	sadd.s32 $0x34800, s2;
	[smem:$0x7D4] =	sst s20  }
0x49: {  	s22 =	sadd.s32 $0x35600, s2;
	[smem:$0x7D5] =	sst s21  }
0x4a: {  	s23 =	sadd.s32 $0x1A4000, s2;
	[smem:$0x7D6] =	sst s22  }
0x4b: {  	s25 =	sadd.s32 $0x1A4E00, s2;
	[smem:$0x7D7] =	sst s23  }
0x4c: {  	s10 =	sadd.s32 $0x348000, s2;
	[smem:$0x7D9] =	sst s25  }
0x4d: {  	s13 =	sadd.s32 $0x1D9600, s2;
	[smem:$0x7DB] =	sst s10  }
0x4e: {  	s18 =	sadd.s32 $0x37D600, s2;
	[smem:$0x7DF] =	sst s13  }
0x4f: {  	s24 =	sadd.s32 $0x3B1E00, s2;
	[smem:$0x7E2] =	sst s18  }
0x50: {  	s17 =	sadd.s32 $0x170600, s2;
	[smem:$0x7E8] =	sst s24  }
0x51: {  	s26 =	sadd.s32 $0x348E00, s2;
	[smem:$0x7D1] =	sst s17  }
0x52: {  	s11 =	sadd.s32 $0x69000, s2;
	[smem:$0x7DA] =	sst s26  }
0x53: {  	s12 =	sadd.s32 $0x1D8800, s2;
	[smem:$0x7DC] =	sst s11  }
0x54: {  	s16 =	sadd.s32 $0x37C800, s2;
	[smem:$0x7DD] =	sst s12  }
0x55: {  	s19 =	sadd.s32 $0x9D800, s2;
	[smem:$0x7E0] =	sst s16  }
0x56: {  	s20 =	sadd.s32 $0x9E600, s2;
	[smem:$0x7E3] =	sst s19  }
0x57: {  	s21 =	sadd.s32 $0x20D000, s2;
	[smem:$0x7E4] =	sst s20  }
0x58: {  	s22 =	sadd.s32 $0x20DE00, s2;
	[smem:$0x7E5] =	sst s21  }
0x59: {  	s23 =	sadd.s32 $0x3B1000, s2;
	[smem:$0x7E6] =	sst s22  }
0x5a: {  	s25 =	sadd.s32 $0xD2000, s2;
	[smem:$0x7E7] =	sst s23  }
0x5b: {  	s9 =	sadd.s32 $0x241800, s2;
	[smem:$0x7E9] =	sst s25  }
0x5c: {  	s10 =	sadd.s32 $0x242600, s2;
	[smem:$0x7EB] =	sst s9  }
0x5d: {  	s13 =	sadd.s32 s6, s3;
	[smem:$0x7EC] =	sst s10  }
0x5e: {  	s18 =	sadd.s32 $0xD2E00, s2;
	[smem:$0x7F0] =	sst s13  }
0x5f: {  	s6 =	sadd.s32 s6, s4;
	[smem:$0x7F3] =	sst s18  }
0x60: {  	s24 =	sadd.s32 $0x13BE00, s2;
	[smem:$0x7F9] =	sst s6  }
0x61: {  	s17 =	sadd.s32 $0x69E00, s2;
	[smem:$0x7FA] =	sst s24  }
0x62: {  	s26 =	sadd.s32 s7, s3;
	[smem:$0x7E1] =	sst s17  }
0x63: {  	s7 =	sadd.s32 s7, s4;
	[smem:$0x7EA] =	sst s26  }
0x64: {  	s11 =	sadd.s32 $0x3E5800, s2;
	[smem:$0x7ED] =	sst s7  }
0x65: {  	s12 =	sadd.s32 $0x3E6600, s2;
	[smem:$0x7EE] =	sst s11  }
0x66: {  	s16 =	sadd.s32 $0x106800, s2;
	[smem:$0x7EF] =	sst s12  }
0x67: {  	s29 =	simm.s32 $0x1;
	s19 =	sadd.s32 $0x276000, s2;
	[smem:$0x7F1] =	sst s16  }
0x68: {  	s31 =	simm.s32 $0x4;
	s20 =	sadd.s32 $0x276E00, s2;
	[smem:$0x7F4] =	sst s19  }
0x69: {  	p0 =	seq.s32 s15, $0xF;
	s21 =	sadd.s32 $0x41A000, s2;
	[smem:$0x7F5] =	sst s20  }
0x6a: {  	s22 =	sadd.s32 $0x41AE00, s2;
	s23 =	sadd.s32 $0x13B000, s2;
	[smem:$0x7F6] =	sst s21  }
0x6b: {  	s25 =	sadd.s32 $0x2AA800, s2;
	s6 =	simm.s32 $0x3;
	[smem:$0x7F7] =	sst s22  }
.Ltmp0:
0x6c: {  	s17 =	sadd.s32 $0x107600, s2;
	[smem:$0x7F8] =	sst s23;
	(pc) =	sbr.rel .LBB2_1-.Ltmp0, $4  }
0x6d: {  	[smem:$0x7FB] =	sst s25;
	s2 =	sadd.s32 $0x2AB600, s2;
	s21 =	smax.u32 s0, $0x1  }
0x6e: {  	s26 =	sadd.s32 $0xE00, s14;
	s25 =	simm.s32 $0x7;
	[smem:$0x7F2] =	sst s17  }
0x6f: {  	s0 =	simm.s32 $0x5;
	s7 =	simm.s32 $0x6;
	[smem:$0x7FC] =	sst s2  }
0x70: {  	[smem:$0x7FD] =	sst s26;
	s26 =	simm.s32 $0xE0;
	s2 =	simm.s32 $0x2  }
.LBB2_13:
0x71: {  	_ =	swait.ge [sflag:s25], $0x100  }
0x72: {  	[sflag:s25] =	ssyncset.done $0x0  }
0x73: {  	[sflag:s25] =	ssyncadd.s32 $0xFFFFFF00  }
0x74: {  	_ =	swait.ge [sflag:s25], $0x100  }
0x75: {  	[sflag:s25] =	ssyncset.done $0x0  }
0x76: {  	[sflag:s25] =	ssyncadd.s32 $0xFFFFFF00  }
0x77: {  	_ =	swait.ge [sflag:s25], $0x100  }
0x78: {  	[sflag:s25] =	ssyncset.done $0x0  }
0x79: {  	[sflag:s25] =	ssyncadd.s32 $0xFFFFFF00  }
0x7a: {  	_ =	swait.ge [sflag:s25], $0x100  }
0x7b: {  	[sflag:s25] =	ssyncset.done $0x0  }
0x7c: {  	[sflag:s25] =	ssyncadd.s32 $0xFFFFFF00  }
0x7d: {  	_ =	swait.ge [sflag:s25], $0x100  }
0x7e: {  	[sflag:s25] =	ssyncset.done $0x0  }
0x7f: {  	[sflag:s25] =	ssyncadd.s32 $0xFFFFFF00  }
0x80: {  	_ =	swait.ge [sflag:s25], $0x100  }
0x81: {  	[sflag:s25] =	ssyncset.done $0x0  }
0x82: {  	[sflag:s25] =	ssyncadd.s32 $0xFFFFFF00  }
0x83: {  	_ =	swait.ge [sflag:s25], $0x100  }
0x84: {  	[sflag:s25] =	ssyncset.done $0x0  }
0x85: {  	s8 =	simm.s32 @!p0 $0xE0;
	[sflag:s25] =	ssyncadd.s32 $0xFFFFFF00  }
0x86: {  	s9 =	simm.s32 @!p0 $0x2140;
	s10 =	simm.s32 @!p0 $0x10500;
	[bflag:$0x0] =	sbarrier.arrive $0xFFFF  }
0x87: {  	[tilespmem:s10], [sflag:$0x3] =	stream.indirect.gather @!p0 [spmem:s3], $0x80, s9, s8, $0xb8;
	[tilespmem:$0x1E500] =	vst v63  }
0x88: {  	s9 =	simm.s32 @!p0 $0x1  }
0x89: {  	_ =	swait.ge @!p0 [sflag:s9], $0x7000  }
0x8a: {  	s13 =	sld [smem:$0x7F6]  }
0x8b: {  	[sflag:s9] =	ssyncset.done @!p0 $0x0  }
0x8c: {  	s11 =	simm.s32 @!p0 $0x0;
	s12 =	simm.s32 @!p0 $0x2500;
	[sflag:s9] =	ssyncadd.s32 @!p0 $0xFFFF9000  }
0x8d: {  	[hbm4b:s13+s11] =	stream.linear.scatter @!p0 [tilespmem:s12], [sflag:$0x4], $0x7000, $0x38;
	[tilespmem:$0x1E500] =	vst v63  }
0x8e: {  	s13 =	simm.s32 @!p0 $0x4  }
0x8f: {  	_ =	swait.ge @!p0 [sflag:s13], $0x7000  }
0x90: {  	[sflag:s13] =	ssyncset.done @!p0 $0x0  }
0x91: {  	s14 =	simm.s32 @!p0 $0x2220;
	[sflag:s13] =	ssyncadd.s32 @!p0 $0xFFFF9000  }
0x92: {  	[tilespmem:s12], [sflag:$0x1] =	stream.indirect.gather @!p0 [spmem:s3], $0x80, s14, s8, $0xb8;
	[tilespmem:$0x1E500] =	vst v63  }
0x93: {  	s14 =	simm.s32 @!p0 $0x2  }
0x94: {  	_ =	swait.ge @!p0 [sflag:s14], $0x7000  }
0x95: {  	s15 =	sld [smem:$0x7F7]  }
0x96: {  	[sflag:s14] =	ssyncset.done @!p0 $0x0  }
0x97: {  	s16 =	simm.s32 @!p0 $0x9500;
	s17 =	simm.s32 @!p0 $0x5;
	[sflag:s14] =	ssyncadd.s32 @!p0 $0xFFFF9000  }
0x98: {  	[hbm4b:s15+s11] =	stream.linear.scatter @!p0 [tilespmem:s16], [sflag:$0x5], $0x7000, $0x38;
	[tilespmem:$0x1E500] =	vst v63  }
0x99: {  	_ =	swait.ge @!p0 [sflag:s17], $0x7000  }
0x9a: {  	[sflag:s17] =	ssyncset.done @!p0 $0x0  }
0x9b: {  	s18 =	simm.s32 @!p0 $0x2300;
	[sflag:s17] =	ssyncadd.s32 @!p0 $0xFFFF9000  }
0x9c: {  	[tilespmem:s16], [sflag:$0x2] =	stream.indirect.gather @!p0 [spmem:s3], $0x80, s18, s8, $0xb8;
	[tilespmem:$0x1E500] =	vst v63  }
0x9d: {  	s18 =	simm.s32 @!p0 $0x3  }
0x9e: {  	_ =	swait.ge @!p0 [sflag:s18], $0x7000  }
0x9f: {  	s15 =	sld [smem:$0x7F8]  }
0xa0: {  	[sflag:s18] =	ssyncset.done @!p0 $0x0  }
0xa1: {  	s19 =	simm.s32 @!p0 $0x6;
	[sflag:s18] =	ssyncadd.s32 @!p0 $0xFFFF9000  }
0xa2: {  	[hbm4b:s15+s11] =	stream.linear.scatter @!p0 [tilespmem:s10], [sflag:$0x6], $0x7000, $0x38;
	[tilespmem:$0x1E500] =	vst v63  }
0xa3: {  	_ =	swait.ge @!p0 [sflag:s19], $0x7000  }
0xa4: {  	[sflag:s19] =	ssyncset.done @!p0 $0x0  }
0xa5: {  	s20 =	simm.s32 @!p0 $0x23E0;
	[sflag:s19] =	ssyncadd.s32 @!p0 $0xFFFF9000  }
0xa6: {  	[tilespmem:s10], [sflag:$0x3] =	stream.indirect.gather @!p0 [spmem:s3], $0x80, s20, s8, $0xb8;
	[tilespmem:$0x1E500] =	vst v63  }
0xa7: {  	_ =	swait.ge @!p0 [sflag:s9], $0x7000  }
0xa8: {  	s8 =	sld [smem:$0x7FA]  }
0xa9: {  	[sflag:s9] =	ssyncset.done @!p0 $0x0  }
0xaa: {  	[sflag:s9] =	ssyncadd.s32 @!p0 $0xFFFF9000  }
0xab: {  	[hbm4b:s8+s11] =	stream.linear.scatter @!p0 [tilespmem:s12], [sflag:$0x4], $0x7000, $0x38;
	[tilespmem:$0x1E500] =	vst v63  }
0xac: {  	_ =	swait.ge @!p0 [sflag:s14], $0x7000  }
0xad: {  	s8 =	sld [smem:$0x7FB]  }
0xae: {  	[sflag:s14] =	ssyncset.done @!p0 $0x0  }
0xaf: {  	[sflag:s14] =	ssyncadd.s32 @!p0 $0xFFFF9000  }
0xb0: {  	[hbm4b:s8+s11] =	stream.linear.scatter @!p0 [tilespmem:s16], [sflag:$0x5], $0x7000, $0x38;
	[tilespmem:$0x1E500] =	vst v63  }
0xb1: {  	_ =	swait.ge @!p0 [sflag:s18], $0x7000  }
0xb2: {  	s8 =	sld [smem:$0x7FC]  }
0xb3: {  	[sflag:s18] =	ssyncset.done @!p0 $0x0  }
0xb4: {  	[sflag:s18] =	ssyncadd.s32 @!p0 $0xFFFF9000  }
0xb5: {  	[hbm4b:s8+s11] =	stream.linear.scatter @!p0 [tilespmem:s10], [sflag:$0x6], $0x7000, $0x38;
	[tilespmem:$0x1E500] =	vst v63  }
0xb6: {  	_ =	swait.ge @!p0 [sflag:s13], $0x7000  }
0xb7: {  	[sflag:s13] =	ssyncset.done @!p0 $0x0  }
0xb8: {  	s21 =	sadd.s32 $0xFFFFFFFF, s21;
	[sflag:s13] =	ssyncadd.s32 @!p0 $0xFFFF9000  }
0xb9: {  	p1 =	sne.s32 s21, $0x0;
	_ =	swait.ge @!p0 [sflag:s17], $0x7000  }
.Ltmp1:
0xba: {  	[sflag:s17] =	ssyncset.done @!p0 $0x0;
	(pc) =	sbr.rel @!p1 .LBB2_14-.Ltmp1, $4  }
0xbb: {  	[sflag:s17] =	ssyncadd.s32 @!p0 $0xFFFF9000  }
0xbc: {  	_ =	swait.ge @!p0 [sflag:s19], $0x7000  }
0xbd: {  	[sflag:s19] =	ssyncset.done @!p0 $0x0  }
0xbe: {  	[sflag:s19] =	ssyncadd.s32 @!p0 $0xFFFF9000  }
.LBB2_1:
0xbf: {  	[smem:$0x7AD] =	sst s21  }
0xc0: {  	s8 =	rddreg [dreg:$0x6]  }
0xc1: {  	s9 =	simm.s32 $0x80;
	s10 =	simm.s32 $0x400;
	s16 =	simm.s32 $0x8  }
0xc2: {  	[tilespmem:s5], [sflag:$0x8] =	stream.strided.gather [hbm4b:s8+s9], $0x2500, s10, s9, $0x38;
	[tilespmem:$0x1E500] =	vst v63  }
0xc3: {  	s17 =	stileid.u32;
	_ =	swait.ge [sflag:s16], $0x2500  }
0xc4: {  	s8 =	sshll.u32 s17, $0x6;
	s18 =	rddreg [dreg:$0x7]  }
0xc5: {  	[sflag:s16] =	ssyncset.done $0x0;
	s19 =	rddreg [dreg:$0x8];
	s9 =	sshrl.u32 s18, $0x3  }
0xc6: {  	s8 =	sor.u32 $0x1C07, s8;
	[sflag:s16] =	ssyncadd.s32 $0xFFFFDB00;
	[smem:$0x7AE] =	sst s9  }
0xc7: {  	[spmem:s9], [sflag:s8] =	dma.local [hbm:s19], $0x100  }
0xc8: {  	s10 =	rddreg [dreg:$0x9]  }
0xc9: {  	s11 =	rddreg [dreg:$0xa];
	s20 =	sshrl.u32 s10, $0x3  }
0xca: {  	[smem:$0x7AF] =	sst s20  }
0xcb: {  	[spmem:s20], [sflag:s8] =	dma.local [hbm:s11], $0x100  }
0xcc: {  	s11 =	sld [smem:$0x7BD];
	_ =	sdelay $0x2  }
0xcd: {  	s12 =	rddreg [dreg:$0xb];
	s11 =	sshrl.u32 s11, $0x3  }
0xce: {  	[spmem:s11], [sflag:s8] =	dma.local [hbm:s12], $0x100  }
0xcf: {  	s12 =	sld [smem:$0x7CF];
	_ =	sdelay $0x2  }
0xd0: {  	s13 =	rddreg [dreg:$0xc];
	s12 =	sshrl.u32 s12, $0x3  }
0xd1: {  	[spmem:s12], [sflag:s8] =	dma.local [hbm:s13], $0x100  }
0xd2: {  	s13 =	sld [smem:$0x7D8];
	_ =	sdelay $0x2  }
0xd3: {  	s14 =	rddreg [dreg:$0xd];
	s13 =	sshrl.u32 s13, $0x3  }
0xd4: {  	[spmem:s13], [sflag:s8] =	dma.local [hbm:s14], $0x100  }
0xd5: {  	s14 =	sld [smem:$0x7EA];
	_ =	sdelay $0x2  }
0xd6: {  	s16 =	rddreg [dreg:$0xe];
	s14 =	sshrl.u32 s14, $0x3  }
0xd7: {  	[spmem:s14], [sflag:s8] =	dma.local [hbm:s16], $0x100  }
0xd8: {  	s15 =	sld [smem:$0x7F0];
	_ =	sdelay $0x1  }
0xd9: {  	s17 =	simm.s32 @!p0 $0xE0;
	s18 =	simm.s32 @!p0 $0x0  }
0xda: {  	s19 =	simm.s32 @!p0 $0x2500;
	s21 =	rddreg [dreg:$0x10];
	s16 =	sshrl.u32 s15, $0x3  }
0xdb: {  	[spmem:s16], [sflag:s8] =	dma.local [hbm:s21], $0x100  }
0xdc: {  	[tilespmem:s19], [sflag:$0x1] =	stream.indirect.gather @!p0 [hbm4b:s1+s17], $0x80, s18, s17, $0xb8;
	[tilespmem:$0x1E500] =	vst v63  }
0xdd: {  	s18 =	simm.s32 @!p0 $0x9500  }
0xde: {  	[tilespmem:s18], [sflag:$0x2] =	stream.indirect.gather @!p0 [hbm4b:s1+s17], $0x80, s17, s17, $0xb8;
	[tilespmem:$0x1E500] =	vst v63  }
0xdf: {  	_ =	swait.ge [sflag:s25], $0x100  }
0xe0: {  	[sflag:s25] =	ssyncset.done $0x0  }
0xe1: {  	[sflag:s25] =	ssyncadd.s32 $0xFFFFFF00  }
0xe2: {  	_ =	swait.ge [sflag:s25], $0x100  }
0xe3: {  	[sflag:s25] =	ssyncset.done $0x0  }
0xe4: {  	[sflag:s25] =	ssyncadd.s32 $0xFFFFFF00  }
0xe5: {  	_ =	swait.ge [sflag:s25], $0x100  }
0xe6: {  	[sflag:s25] =	ssyncset.done $0x0  }
0xe7: {  	[sflag:s25] =	ssyncadd.s32 $0xFFFFFF00  }
0xe8: {  	_ =	swait.ge [sflag:s25], $0x100  }
0xe9: {  	[sflag:s25] =	ssyncset.done $0x0  }
0xea: {  	[sflag:s25] =	ssyncadd.s32 $0xFFFFFF00  }
0xeb: {  	_ =	swait.ge [sflag:s25], $0x100  }
0xec: {  	[sflag:s25] =	ssyncset.done $0x0  }
0xed: {  	[sflag:s25] =	ssyncadd.s32 $0xFFFFFF00  }
0xee: {  	_ =	swait.ge [sflag:s25], $0x100  }
0xef: {  	[sflag:s25] =	ssyncset.done $0x0  }
0xf0: {  	[sflag:s25] =	ssyncadd.s32 $0xFFFFFF00  }
0xf1: {  	_ =	swait.ge [sflag:s25], $0x100  }
0xf2: {  	[sflag:s25] =	ssyncset.done $0x0  }
0xf3: {  	[sflag:s25] =	ssyncadd.s32 $0xFFFFFF00  }
0xf4: {  	[bflag:$0x0] =	sbarrier.arrive $0xFFFF  }
0xf5: {  	s17 =	sshrl.u32 s28, $0x3;
	s22 =	rddreg [dreg:$0x11]  }
0xf6: {  	[spmem:s17], [sflag:s8] =	dma.local [hbm:s22], $0x100  }
0xf7: {  	s18 =	sshrl.u32 s30, $0x3;
	s15 =	rddreg [dreg:$0x12]  }
0xf8: {  	[spmem:s18], [sflag:s8] =	dma.local [hbm:s15], $0x100  }
0xf9: {  	s15 =	sld [smem:$0x7C6];
	_ =	sdelay $0x2  }
0xfa: {  	s23 =	rddreg [dreg:$0x13];
	s19 =	sshrl.u32 s15, $0x3  }
0xfb: {  	[spmem:s19], [sflag:s8] =	dma.local [hbm:s23], $0x100  }
0xfc: {  	s15 =	sld [smem:$0x7D2];
	_ =	sdelay $0x2  }
0xfd: {  	s24 =	rddreg [dreg:$0x14];
	s20 =	sshrl.u32 s15, $0x3  }
0xfe: {  	[spmem:s20], [sflag:s8] =	dma.local [hbm:s24], $0x100  }
0xff: {  	s15 =	sld [smem:$0x7DE];
	_ =	sdelay $0x2  }
0x100: {  	s9 =	rddreg [dreg:$0x15];
	s21 =	sshrl.u32 s15, $0x3  }
0x101: {  	[spmem:s21], [sflag:s8] =	dma.local [hbm:s9], $0x100  }
0x102: {  	s15 =	sld [smem:$0x7ED];
	_ =	sdelay $0x2  }
0x103: {  	s10 =	rddreg [dreg:$0x16];
	s22 =	sshrl.u32 s15, $0x3  }
0x104: {  	[spmem:s22], [sflag:s8] =	dma.local [hbm:s10], $0x100  }
.Ltmp2:
0x105: {  	s15 =	sld [smem:$0x7F9];
	(pc) =	sbr.rel @p0 .LBB2_3-.Ltmp2, $3  }
0x106: {  	_ =	sdelay $0x1  }
0x107: {  	s23 =	rddreg [dreg:$0x17];
	s24 =	sshrl.u32 s15, $0x3  }
0x108: {  	[spmem:s24], [sflag:s8] =	dma.local [hbm:s23], $0x100  }
0x109: {  	s23 =	simm.s32 $0x10500;
	s9 =	simm.s32 $0x1C0  }
0x10a: {  	[tilespmem:s23], [sflag:$0x3] =	stream.indirect.gather [spmem:s3], $0x80, s9, s26, $0xb8;
	[tilespmem:$0x1E500] =	vst v63  }
0x10b: {  	_ =	swait.ge [sflag:s29], $0x7000  }
0x10c: {  	s15 =	sld [smem:$0x7CD]  }
0x10d: {  	[sflag:s29] =	ssyncset.done $0x0  }
0x10e: {  	s9 =	simm.s32 $0x2500;
	[sflag:s29] =	ssyncadd.s32 $0xFFFF9000  }
0x10f: {  	[hbm4b:s15+s5] =	stream.linear.scatter [tilespmem:s9], [sflag:$0x4], $0x7000, $0x38;
	[tilespmem:$0x1E500] =	vst v63  }
0x110: {  	_ =	swait.ge [sflag:s31], $0x7000  }
0x111: {  	[sflag:s31] =	ssyncset.done $0x0  }
0x112: {  	s10 =	simm.s32 $0x2A0;
	[sflag:s31] =	ssyncadd.s32 $0xFFFF9000  }
0x113: {  	[tilespmem:s9], [sflag:$0x1] =	stream.indirect.gather [spmem:s3], $0x80, s10, s26, $0xb8;
	[tilespmem:$0x1E500] =	vst v63  }
0x114: {  	_ =	swait.ge [sflag:s2], $0x7000  }
0x115: {  	s15 =	sld [smem:$0x7CE]  }
0x116: {  	[sflag:s2] =	ssyncset.done $0x0  }
0x117: {  	s10 =	simm.s32 $0x9500;
	[sflag:s2] =	ssyncadd.s32 $0xFFFF9000  }
0x118: {  	[hbm4b:s15+s5] =	stream.linear.scatter [tilespmem:s10], [sflag:$0x5], $0x7000, $0x38;
	[tilespmem:$0x1E500] =	vst v63  }
0x119: {  	_ =	swait.ge [sflag:s0], $0x7000  }
0x11a: {  	[sflag:s0] =	ssyncset.done $0x0  }
0x11b: {  	s15 =	simm.s32 $0x380;
	[sflag:s0] =	ssyncadd.s32 $0xFFFF9000  }
0x11c: {  	[tilespmem:s10], [sflag:$0x2] =	stream.indirect.gather [spmem:s3], $0x80, s15, s26, $0xb8;
	[tilespmem:$0x1E500] =	vst v63  }
0x11d: {  	s15 =	smov.u32 s30;
	s30 =	smov.u32 s28;
	_ =	swait.ge [sflag:s6], $0x7000  }
0x11e: {  	s28 =	smov.u32 s3;
	s3 =	smov.u32 s1;
	[sflag:s6] =	ssyncset.done $0x0  }
0x11f: {  	s1 =	smov.u32 s4;
	s4 =	rddreg [dreg:$0xf];
	[sflag:s6] =	ssyncadd.s32 $0xFFFF9000  }
0x120: {  	[hbm4b:s4+s5] =	stream.linear.scatter [tilespmem:s23], [sflag:$0x6], $0x7000, $0x38;
	[tilespmem:$0x1E500] =	vst v63  }
0x121: {  	s4 =	smov.u32 s1;
	s1 =	smov.u32 s3;
	_ =	swait.ge [sflag:s7], $0x7000  }
0x122: {  	s3 =	smov.u32 s28;
	s28 =	smov.u32 s30;
	[sflag:s7] =	ssyncset.done $0x0  }
0x123: {  	s30 =	smov.u32 s15;
	s15 =	simm.s32 $0x460;
	[sflag:s7] =	ssyncadd.s32 $0xFFFF9000  }
0x124: {  	[tilespmem:s23], [sflag:$0x3] =	stream.indirect.gather [spmem:s3], $0x80, s15, s26, $0xb8;
	[tilespmem:$0x1E500] =	vst v63  }
0x125: {  	_ =	swait.ge [sflag:s29], $0x7000  }
0x126: {  	s15 =	sld [smem:$0x7FD]  }
0x127: {  	[sflag:s29] =	ssyncset.done $0x0  }
0x128: {  	[sflag:s29] =	ssyncadd.s32 $0xFFFF9000  }
0x129: {  	[hbm4b:s15+s5] =	stream.linear.scatter [tilespmem:s9], [sflag:$0x4], $0x7000, $0x38;
	[tilespmem:$0x1E500] =	vst v63  }
0x12a: {  	_ =	swait.ge [sflag:s31], $0x7000  }
0x12b: {  	[sflag:s31] =	ssyncset.done $0x0  }
0x12c: {  	s15 =	simm.s32 $0x540;
	[sflag:s31] =	ssyncadd.s32 $0xFFFF9000  }
0x12d: {  	[tilespmem:s9], [sflag:$0x1] =	stream.indirect.gather [hbm4b:s1+s26], $0x80, s15, s26, $0xb8;
	[tilespmem:$0x1E500] =	vst v63  }
0x12e: {  	_ =	swait.ge [sflag:s2], $0x7000  }
0x12f: {  	s9 =	sld [smem:$0x7D0]  }
0x130: {  	[sflag:s2] =	ssyncset.done $0x0  }
0x131: {  	[sflag:s2] =	ssyncadd.s32 $0xFFFF9000  }
0x132: {  	[hbm4b:s9+s5] =	stream.linear.scatter [tilespmem:s10], [sflag:$0x5], $0x7000, $0x38;
	[tilespmem:$0x1E500] =	vst v63  }
0x133: {  	_ =	swait.ge [sflag:s0], $0x7000  }
0x134: {  	[sflag:s0] =	ssyncset.done $0x0  }
0x135: {  	s15 =	simm.s32 $0x620;
	[sflag:s0] =	ssyncadd.s32 $0xFFFF9000  }
0x136: {  	[tilespmem:s10], [sflag:$0x2] =	stream.indirect.gather [hbm4b:s1+s26], $0x80, s15, s26, $0xb8;
	[tilespmem:$0x1E500] =	vst v63  }
0x137: {  	_ =	swait.ge [sflag:s6], $0x7000  }
0x138: {  	s10 =	sld [smem:$0x7D1]  }
0x139: {  	[sflag:s6] =	ssyncset.done $0x0  }
0x13a: {  	[sflag:s6] =	ssyncadd.s32 $0xFFFF9000  }
0x13b: {  	[hbm4b:s10+s5] =	stream.linear.scatter [tilespmem:s23], [sflag:$0x6], $0x7000, $0x38;
	[tilespmem:$0x1E500] =	vst v63  }
0x13c: {  	_ =	swait.ge [sflag:s7], $0x7000  }
0x13d: {  	[sflag:s7] =	ssyncset.done $0x0  }
0x13e: {  	[sflag:s7] =	ssyncadd.s32 $0xFFFF9000  }
.LBB2_3:
0x13f: {  	_ =	swait.ge [sflag:s25], $0x100  }
0x140: {  	[sflag:s25] =	ssyncset.done $0x0  }
0x141: {  	[sflag:s25] =	ssyncadd.s32 $0xFFFFFF00  }
0x142: {  	_ =	swait.ge [sflag:s25], $0x100  }
0x143: {  	[sflag:s25] =	ssyncset.done $0x0  }
0x144: {  	[sflag:s25] =	ssyncadd.s32 $0xFFFFFF00  }
0x145: {  	_ =	swait.ge [sflag:s25], $0x100  }
0x146: {  	[sflag:s25] =	ssyncset.done $0x0  }
0x147: {  	[sflag:s25] =	ssyncadd.s32 $0xFFFFFF00  }
0x148: {  	_ =	swait.ge [sflag:s25], $0x100  }
0x149: {  	[sflag:s25] =	ssyncset.done $0x0  }
0x14a: {  	[sflag:s25] =	ssyncadd.s32 $0xFFFFFF00  }
0x14b: {  	_ =	swait.ge [sflag:s25], $0x100  }
0x14c: {  	[sflag:s25] =	ssyncset.done $0x0  }
0x14d: {  	[sflag:s25] =	ssyncadd.s32 $0xFFFFFF00  }
0x14e: {  	_ =	swait.ge [sflag:s25], $0x100  }
0x14f: {  	[sflag:s25] =	ssyncset.done $0x0  }
0x150: {  	[sflag:s25] =	ssyncadd.s32 $0xFFFFFF00  }
0x151: {  	_ =	swait.ge [sflag:s25], $0x100  }
0x152: {  	[sflag:s25] =	ssyncset.done $0x0  }
0x153: {  	[sflag:s25] =	ssyncadd.s32 $0xFFFFFF00  }
0x154: {  	[bflag:$0x0] =	sbarrier.arrive $0xFFFF  }
0x155: {  	s9 =	sld [smem:$0x7AE];
	_ =	sdelay $0x1  }
0x156: {  	s15 =	rddreg [dreg:$0x18]  }
0x157: {  	[spmem:s9], [sflag:s8] =	dma.local [hbm:s15], $0x100  }
0x158: {  	s9 =	sld [smem:$0x7AF];
	_ =	sdelay $0x1  }
0x159: {  	s15 =	rddreg [dreg:$0x19]  }
0x15a: {  	[spmem:s9], [sflag:s8] =	dma.local [hbm:s15], $0x100  }
0x15b: {  	s15 =	rddreg [dreg:$0x1a]  }
0x15c: {  	[spmem:s11], [sflag:s8] =	dma.local [hbm:s15], $0x100  }
0x15d: {  	s15 =	rddreg [dreg:$0x1b]  }
0x15e: {  	[spmem:s12], [sflag:s8] =	dma.local [hbm:s15], $0x100  }
0x15f: {  	s15 =	rddreg [dreg:$0x1c]  }
0x160: {  	[spmem:s13], [sflag:s8] =	dma.local [hbm:s15], $0x100  }
.Ltmp3:
0x161: {  	_ = 	snop;
	(pc) =	sbr.rel @p0 .LBB2_5-.Ltmp3, $4  }
0x162: {  	s15 =	rddreg [dreg:$0x1d]  }
0x163: {  	[spmem:s14], [sflag:s8] =	dma.local [hbm:s15], $0x100  }
0x164: {  	s15 =	rddreg [dreg:$0x1e]  }
0x165: {  	[spmem:s16], [sflag:s8] =	dma.local [hbm:s15], $0x100  }
0x166: {  	s23 =	simm.s32 $0x10500;
	s9 =	simm.s32 $0x700  }
0x167: {  	[tilespmem:s23], [sflag:$0x3] =	stream.indirect.gather [spmem:s4], $0x80, s9, s26, $0xb8;
	[tilespmem:$0x1E500] =	vst v63  }
0x168: {  	_ =	swait.ge [sflag:s29], $0x7000  }
0x169: {  	s15 =	sld [smem:$0x7D3]  }
0x16a: {  	[sflag:s29] =	ssyncset.done $0x0  }
0x16b: {  	s9 =	simm.s32 $0x2500;
	[sflag:s29] =	ssyncadd.s32 $0xFFFF9000  }
0x16c: {  	[hbm4b:s15+s5] =	stream.linear.scatter [tilespmem:s9], [sflag:$0x4], $0x7000, $0x38;
	[tilespmem:$0x1E500] =	vst v63  }
0x16d: {  	_ =	swait.ge [sflag:s31], $0x7000  }
0x16e: {  	[sflag:s31] =	ssyncset.done $0x0  }
0x16f: {  	s10 =	simm.s32 $0x7E0;
	[sflag:s31] =	ssyncadd.s32 $0xFFFF9000  }
0x170: {  	[tilespmem:s9], [sflag:$0x1] =	stream.indirect.gather [spmem:s4], $0x80, s10, s26, $0xb8;
	[tilespmem:$0x1E500] =	vst v63  }
0x171: {  	_ =	swait.ge [sflag:s2], $0x7000  }
0x172: {  	s15 =	sld [smem:$0x7D4]  }
0x173: {  	[sflag:s2] =	ssyncset.done $0x0  }
0x174: {  	s10 =	simm.s32 $0x9500;
	[sflag:s2] =	ssyncadd.s32 $0xFFFF9000  }
0x175: {  	[hbm4b:s15+s5] =	stream.linear.scatter [tilespmem:s10], [sflag:$0x5], $0x7000, $0x38;
	[tilespmem:$0x1E500] =	vst v63  }
0x176: {  	_ =	swait.ge [sflag:s0], $0x7000  }
0x177: {  	[sflag:s0] =	ssyncset.done $0x0  }
0x178: {  	s15 =	simm.s32 $0x8C0;
	[sflag:s0] =	ssyncadd.s32 $0xFFFF9000  }
0x179: {  	[tilespmem:s10], [sflag:$0x2] =	stream.indirect.gather [spmem:s4], $0x80, s15, s26, $0xb8;
	[tilespmem:$0x1E500] =	vst v63  }
0x17a: {  	_ =	swait.ge [sflag:s6], $0x7000  }
0x17b: {  	s15 =	sld [smem:$0x7D5]  }
0x17c: {  	[sflag:s6] =	ssyncset.done $0x0  }
0x17d: {  	[sflag:s6] =	ssyncadd.s32 $0xFFFF9000  }
0x17e: {  	[hbm4b:s15+s5] =	stream.linear.scatter [tilespmem:s23], [sflag:$0x6], $0x7000, $0x38;
	[tilespmem:$0x1E500] =	vst v63  }
0x17f: {  	_ =	swait.ge [sflag:s7], $0x7000  }
0x180: {  	[sflag:s7] =	ssyncset.done $0x0  }
0x181: {  	s15 =	simm.s32 $0x9A0;
	[sflag:s7] =	ssyncadd.s32 $0xFFFF9000  }
0x182: {  	[tilespmem:s23], [sflag:$0x3] =	stream.indirect.gather [spmem:s4], $0x80, s15, s26, $0xb8;
	[tilespmem:$0x1E500] =	vst v63  }
0x183: {  	_ =	swait.ge [sflag:s29], $0x7000  }
0x184: {  	s15 =	sld [smem:$0x7D6]  }
0x185: {  	[sflag:s29] =	ssyncset.done $0x0  }
0x186: {  	[sflag:s29] =	ssyncadd.s32 $0xFFFF9000  }
0x187: {  	[hbm4b:s15+s5] =	stream.linear.scatter [tilespmem:s9], [sflag:$0x4], $0x7000, $0x38;
	[tilespmem:$0x1E500] =	vst v63  }
0x188: {  	_ =	swait.ge [sflag:s31], $0x7000  }
0x189: {  	[sflag:s31] =	ssyncset.done $0x0  }
0x18a: {  	s15 =	simm.s32 $0xA80;
	[sflag:s31] =	ssyncadd.s32 $0xFFFF9000  }
0x18b: {  	[tilespmem:s9], [sflag:$0x1] =	stream.indirect.gather [hbm4b:s1+s26], $0x80, s15, s26, $0xb8;
	[tilespmem:$0x1E500] =	vst v63  }
0x18c: {  	_ =	swait.ge [sflag:s2], $0x7000  }
0x18d: {  	s9 =	sld [smem:$0x7D7]  }
0x18e: {  	[sflag:s2] =	ssyncset.done $0x0  }
0x18f: {  	[sflag:s2] =	ssyncadd.s32 $0xFFFF9000  }
0x190: {  	[hbm4b:s9+s5] =	stream.linear.scatter [tilespmem:s10], [sflag:$0x5], $0x7000, $0x38;
	[tilespmem:$0x1E500] =	vst v63  }
0x191: {  	_ =	swait.ge [sflag:s0], $0x7000  }
0x192: {  	[sflag:s0] =	ssyncset.done $0x0  }
0x193: {  	s15 =	simm.s32 $0xB60;
	[sflag:s0] =	ssyncadd.s32 $0xFFFF9000  }
0x194: {  	[tilespmem:s10], [sflag:$0x2] =	stream.indirect.gather [hbm4b:s1+s26], $0x80, s15, s26, $0xb8;
	[tilespmem:$0x1E500] =	vst v63  }
0x195: {  	_ =	swait.ge [sflag:s6], $0x7000  }
0x196: {  	s10 =	sld [smem:$0x7D9]  }
0x197: {  	[sflag:s6] =	ssyncset.done $0x0  }
0x198: {  	[sflag:s6] =	ssyncadd.s32 $0xFFFF9000  }
0x199: {  	[hbm4b:s10+s5] =	stream.linear.scatter [tilespmem:s23], [sflag:$0x6], $0x7000, $0x38;
	[tilespmem:$0x1E500] =	vst v63  }
0x19a: {  	_ =	swait.ge [sflag:s7], $0x7000  }
0x19b: {  	[sflag:s7] =	ssyncset.done $0x0  }
0x19c: {  	[sflag:s7] =	ssyncadd.s32 $0xFFFF9000  }
.LBB2_5:
0x19d: {  	_ =	swait.ge [sflag:s25], $0x100  }
0x19e: {  	[sflag:s25] =	ssyncset.done $0x0  }
0x19f: {  	[sflag:s25] =	ssyncadd.s32 $0xFFFFFF00  }
0x1a0: {  	_ =	swait.ge [sflag:s25], $0x100  }
0x1a1: {  	[sflag:s25] =	ssyncset.done $0x0  }
0x1a2: {  	[sflag:s25] =	ssyncadd.s32 $0xFFFFFF00  }
0x1a3: {  	_ =	swait.ge [sflag:s25], $0x100  }
0x1a4: {  	[sflag:s25] =	ssyncset.done $0x0  }
0x1a5: {  	[sflag:s25] =	ssyncadd.s32 $0xFFFFFF00  }
0x1a6: {  	_ =	swait.ge [sflag:s25], $0x100  }
0x1a7: {  	[sflag:s25] =	ssyncset.done $0x0  }
0x1a8: {  	[sflag:s25] =	ssyncadd.s32 $0xFFFFFF00  }
0x1a9: {  	_ =	swait.ge [sflag:s25], $0x100  }
0x1aa: {  	[sflag:s25] =	ssyncset.done $0x0  }
0x1ab: {  	[sflag:s25] =	ssyncadd.s32 $0xFFFFFF00  }
0x1ac: {  	_ =	swait.ge [sflag:s25], $0x100  }
0x1ad: {  	[sflag:s25] =	ssyncset.done $0x0  }
0x1ae: {  	[sflag:s25] =	ssyncadd.s32 $0xFFFFFF00  }
0x1af: {  	_ =	swait.ge [sflag:s25], $0x100  }
0x1b0: {  	[sflag:s25] =	ssyncset.done $0x0  }
0x1b1: {  	[sflag:s25] =	ssyncadd.s32 $0xFFFFFF00  }
0x1b2: {  	[bflag:$0x0] =	sbarrier.arrive $0xFFFF  }
0x1b3: {  	s15 =	rddreg [dreg:$0x1f]  }
0x1b4: {  	[spmem:s17], [sflag:s8] =	dma.local [hbm:s15], $0x100  }
0x1b5: {  	s15 =	sld [smem:$0x7B0];
	_ =	sdelay $0x2  }
0x1b6: {  	[spmem:s18], [sflag:s8] =	dma.local [hbm:s15], $0x100  }
0x1b7: {  	s15 =	sld [smem:$0x7B1];
	_ =	sdelay $0x2  }
0x1b8: {  	[spmem:s19], [sflag:s8] =	dma.local [hbm:s15], $0x100  }
0x1b9: {  	s15 =	sld [smem:$0x7B2];
	_ =	sdelay $0x2  }
0x1ba: {  	[spmem:s20], [sflag:s8] =	dma.local [hbm:s15], $0x100  }
0x1bb: {  	s15 =	sld [smem:$0x7B3];
	_ =	sdelay $0x2  }
0x1bc: {  	[spmem:s21], [sflag:s8] =	dma.local [hbm:s15], $0x100  }
0x1bd: {  	s15 =	sld [smem:$0x7B4];
	_ =	sdelay $0x2  }
0x1be: {  	[spmem:s22], [sflag:s8] =	dma.local [hbm:s15], $0x100  }
.Ltmp4:
0x1bf: {  	_ = 	snop;
	(pc) =	sbr.rel @p0 .LBB2_7-.Ltmp4, $2  }
0x1c0: {  	s15 =	sld [smem:$0x7B5];
	_ =	sdelay $0x2  }
0x1c1: {  	[spmem:s24], [sflag:s8] =	dma.local [hbm:s15], $0x100  }
0x1c2: {  	s23 =	simm.s32 $0x10500;
	s9 =	simm.s32 $0xC40  }
0x1c3: {  	[tilespmem:s23], [sflag:$0x3] =	stream.indirect.gather [spmem:s3], $0x80, s9, s26, $0xb8;
	[tilespmem:$0x1E500] =	vst v63  }
0x1c4: {  	_ =	swait.ge [sflag:s29], $0x7000  }
0x1c5: {  	s15 =	sld [smem:$0x7DB]  }
0x1c6: {  	[sflag:s29] =	ssyncset.done $0x0  }
0x1c7: {  	s9 =	simm.s32 $0x2500;
	[sflag:s29] =	ssyncadd.s32 $0xFFFF9000  }
0x1c8: {  	[hbm4b:s15+s5] =	stream.linear.scatter [tilespmem:s9], [sflag:$0x4], $0x7000, $0x38;
	[tilespmem:$0x1E500] =	vst v63  }
0x1c9: {  	_ =	swait.ge [sflag:s31], $0x7000  }
0x1ca: {  	[sflag:s31] =	ssyncset.done $0x0  }
0x1cb: {  	s10 =	simm.s32 $0xD20;
	[sflag:s31] =	ssyncadd.s32 $0xFFFF9000  }
0x1cc: {  	[tilespmem:s9], [sflag:$0x1] =	stream.indirect.gather [spmem:s3], $0x80, s10, s26, $0xb8;
	[tilespmem:$0x1E500] =	vst v63  }
0x1cd: {  	_ =	swait.ge [sflag:s2], $0x7000  }
0x1ce: {  	s15 =	sld [smem:$0x7DA]  }
0x1cf: {  	[sflag:s2] =	ssyncset.done $0x0  }
0x1d0: {  	s10 =	simm.s32 $0x9500;
	[sflag:s2] =	ssyncadd.s32 $0xFFFF9000  }
0x1d1: {  	[hbm4b:s15+s5] =	stream.linear.scatter [tilespmem:s10], [sflag:$0x5], $0x7000, $0x38;
	[tilespmem:$0x1E500] =	vst v63  }
0x1d2: {  	_ =	swait.ge [sflag:s0], $0x7000  }
0x1d3: {  	[sflag:s0] =	ssyncset.done $0x0  }
0x1d4: {  	s15 =	simm.s32 $0xE00;
	[sflag:s0] =	ssyncadd.s32 $0xFFFF9000  }
0x1d5: {  	[tilespmem:s10], [sflag:$0x2] =	stream.indirect.gather [spmem:s3], $0x80, s15, s26, $0xb8;
	[tilespmem:$0x1E500] =	vst v63  }
0x1d6: {  	_ =	swait.ge [sflag:s6], $0x7000  }
0x1d7: {  	s15 =	sld [smem:$0x7DC]  }
0x1d8: {  	[sflag:s6] =	ssyncset.done $0x0  }
0x1d9: {  	[sflag:s6] =	ssyncadd.s32 $0xFFFF9000  }
0x1da: {  	[hbm4b:s15+s5] =	stream.linear.scatter [tilespmem:s23], [sflag:$0x6], $0x7000, $0x38;
	[tilespmem:$0x1E500] =	vst v63  }
0x1db: {  	_ =	swait.ge [sflag:s7], $0x7000  }
0x1dc: {  	[sflag:s7] =	ssyncset.done $0x0  }
0x1dd: {  	s15 =	simm.s32 $0xEE0;
	[sflag:s7] =	ssyncadd.s32 $0xFFFF9000  }
0x1de: {  	[tilespmem:s23], [sflag:$0x3] =	stream.indirect.gather [spmem:s3], $0x80, s15, s26, $0xb8;
	[tilespmem:$0x1E500] =	vst v63  }
0x1df: {  	_ =	swait.ge [sflag:s29], $0x7000  }
0x1e0: {  	s15 =	sld [smem:$0x7E1]  }
0x1e1: {  	[sflag:s29] =	ssyncset.done $0x0  }
0x1e2: {  	[sflag:s29] =	ssyncadd.s32 $0xFFFF9000  }
0x1e3: {  	[hbm4b:s15+s5] =	stream.linear.scatter [tilespmem:s9], [sflag:$0x4], $0x7000, $0x38;
	[tilespmem:$0x1E500] =	vst v63  }
0x1e4: {  	_ =	swait.ge [sflag:s31], $0x7000  }
0x1e5: {  	[sflag:s31] =	ssyncset.done $0x0  }
0x1e6: {  	s15 =	simm.s32 $0xFC0;
	[sflag:s31] =	ssyncadd.s32 $0xFFFF9000  }
0x1e7: {  	[tilespmem:s9], [sflag:$0x1] =	stream.indirect.gather [hbm4b:s1+s26], $0x80, s15, s26, $0xb8;
	[tilespmem:$0x1E500] =	vst v63  }
0x1e8: {  	_ =	swait.ge [sflag:s2], $0x7000  }
0x1e9: {  	s9 =	sld [smem:$0x7DD]  }
0x1ea: {  	[sflag:s2] =	ssyncset.done $0x0  }
0x1eb: {  	[sflag:s2] =	ssyncadd.s32 $0xFFFF9000  }
0x1ec: {  	[hbm4b:s9+s5] =	stream.linear.scatter [tilespmem:s10], [sflag:$0x5], $0x7000, $0x38;
	[tilespmem:$0x1E500] =	vst v63  }
0x1ed: {  	_ =	swait.ge [sflag:s0], $0x7000  }
0x1ee: {  	[sflag:s0] =	ssyncset.done $0x0  }
0x1ef: {  	s15 =	simm.s32 $0x10A0;
	[sflag:s0] =	ssyncadd.s32 $0xFFFF9000  }
0x1f0: {  	[tilespmem:s10], [sflag:$0x2] =	stream.indirect.gather [hbm4b:s1+s26], $0x80, s15, s26, $0xb8;
	[tilespmem:$0x1E500] =	vst v63  }
0x1f1: {  	_ =	swait.ge [sflag:s6], $0x7000  }
0x1f2: {  	s10 =	sld [smem:$0x7DF]  }
0x1f3: {  	[sflag:s6] =	ssyncset.done $0x0  }
0x1f4: {  	[sflag:s6] =	ssyncadd.s32 $0xFFFF9000  }
0x1f5: {  	[hbm4b:s10+s5] =	stream.linear.scatter [tilespmem:s23], [sflag:$0x6], $0x7000, $0x38;
	[tilespmem:$0x1E500] =	vst v63  }
0x1f6: {  	_ =	swait.ge [sflag:s7], $0x7000  }
0x1f7: {  	[sflag:s7] =	ssyncset.done $0x0  }
0x1f8: {  	[sflag:s7] =	ssyncadd.s32 $0xFFFF9000  }
.LBB2_7:
0x1f9: {  	_ =	swait.ge [sflag:s25], $0x100  }
0x1fa: {  	[sflag:s25] =	ssyncset.done $0x0  }
0x1fb: {  	[sflag:s25] =	ssyncadd.s32 $0xFFFFFF00  }
0x1fc: {  	_ =	swait.ge [sflag:s25], $0x100  }
0x1fd: {  	[sflag:s25] =	ssyncset.done $0x0  }
0x1fe: {  	[sflag:s25] =	ssyncadd.s32 $0xFFFFFF00  }
0x1ff: {  	_ =	swait.ge [sflag:s25], $0x100  }
0x200: {  	[sflag:s25] =	ssyncset.done $0x0  }
0x201: {  	[sflag:s25] =	ssyncadd.s32 $0xFFFFFF00  }
0x202: {  	_ =	swait.ge [sflag:s25], $0x100  }
0x203: {  	[sflag:s25] =	ssyncset.done $0x0  }
0x204: {  	[sflag:s25] =	ssyncadd.s32 $0xFFFFFF00  }
0x205: {  	_ =	swait.ge [sflag:s25], $0x100  }
0x206: {  	[sflag:s25] =	ssyncset.done $0x0  }
0x207: {  	[sflag:s25] =	ssyncadd.s32 $0xFFFFFF00  }
0x208: {  	_ =	swait.ge [sflag:s25], $0x100  }
0x209: {  	[sflag:s25] =	ssyncset.done $0x0  }
0x20a: {  	[sflag:s25] =	ssyncadd.s32 $0xFFFFFF00  }
0x20b: {  	_ =	swait.ge [sflag:s25], $0x100  }
0x20c: {  	[sflag:s25] =	ssyncset.done $0x0  }
0x20d: {  	[sflag:s25] =	ssyncadd.s32 $0xFFFFFF00  }
0x20e: {  	[bflag:$0x0] =	sbarrier.arrive $0xFFFF  }
0x20f: {  	s15 =	sld [smem:$0x7B6]  }
0x210: {  	s9 =	sld [smem:$0x7AE];
	_ =	sdelay $0x2  }
0x211: {  	[spmem:s9], [sflag:s8] =	dma.local [hbm:s15], $0x100  }
0x212: {  	s15 =	sld [smem:$0x7B7]  }
0x213: {  	s9 =	sld [smem:$0x7AF];
	_ =	sdelay $0x2  }
0x214: {  	[spmem:s9], [sflag:s8] =	dma.local [hbm:s15], $0x100  }
0x215: {  	s15 =	sld [smem:$0x7B8];
	_ =	sdelay $0x2  }
0x216: {  	[spmem:s11], [sflag:s8] =	dma.local [hbm:s15], $0x100  }
0x217: {  	s15 =	sld [smem:$0x7B9];
	_ =	sdelay $0x2  }
0x218: {  	[spmem:s12], [sflag:s8] =	dma.local [hbm:s15], $0x100  }
0x219: {  	s15 =	sld [smem:$0x7BA];
	_ =	sdelay $0x2  }
0x21a: {  	[spmem:s13], [sflag:s8] =	dma.local [hbm:s15], $0x100  }
0x21b: {  	s15 =	sld [smem:$0x7BB];
	_ =	sdelay $0x2  }
0x21c: {  	[spmem:s14], [sflag:s8] =	dma.local [hbm:s15], $0x100  }
.Ltmp5:
0x21d: {  	_ = 	snop;
	(pc) =	sbr.rel @p0 .LBB2_9-.Ltmp5, $2  }
0x21e: {  	s15 =	sld [smem:$0x7BC];
	_ =	sdelay $0x2  }
0x21f: {  	[spmem:s16], [sflag:s8] =	dma.local [hbm:s15], $0x100  }
0x220: {  	s23 =	simm.s32 $0x10500;
	s9 =	simm.s32 $0x1180  }
0x221: {  	[tilespmem:s23], [sflag:$0x3] =	stream.indirect.gather [spmem:s4], $0x80, s9, s26, $0xb8;
	[tilespmem:$0x1E500] =	vst v63  }
0x222: {  	_ =	swait.ge [sflag:s29], $0x7000  }
0x223: {  	s15 =	sld [smem:$0x7E0]  }
0x224: {  	[sflag:s29] =	ssyncset.done $0x0  }
0x225: {  	s9 =	simm.s32 $0x2500;
	[sflag:s29] =	ssyncadd.s32 $0xFFFF9000  }
0x226: {  	[hbm4b:s15+s5] =	stream.linear.scatter [tilespmem:s9], [sflag:$0x4], $0x7000, $0x38;
	[tilespmem:$0x1E500] =	vst v63  }
0x227: {  	_ =	swait.ge [sflag:s31], $0x7000  }
0x228: {  	[sflag:s31] =	ssyncset.done $0x0  }
0x229: {  	s10 =	simm.s32 $0x1260;
	[sflag:s31] =	ssyncadd.s32 $0xFFFF9000  }
0x22a: {  	[tilespmem:s9], [sflag:$0x1] =	stream.indirect.gather [spmem:s4], $0x80, s10, s26, $0xb8;
	[tilespmem:$0x1E500] =	vst v63  }
0x22b: {  	_ =	swait.ge [sflag:s2], $0x7000  }
0x22c: {  	s15 =	sld [smem:$0x7E2]  }
0x22d: {  	[sflag:s2] =	ssyncset.done $0x0  }
0x22e: {  	s10 =	simm.s32 $0x9500;
	[sflag:s2] =	ssyncadd.s32 $0xFFFF9000  }
0x22f: {  	[hbm4b:s15+s5] =	stream.linear.scatter [tilespmem:s10], [sflag:$0x5], $0x7000, $0x38;
	[tilespmem:$0x1E500] =	vst v63  }
0x230: {  	_ =	swait.ge [sflag:s0], $0x7000  }
0x231: {  	[sflag:s0] =	ssyncset.done $0x0  }
0x232: {  	s15 =	simm.s32 $0x1340;
	[sflag:s0] =	ssyncadd.s32 $0xFFFF9000  }
0x233: {  	[tilespmem:s10], [sflag:$0x2] =	stream.indirect.gather [spmem:s4], $0x80, s15, s26, $0xb8;
	[tilespmem:$0x1E500] =	vst v63  }
0x234: {  	_ =	swait.ge [sflag:s6], $0x7000  }
0x235: {  	s15 =	sld [smem:$0x7E3]  }
0x236: {  	[sflag:s6] =	ssyncset.done $0x0  }
0x237: {  	[sflag:s6] =	ssyncadd.s32 $0xFFFF9000  }
0x238: {  	[hbm4b:s15+s5] =	stream.linear.scatter [tilespmem:s23], [sflag:$0x6], $0x7000, $0x38;
	[tilespmem:$0x1E500] =	vst v63  }
0x239: {  	_ =	swait.ge [sflag:s7], $0x7000  }
0x23a: {  	[sflag:s7] =	ssyncset.done $0x0  }
0x23b: {  	s15 =	simm.s32 $0x1420;
	[sflag:s7] =	ssyncadd.s32 $0xFFFF9000  }
0x23c: {  	[tilespmem:s23], [sflag:$0x3] =	stream.indirect.gather [spmem:s4], $0x80, s15, s26, $0xb8;
	[tilespmem:$0x1E500] =	vst v63  }
0x23d: {  	_ =	swait.ge [sflag:s29], $0x7000  }
0x23e: {  	s15 =	sld [smem:$0x7E4]  }
0x23f: {  	[sflag:s29] =	ssyncset.done $0x0  }
0x240: {  	[sflag:s29] =	ssyncadd.s32 $0xFFFF9000  }
0x241: {  	[hbm4b:s15+s5] =	stream.linear.scatter [tilespmem:s9], [sflag:$0x4], $0x7000, $0x38;
	[tilespmem:$0x1E500] =	vst v63  }
0x242: {  	_ =	swait.ge [sflag:s31], $0x7000  }
0x243: {  	[sflag:s31] =	ssyncset.done $0x0  }
0x244: {  	s15 =	simm.s32 $0x1500;
	[sflag:s31] =	ssyncadd.s32 $0xFFFF9000  }
0x245: {  	[tilespmem:s9], [sflag:$0x1] =	stream.indirect.gather [hbm4b:s1+s26], $0x80, s15, s26, $0xb8;
	[tilespmem:$0x1E500] =	vst v63  }
0x246: {  	_ =	swait.ge [sflag:s2], $0x7000  }
0x247: {  	s9 =	sld [smem:$0x7E5]  }
0x248: {  	[sflag:s2] =	ssyncset.done $0x0  }
0x249: {  	[sflag:s2] =	ssyncadd.s32 $0xFFFF9000  }
0x24a: {  	[hbm4b:s9+s5] =	stream.linear.scatter [tilespmem:s10], [sflag:$0x5], $0x7000, $0x38;
	[tilespmem:$0x1E500] =	vst v63  }
0x24b: {  	_ =	swait.ge [sflag:s0], $0x7000  }
0x24c: {  	[sflag:s0] =	ssyncset.done $0x0  }
0x24d: {  	s15 =	simm.s32 $0x15E0;
	[sflag:s0] =	ssyncadd.s32 $0xFFFF9000  }
0x24e: {  	[tilespmem:s10], [sflag:$0x2] =	stream.indirect.gather [hbm4b:s1+s26], $0x80, s15, s26, $0xb8;
	[tilespmem:$0x1E500] =	vst v63  }
0x24f: {  	_ =	swait.ge [sflag:s6], $0x7000  }
0x250: {  	s10 =	sld [smem:$0x7E6]  }
0x251: {  	[sflag:s6] =	ssyncset.done $0x0  }
0x252: {  	[sflag:s6] =	ssyncadd.s32 $0xFFFF9000  }
0x253: {  	[hbm4b:s10+s5] =	stream.linear.scatter [tilespmem:s23], [sflag:$0x6], $0x7000, $0x38;
	[tilespmem:$0x1E500] =	vst v63  }
0x254: {  	_ =	swait.ge [sflag:s7], $0x7000  }
0x255: {  	[sflag:s7] =	ssyncset.done $0x0  }
0x256: {  	[sflag:s7] =	ssyncadd.s32 $0xFFFF9000  }
.LBB2_9:
0x257: {  	_ =	swait.ge [sflag:s25], $0x100  }
0x258: {  	[sflag:s25] =	ssyncset.done $0x0  }
0x259: {  	[sflag:s25] =	ssyncadd.s32 $0xFFFFFF00  }
0x25a: {  	_ =	swait.ge [sflag:s25], $0x100  }
0x25b: {  	[sflag:s25] =	ssyncset.done $0x0  }
0x25c: {  	[sflag:s25] =	ssyncadd.s32 $0xFFFFFF00  }
0x25d: {  	_ =	swait.ge [sflag:s25], $0x100  }
0x25e: {  	[sflag:s25] =	ssyncset.done $0x0  }
0x25f: {  	[sflag:s25] =	ssyncadd.s32 $0xFFFFFF00  }
0x260: {  	_ =	swait.ge [sflag:s25], $0x100  }
0x261: {  	[sflag:s25] =	ssyncset.done $0x0  }
0x262: {  	[sflag:s25] =	ssyncadd.s32 $0xFFFFFF00  }
0x263: {  	_ =	swait.ge [sflag:s25], $0x100  }
0x264: {  	[sflag:s25] =	ssyncset.done $0x0  }
0x265: {  	[sflag:s25] =	ssyncadd.s32 $0xFFFFFF00  }
0x266: {  	_ =	swait.ge [sflag:s25], $0x100  }
0x267: {  	[sflag:s25] =	ssyncset.done $0x0  }
0x268: {  	[sflag:s25] =	ssyncadd.s32 $0xFFFFFF00  }
0x269: {  	_ =	swait.ge [sflag:s25], $0x100  }
0x26a: {  	[sflag:s25] =	ssyncset.done $0x0  }
0x26b: {  	[sflag:s25] =	ssyncadd.s32 $0xFFFFFF00  }
0x26c: {  	[bflag:$0x0] =	sbarrier.arrive $0xFFFF  }
0x26d: {  	s15 =	sld [smem:$0x7BE];
	_ =	sdelay $0x2  }
0x26e: {  	[spmem:s17], [sflag:s8] =	dma.local [hbm:s15], $0x100  }
0x26f: {  	s15 =	sld [smem:$0x7C0];
	_ =	sdelay $0x2  }
0x270: {  	[spmem:s18], [sflag:s8] =	dma.local [hbm:s15], $0x100  }
0x271: {  	s15 =	sld [smem:$0x7BF];
	_ =	sdelay $0x2  }
0x272: {  	[spmem:s19], [sflag:s8] =	dma.local [hbm:s15], $0x100  }
0x273: {  	s15 =	sld [smem:$0x7C1];
	_ =	sdelay $0x2  }
0x274: {  	[spmem:s20], [sflag:s8] =	dma.local [hbm:s15], $0x100  }
0x275: {  	s15 =	sld [smem:$0x7C2];
	_ =	sdelay $0x2  }
0x276: {  	[spmem:s21], [sflag:s8] =	dma.local [hbm:s15], $0x100  }
0x277: {  	s15 =	sld [smem:$0x7C3];
	_ =	sdelay $0x2  }
0x278: {  	[spmem:s22], [sflag:s8] =	dma.local [hbm:s15], $0x100  }
.Ltmp6:
0x279: {  	_ = 	snop;
	(pc) =	sbr.rel @p0 .LBB2_11-.Ltmp6, $2  }
0x27a: {  	s15 =	sld [smem:$0x7C4];
	_ =	sdelay $0x2  }
0x27b: {  	[spmem:s24], [sflag:s8] =	dma.local [hbm:s15], $0x100  }
0x27c: {  	s17 =	simm.s32 $0x10500;
	s9 =	simm.s32 $0x16C0  }
0x27d: {  	[tilespmem:s17], [sflag:$0x3] =	stream.indirect.gather [spmem:s3], $0x80, s9, s26, $0xb8;
	[tilespmem:$0x1E500] =	vst v63  }
0x27e: {  	_ =	swait.ge [sflag:s29], $0x7000  }
0x27f: {  	s15 =	sld [smem:$0x7E7]  }
0x280: {  	[sflag:s29] =	ssyncset.done $0x0  }
0x281: {  	s22 =	simm.s32 $0x2500;
	[sflag:s29] =	ssyncadd.s32 $0xFFFF9000  }
0x282: {  	[hbm4b:s15+s5] =	stream.linear.scatter [tilespmem:s22], [sflag:$0x4], $0x7000, $0x38;
	[tilespmem:$0x1E500] =	vst v63  }
0x283: {  	_ =	swait.ge [sflag:s31], $0x7000  }
0x284: {  	[sflag:s31] =	ssyncset.done $0x0  }
0x285: {  	s10 =	simm.s32 $0x17A0;
	[sflag:s31] =	ssyncadd.s32 $0xFFFF9000  }
0x286: {  	[tilespmem:s22], [sflag:$0x1] =	stream.indirect.gather [spmem:s3], $0x80, s10, s26, $0xb8;
	[tilespmem:$0x1E500] =	vst v63  }
0x287: {  	_ =	swait.ge [sflag:s2], $0x7000  }
0x288: {  	s23 =	sld [smem:$0x7E8]  }
0x289: {  	[sflag:s2] =	ssyncset.done $0x0  }
0x28a: {  	s10 =	simm.s32 $0x9500;
	[sflag:s2] =	ssyncadd.s32 $0xFFFF9000  }
0x28b: {  	[hbm4b:s23+s5] =	stream.linear.scatter [tilespmem:s10], [sflag:$0x5], $0x7000, $0x38;
	[tilespmem:$0x1E500] =	vst v63  }
0x28c: {  	_ =	swait.ge [sflag:s0], $0x7000  }
0x28d: {  	[sflag:s0] =	ssyncset.done $0x0  }
0x28e: {  	s24 =	simm.s32 $0x1880;
	[sflag:s0] =	ssyncadd.s32 $0xFFFF9000  }
0x28f: {  	[tilespmem:s10], [sflag:$0x2] =	stream.indirect.gather [spmem:s3], $0x80, s24, s26, $0xb8;
	[tilespmem:$0x1E500] =	vst v63  }
0x290: {  	_ =	swait.ge [sflag:s6], $0x7000  }
0x291: {  	s18 =	sld [smem:$0x7E9]  }
0x292: {  	[sflag:s6] =	ssyncset.done $0x0  }
0x293: {  	[sflag:s6] =	ssyncadd.s32 $0xFFFF9000  }
0x294: {  	[hbm4b:s18+s5] =	stream.linear.scatter [tilespmem:s17], [sflag:$0x6], $0x7000, $0x38;
	[tilespmem:$0x1E500] =	vst v63  }
0x295: {  	_ =	swait.ge [sflag:s7], $0x7000  }
0x296: {  	[sflag:s7] =	ssyncset.done $0x0  }
0x297: {  	s19 =	simm.s32 $0x1960;
	[sflag:s7] =	ssyncadd.s32 $0xFFFF9000  }
0x298: {  	[tilespmem:s17], [sflag:$0x3] =	stream.indirect.gather [spmem:s3], $0x80, s19, s26, $0xb8;
	[tilespmem:$0x1E500] =	vst v63  }
0x299: {  	_ =	swait.ge [sflag:s29], $0x7000  }
0x29a: {  	s20 =	sld [smem:$0x7F3]  }
0x29b: {  	[sflag:s29] =	ssyncset.done $0x0  }
0x29c: {  	[sflag:s29] =	ssyncadd.s32 $0xFFFF9000  }
0x29d: {  	[hbm4b:s20+s5] =	stream.linear.scatter [tilespmem:s22], [sflag:$0x4], $0x7000, $0x38;
	[tilespmem:$0x1E500] =	vst v63  }
0x29e: {  	_ =	swait.ge [sflag:s31], $0x7000  }
0x29f: {  	[sflag:s31] =	ssyncset.done $0x0  }
0x2a0: {  	s21 =	simm.s32 $0x1A40;
	[sflag:s31] =	ssyncadd.s32 $0xFFFF9000  }
0x2a1: {  	[tilespmem:s22], [sflag:$0x1] =	stream.indirect.gather [hbm4b:s1+s26], $0x80, s21, s26, $0xb8;
	[tilespmem:$0x1E500] =	vst v63  }
0x2a2: {  	_ =	swait.ge [sflag:s2], $0x7000  }
0x2a3: {  	s22 =	sld [smem:$0x7EB]  }
0x2a4: {  	[sflag:s2] =	ssyncset.done $0x0  }
0x2a5: {  	[sflag:s2] =	ssyncadd.s32 $0xFFFF9000  }
0x2a6: {  	[hbm4b:s22+s5] =	stream.linear.scatter [tilespmem:s10], [sflag:$0x5], $0x7000, $0x38;
	[tilespmem:$0x1E500] =	vst v63  }
0x2a7: {  	_ =	swait.ge [sflag:s0], $0x7000  }
0x2a8: {  	[sflag:s0] =	ssyncset.done $0x0  }
0x2a9: {  	s23 =	simm.s32 $0x1B20;
	[sflag:s0] =	ssyncadd.s32 $0xFFFF9000  }
0x2aa: {  	[tilespmem:s10], [sflag:$0x2] =	stream.indirect.gather [hbm4b:s1+s26], $0x80, s23, s26, $0xb8;
	[tilespmem:$0x1E500] =	vst v63  }
0x2ab: {  	_ =	swait.ge [sflag:s6], $0x7000  }
0x2ac: {  	s24 =	sld [smem:$0x7EC]  }
0x2ad: {  	[sflag:s6] =	ssyncset.done $0x0  }
0x2ae: {  	[sflag:s6] =	ssyncadd.s32 $0xFFFF9000  }
0x2af: {  	[hbm4b:s24+s5] =	stream.linear.scatter [tilespmem:s17], [sflag:$0x6], $0x7000, $0x38;
	[tilespmem:$0x1E500] =	vst v63  }
0x2b0: {  	_ =	swait.ge [sflag:s7], $0x7000  }
0x2b1: {  	[sflag:s7] =	ssyncset.done $0x0  }
0x2b2: {  	[sflag:s7] =	ssyncadd.s32 $0xFFFF9000  }
.LBB2_11:
0x2b3: {  	_ =	swait.ge [sflag:s25], $0x100  }
0x2b4: {  	[sflag:s25] =	ssyncset.done $0x0  }
0x2b5: {  	[sflag:s25] =	ssyncadd.s32 $0xFFFFFF00  }
0x2b6: {  	_ =	swait.ge [sflag:s25], $0x100  }
0x2b7: {  	[sflag:s25] =	ssyncset.done $0x0  }
0x2b8: {  	[sflag:s25] =	ssyncadd.s32 $0xFFFFFF00  }
0x2b9: {  	_ =	swait.ge [sflag:s25], $0x100  }
0x2ba: {  	[sflag:s25] =	ssyncset.done $0x0  }
0x2bb: {  	[sflag:s25] =	ssyncadd.s32 $0xFFFFFF00  }
0x2bc: {  	_ =	swait.ge [sflag:s25], $0x100  }
0x2bd: {  	[sflag:s25] =	ssyncset.done $0x0  }
0x2be: {  	[sflag:s25] =	ssyncadd.s32 $0xFFFFFF00  }
0x2bf: {  	_ =	swait.ge [sflag:s25], $0x100  }
0x2c0: {  	[sflag:s25] =	ssyncset.done $0x0  }
0x2c1: {  	[sflag:s25] =	ssyncadd.s32 $0xFFFFFF00  }
0x2c2: {  	_ =	swait.ge [sflag:s25], $0x100  }
0x2c3: {  	[sflag:s25] =	ssyncset.done $0x0  }
0x2c4: {  	[sflag:s25] =	ssyncadd.s32 $0xFFFFFF00  }
0x2c5: {  	_ =	swait.ge [sflag:s25], $0x100  }
0x2c6: {  	[sflag:s25] =	ssyncset.done $0x0  }
0x2c7: {  	[sflag:s25] =	ssyncadd.s32 $0xFFFFFF00  }
0x2c8: {  	[bflag:$0x0] =	sbarrier.arrive $0xFFFF  }
0x2c9: {  	s15 =	sld [smem:$0x7C5]  }
0x2ca: {  	s9 =	sld [smem:$0x7AE];
	_ =	sdelay $0x2  }
0x2cb: {  	[spmem:s9], [sflag:s8] =	dma.local [hbm:s15], $0x100  }
0x2cc: {  	s9 =	sld [smem:$0x7C7]  }
0x2cd: {  	s10 =	sld [smem:$0x7AF];
	_ =	sdelay $0x2  }
0x2ce: {  	[spmem:s10], [sflag:s8] =	dma.local [hbm:s9], $0x100  }
0x2cf: {  	s9 =	sld [smem:$0x7C9];
	_ =	sdelay $0x2  }
0x2d0: {  	[spmem:s11], [sflag:s8] =	dma.local [hbm:s9], $0x100  }
0x2d1: {  	s9 =	sld [smem:$0x7C8];
	_ =	sdelay $0x2  }
0x2d2: {  	[spmem:s12], [sflag:s8] =	dma.local [hbm:s9], $0x100  }
0x2d3: {  	s9 =	sld [smem:$0x7CA];
	_ =	sdelay $0x2  }
0x2d4: {  	[spmem:s13], [sflag:s8] =	dma.local [hbm:s9], $0x100  }
0x2d5: {  	s9 =	sld [smem:$0x7CB];
	_ =	sdelay $0x2  }
0x2d6: {  	[spmem:s14], [sflag:s8] =	dma.local [hbm:s9], $0x100  }
.Ltmp7:
0x2d7: {  	s9 =	sld [smem:$0x7CC];
	(pc) =	sbr.rel @p0 .LBB2_13-.Ltmp7, $3  }
0x2d8: {  	_ =	sdelay $0x1  }
0x2d9: {  	[spmem:s16], [sflag:s8] =	dma.local [hbm:s9], $0x100  }
0x2da: {  	s21 =	sld [smem:$0x7AD]  }
0x2db: {  	s8 =	simm.s32 $0x1C00;
	s9 =	simm.s32 $0x10500  }
0x2dc: {  	[tilespmem:s9], [sflag:$0x3] =	stream.indirect.gather [spmem:s4], $0x80, s8, s26, $0xb8;
	[tilespmem:$0x1E500] =	vst v63  }
0x2dd: {  	_ =	swait.ge [sflag:s29], $0x7000  }
0x2de: {  	s13 =	sld [smem:$0x7EE]  }
0x2df: {  	[sflag:s29] =	ssyncset.done $0x0  }
0x2e0: {  	s10 =	simm.s32 $0x2500;
	[sflag:s29] =	ssyncadd.s32 $0xFFFF9000  }
0x2e1: {  	[hbm4b:s13+s5] =	stream.linear.scatter [tilespmem:s10], [sflag:$0x4], $0x7000, $0x38;
	[tilespmem:$0x1E500] =	vst v63  }
0x2e2: {  	_ =	swait.ge [sflag:s31], $0x7000  }
0x2e3: {  	[sflag:s31] =	ssyncset.done $0x0  }
0x2e4: {  	s14 =	simm.s32 $0x1CE0;
	[sflag:s31] =	ssyncadd.s32 $0xFFFF9000  }
0x2e5: {  	[tilespmem:s10], [sflag:$0x1] =	stream.indirect.gather [spmem:s4], $0x80, s14, s26, $0xb8;
	[tilespmem:$0x1E500] =	vst v63  }
0x2e6: {  	_ =	swait.ge [sflag:s2], $0x7000  }
0x2e7: {  	s15 =	sld [smem:$0x7EF]  }
0x2e8: {  	[sflag:s2] =	ssyncset.done $0x0  }
0x2e9: {  	s11 =	simm.s32 $0x9500;
	[sflag:s2] =	ssyncadd.s32 $0xFFFF9000  }
0x2ea: {  	[hbm4b:s15+s5] =	stream.linear.scatter [tilespmem:s11], [sflag:$0x5], $0x7000, $0x38;
	[tilespmem:$0x1E500] =	vst v63  }
0x2eb: {  	_ =	swait.ge [sflag:s0], $0x7000  }
0x2ec: {  	[sflag:s0] =	ssyncset.done $0x0  }
0x2ed: {  	s16 =	simm.s32 $0x1DC0;
	[sflag:s0] =	ssyncadd.s32 $0xFFFF9000  }
0x2ee: {  	[tilespmem:s11], [sflag:$0x2] =	stream.indirect.gather [spmem:s4], $0x80, s16, s26, $0xb8;
	[tilespmem:$0x1E500] =	vst v63  }
0x2ef: {  	_ =	swait.ge [sflag:s6], $0x7000  }
0x2f0: {  	s17 =	sld [smem:$0x7F1]  }
0x2f1: {  	[sflag:s6] =	ssyncset.done $0x0  }
0x2f2: {  	[sflag:s6] =	ssyncadd.s32 $0xFFFF9000  }
0x2f3: {  	[hbm4b:s17+s5] =	stream.linear.scatter [tilespmem:s9], [sflag:$0x6], $0x7000, $0x38;
	[tilespmem:$0x1E500] =	vst v63  }
0x2f4: {  	_ =	swait.ge [sflag:s7], $0x7000  }
0x2f5: {  	[sflag:s7] =	ssyncset.done $0x0  }
0x2f6: {  	s18 =	simm.s32 $0x1EA0;
	[sflag:s7] =	ssyncadd.s32 $0xFFFF9000  }
0x2f7: {  	[tilespmem:s9], [sflag:$0x3] =	stream.indirect.gather [spmem:s4], $0x80, s18, s26, $0xb8;
	[tilespmem:$0x1E500] =	vst v63  }
0x2f8: {  	_ =	swait.ge [sflag:s29], $0x7000  }
0x2f9: {  	s19 =	sld [smem:$0x7F2]  }
0x2fa: {  	[sflag:s29] =	ssyncset.done $0x0  }
0x2fb: {  	[sflag:s29] =	ssyncadd.s32 $0xFFFF9000  }
0x2fc: {  	[hbm4b:s19+s5] =	stream.linear.scatter [tilespmem:s10], [sflag:$0x4], $0x7000, $0x38;
	[tilespmem:$0x1E500] =	vst v63  }
0x2fd: {  	_ =	swait.ge [sflag:s31], $0x7000  }
0x2fe: {  	[sflag:s31] =	ssyncset.done $0x0  }
0x2ff: {  	s20 =	simm.s32 $0x1F80;
	[sflag:s31] =	ssyncadd.s32 $0xFFFF9000  }
0x300: {  	[tilespmem:s10], [sflag:$0x1] =	stream.indirect.gather [hbm4b:s1+s26], $0x80, s20, s26, $0xb8;
	[tilespmem:$0x1E500] =	vst v63  }
0x301: {  	_ =	swait.ge [sflag:s2], $0x7000  }
0x302: {  	s22 =	sld [smem:$0x7F4]  }
0x303: {  	[sflag:s2] =	ssyncset.done $0x0  }
0x304: {  	[sflag:s2] =	ssyncadd.s32 $0xFFFF9000  }
0x305: {  	[hbm4b:s22+s5] =	stream.linear.scatter [tilespmem:s11], [sflag:$0x5], $0x7000, $0x38;
	[tilespmem:$0x1E500] =	vst v63  }
0x306: {  	_ =	swait.ge [sflag:s0], $0x7000  }
0x307: {  	[sflag:s0] =	ssyncset.done $0x0  }
0x308: {  	s23 =	simm.s32 $0x2060;
	[sflag:s0] =	ssyncadd.s32 $0xFFFF9000  }
0x309: {  	[tilespmem:s11], [sflag:$0x2] =	stream.indirect.gather [hbm4b:s1+s26], $0x80, s23, s26, $0xb8;
	[tilespmem:$0x1E500] =	vst v63  }
0x30a: {  	_ =	swait.ge [sflag:s6], $0x7000  }
0x30b: {  	s24 =	sld [smem:$0x7F5]  }
0x30c: {  	[sflag:s6] =	ssyncset.done $0x0  }
.Ltmp8:
0x30d: {  	[sflag:s6] =	ssyncadd.s32 $0xFFFF9000;
	(pc) =	sbr.rel .LBB2_13-.Ltmp8, $4  }
0x30e: {  	[hbm4b:s24+s5] =	stream.linear.scatter [tilespmem:s9], [sflag:$0x6], $0x7000, $0x38;
	[tilespmem:$0x1E500] =	vst v63  }
0x30f: {  	_ =	swait.ge [sflag:s7], $0x7000  }
0x310: {  	[sflag:s7] =	ssyncset.done $0x0  }
0x311: {  	[sflag:s7] =	ssyncadd.s32 $0xFFFF9000  }
.LBB2_14:
0x312: {  	_ =	sfence.sel $0x180000  }
0x313: {  	[bflag:$0x0] =	sbarrier.arrive $0xFFFF  }
0x314: {  	_ =	strace $0x90000047  }
0x315: {  	s0 =	stileid.u32;
	[bflag:$0x2] =	sbarrier.arrive $0xFFFF  }
0x316: {  	p0 =	sne.s32 s0, $0x0;
	s0 =	rddreg [dreg:$0x5]  }
0x317: {  	s0 =	sadd.s32 @!p0 $0x100000, s0  }
0x318: {  	[sflag:s0] =	ssyncadd.tile.s32 @!p0 $0x1;
	_ =	shalt  }
.Lfunc_end2:
_tile_overlayer_lowered:
.L_overlay_start_2:
0x319: {  	(tag) =	ssettag $0x2  }
0x31a: {  	s0 =	rddreg [dreg:$0x0];
	s2 =	stileid.u32  }
0x31b: {  	s1 =	rddreg [dreg:$0x1];
	p0 =	sne.s32 s2, $0x0  }
0x31c: {  	s3 =	rddreg [dreg:$0x2];
	[bflag:$0x3] =	sbarrier.arrive $0xFFFF;
	s2 =	simm.s32 @!p0 $0x1C08  }
0x31d: {  	[timem:s3], [sflag:s2] =	dma.local @!p0 [hbm:s0], s1  }
0x31e: {  	s0 =	simm.s32 @!p0 $0x8  }
0x31f: {  	_ =	swait.ge @!p0 [sflag:s0], s1  }
0x320: {  	s1 =	ssub.s32 @!p0 $0x0, s1;
	[sflag:s0] =	ssyncset.done @!p0 $0x0  }
0x321: {  	[sflag:s0] =	ssyncadd.s32 @!p0 s1  }
0x322: {  	[bflag:$0x3] =	sbarrier.arrive $0xFFFF  }
0x323: {  	_ =	shalt  }

</sc_bundles>
